<compile_context>
chip_gen: v7x
topology: tpu7x:2x2x1
jax: 0.10.2.dev20260603
libtpu: 0.0.44.dev20260713+nightly
codegen_flags: <defaults>
</compile_context>

<pallas_src>
import functools

import jax
import jax.numpy as jnp
from jax import lax
from jax.experimental import pallas as pl
from jax.experimental.pallas import tpu as pltpu
from jax.experimental.pallas import tpu_sc as plsc

EMB_DIM = 128
CHARS = 10
NPOS = 10
L = 16
NC, NS = 2, 16
NW = NC * NS
GC = 80
NBUF = 4
NCOL = EMB_DIM // L


def _tc_combine(wt_ref, pt_ref, out_ref):
    wt = wt_ref[...]
    pt = pt_ref[...]
    out_ref[...] = wt[:, None, :] + pt[None, :, :]


def _sc_body(W, cidx_hbm, ct_hbm, out_hbm,
             cidx_buf, recip_buf, acc0, acc1, acc2, acc3,
             gsem0, gsem1, gsem2, gsem3, osem0, osem1, osem2, osem3, ssem):
    wid = lax.axis_index("s") * NC + lax.axis_index("c")
    wpw = W // NW
    wbase = wid * wpw
    acc = (acc0, acc1, acc2, acc3)
    gsem = (gsem0, gsem1, gsem2, gsem3)
    osem = (osem0, osem1, osem2, osem3)
    nchunks = wpw // GC

    def stage_desc(r):
        return pltpu.make_async_copy(cidx_hbm.at[pl.ds(r * W + wbase, wpw)],
                                     cidx_buf.at[pl.ds(r * wpw, wpw)], ssem)

    def idx_slice(i, t):
        return cidx_buf.at[pl.ds(t * wpw + i * GC, GC)]

    def zero_acc(b):
        @pl.loop(0, GC)
        def zero_loop(g):
            for c in range(NCOL):
                acc[b][g, pl.ds(c * L, L)] = jnp.zeros((L,), jnp.float32)

    def fire(i, b):
        for t in range(CHARS):
            pltpu.async_copy(ct_hbm.at[idx_slice(i, t)], acc[b], gsem[b],
                             add=True)

    def prep_and_fire(i, b):
        zero_acc(b)
        fire(i, b)

    for r in range(CHARS):
        stage_desc(r).start()
    for b in range(NBUF - 1):
        zero_acc(b)
    for r in range(CHARS):
        stage_desc(r).wait()
    for k in range(NBUF - 1):
        fire(k, k)

    @pl.loop(0, wpw // L)
    def count_loop(j):
        cnt = None
        for c in range(CHARS):
            nz = jnp.where(cidx_buf[pl.ds(c * wpw + j * L, L)] >= NPOS,
                           1.0, 0.0)
            cnt = nz if cnt is None else cnt + nz
        recip_buf[pl.ds(j * L, L)] = 1.0 / cnt

    def drain_scale_out(i, b):
        for t in range(CHARS):
            pltpu.make_async_copy(ct_hbm.at[idx_slice(i, t)], acc[b],
                                  gsem[b]).wait()

        @pl.loop(0, GC)
        def scale_loop(g):
            word = i * GC + g
            scale = plsc.load_gather(
                recip_buf, [jnp.broadcast_to(word, (L,)).astype(jnp.int32)])
            for c in range(NCOL):
                sl = pl.ds(c * L, L)
                acc[b][g, sl] = acc[b][g, sl] * scale

        pltpu.async_copy(acc[b], out_hbm.at[pl.ds(wbase + i * GC, GC)],
                         osem[b])

    @pl.loop(0, nchunks, step=NBUF)
    def main_loop(i):
        for b in range(NBUF):
            c = i + b
            nslot = (b + NBUF - 1) % NBUF

            @pl.when(c + NBUF - 1 < nchunks)
            def _fire(c=c, nslot=nslot):
                @pl.when(c >= 1)
                def _wait_out(nslot=nslot):
                    pltpu.make_async_copy(
                        acc[nslot],
                        out_hbm.at[pl.ds(wbase, GC)],
                        osem[nslot]).wait()
                prep_and_fire(c + NBUF - 1, nslot)

            drain_scale_out(c, b)

    for b in range(NBUF):
        pltpu.make_async_copy(acc[b], out_hbm.at[pl.ds(wbase, GC)],
                              osem[b]).wait()


def kernel(token_ids, position_ids, word_table, pos_table):
    B, S, C = token_ids.shape
    W = B * S
    tok2d = token_ids.astype(jnp.int32).reshape(W, C)
    pos2d = position_ids.astype(jnp.int32).reshape(W, C)
    cidx = (tok2d * NPOS + pos2d).T.reshape(W * C)

    nv = word_table.shape[0]
    combined = pl.pallas_call(
        _tc_combine,
        out_shape=jax.ShapeDtypeStruct((nv, NPOS, EMB_DIM), jnp.float32),
    )(word_table.astype(jnp.float32), pos_table.astype(jnp.float32))
    combined = combined.reshape(nv * NPOS, EMB_DIM)

    mesh = plsc.VectorSubcoreMesh(core_axis_name="c", subcore_axis_name="s",
                                  num_cores=NC, num_subcores=NS)
    out = pl.kernel(
        functools.partial(_sc_body, W),
        out_type=jax.ShapeDtypeStruct((W, EMB_DIM), jnp.float32),
        mesh=mesh,
        compiler_params=pltpu.CompilerParams(needs_layout_passes=False),
        scratch_types=[
            pltpu.VMEM((CHARS * (W // NW),), jnp.int32),
            pltpu.VMEM((W // NW,), jnp.float32),
            pltpu.VMEM((GC, EMB_DIM), jnp.float32),
            pltpu.VMEM((GC, EMB_DIM), jnp.float32),
            pltpu.VMEM((GC, EMB_DIM), jnp.float32),
            pltpu.VMEM((GC, EMB_DIM), jnp.float32),
            pltpu.SemaphoreType.DMA,
            pltpu.SemaphoreType.DMA,
            pltpu.SemaphoreType.DMA,
            pltpu.SemaphoreType.DMA,
            pltpu.SemaphoreType.DMA,
            pltpu.SemaphoreType.DMA,
            pltpu.SemaphoreType.DMA,
            pltpu.SemaphoreType.DMA,
            pltpu.SemaphoreType.DMA,
        ],
    )(cidx, combined)
    return out.reshape(B, S, EMB_DIM)

# --- scband reference (transcript-rebuilt; emitter-appended) ---
"""Pipeline reference for scband-positional-character-level-word-embedding-31868657336783 (READ-ONLY COPY).

The authoritative reference and input builder live on the scoring server;
editing this copy changes nothing except your own understanding.
"""

import jax, jax.numpy as jnp
import numpy as np

NUM_EMB = 1000
EMB_DIM = 128
MAX_POS = 10
PAD_IDX = 0


def setup_inputs(seed: int = 0) -> dict:
    key = jax.random.key(seed)
    k1, k2, k3, k4 = jax.random.split(key, 4)
    token_ids = jax.random.randint(k1, (1024, 50, 10), 0, NUM_EMB, dtype=jnp.int64 if jax.config.read('jax_enable_x64') else jnp.int32)
    position_ids = jax.random.randint(k2, (1024, 50, 10), 0, MAX_POS, dtype=token_ids.dtype)
    word_table = jax.random.normal(k3, (NUM_EMB, EMB_DIM), dtype=jnp.float32) * 0.02
    word_table = word_table.at[PAD_IDX].set(0.0)  # padding_idx row is zero
    pos_table = jax.random.normal(k4, (MAX_POS, EMB_DIM), dtype=jnp.float32) * 0.02
    pos_table = pos_table.at[PAD_IDX].set(0.0)  # padding_idx row is zero
    return {"token_ids": token_ids, "position_ids": position_ids, "word_table": word_table, "pos_table": pos_table}


def reference(token_ids, position_ids, word_table, pos_table):
    # word_embedding(token_ids) + pos_embedding(position_ids)
    word_vecs = jnp.take(word_table, token_ids, axis=0) + jnp.take(pos_table, position_ids, axis=0)
    # mode == 'mean'
    divider = jnp.sum(token_ids != 0, axis=-1, keepdims=True)
    word_vecs = jnp.sum(word_vecs, axis=2)
    word_vecs = word_vecs / divider
    return word_vecs

if __name__ == "__main__":
    import jax
    _d = setup_inputs()
    print(jax.jit(kernel)(*tuple(_d.values())))

</pallas_src>

<mosaic_0001>
#map = affine_map<(d0, d1) -> (0)>
#map1 = affine_map<(d0, d1) -> (0, 0)>
module attributes {stable_mosaic.version = 14 : i64} {
  func.func @_sc_body(%arg0: i32, %arg1: i32, %arg2: memref<512000xi32, #tpu.memory_space<hbm>>, %arg3: memref<10000x128xf32, #tpu.memory_space<hbm>>, %arg4: memref<51200x128xf32, #tpu.memory_space<hbm>>, %arg5: memref<16000xi32, #tpu.memory_space<vmem>>, %arg6: memref<1600xf32, #tpu.memory_space<vmem>>, %arg7: memref<80x128xf32, #tpu.memory_space<vmem>>, %arg8: memref<80x128xf32, #tpu.memory_space<vmem>>, %arg9: memref<80x128xf32, #tpu.memory_space<vmem>>, %arg10: memref<80x128xf32, #tpu.memory_space<vmem>>, %arg11: memref<!tpu.dma_semaphore, #tpu.memory_space<semaphore_mem>>, %arg12: memref<!tpu.dma_semaphore, #tpu.memory_space<semaphore_mem>>, %arg13: memref<!tpu.dma_semaphore, #tpu.memory_space<semaphore_mem>>, %arg14: memref<!tpu.dma_semaphore, #tpu.memory_space<semaphore_mem>>, %arg15: memref<!tpu.dma_semaphore, #tpu.memory_space<semaphore_mem>>, %arg16: memref<!tpu.dma_semaphore, #tpu.memory_space<semaphore_mem>>, %arg17: memref<!tpu.dma_semaphore, #tpu.memory_space<semaphore_mem>>, %arg18: memref<!tpu.dma_semaphore, #tpu.memory_space<semaphore_mem>>, %arg19: memref<!tpu.dma_semaphore, #tpu.memory_space<semaphore_mem>>) attributes {dimension_semantics = [#tpu.dimension_semantics<core_parallel>, #tpu.dimension_semantics<subcore_parallel>], iteration_bounds = array<i64: 2, 16>, scalar_prefetch = 0 : i64, scratch_operands = 15 : i64, tpu.core_type = #tpu.core_type<sc_vector_subcore>, window_params = [{transform_indices = #map}, {transform_indices = #map1}, {transform_indices = #map1}]} {
    %mul3A = arith.constant 2 : i32
    %mul3A_0 = arith.muli %arg1, %mul3A : i32
    %add3A = arith.addi %mul3A_0, %arg0 : i32
    %mul3A_1 = arith.constant 1600 : i32
    %mul3A_2 = arith.muli %add3A, %mul3A_1 : i32
    %add3A_3 = arith.constant 0 : i32
    %add3A_4 = arith.addi %add3A_3, %mul3A_2 : i32
    %dma_start3A = arith.constant 0 : i32
    %dma_start3A_5 = tpu.memref_slice %arg5[%dma_start3A] : memref<16000xi32, #tpu.memory_space<vmem>> -> memref<1600xi32, #tpu.memory_space<vmem>>
    %dma_start3A_6 = tpu.memref_slice %arg2[%add3A_4] : memref<512000xi32, #tpu.memory_space<hbm>> -> memref<1600xi32, #tpu.memory_space<hbm>>
    %dma_start3A_7 = arith.constant 0 : i32
    %dma_start3A_8 = tpu.memref_slice %arg5[%dma_start3A_7] : memref<16000xi32, #tpu.memory_space<vmem>> -> memref<1600xi32, #tpu.memory_space<vmem>>
    %dma_start3A_9 = tpu.memref_slice %arg2[%add3A_4] : memref<512000xi32, #tpu.memory_space<hbm>> -> memref<1600xi32, #tpu.memory_space<hbm>>
    tpu.enqueue_dma source(%dma_start3A_9 : memref<1600xi32, #tpu.memory_space<hbm>>) target(%dma_start3A_8 : memref<1600xi32, #tpu.memory_space<vmem>>) target_semaphore(%arg19 : memref<!tpu.dma_semaphore, #tpu.memory_space<semaphore_mem>>)
    %add3A_10 = arith.constant 51200 : i32
    %add3A_11 = arith.addi %add3A_10, %mul3A_2 : i32
    %dma_start3A_12 = arith.constant 1600 : i32
    %dma_start3A_13 = tpu.memref_slice %arg5[%dma_start3A_12] : memref<16000xi32, #tpu.memory_space<vmem>> -> memref<1600xi32, #tpu.memory_space<vmem>>
    %dma_start3A_14 = tpu.memref_slice %arg2[%add3A_11] : memref<512000xi32, #tpu.memory_space<hbm>> -> memref<1600xi32, #tpu.memory_space<hbm>>
    %dma_start3A_15 = arith.constant 1600 : i32
    %dma_start3A_16 = tpu.memref_slice %arg5[%dma_start3A_15] : memref<16000xi32, #tpu.memory_space<vmem>> -> memref<1600xi32, #tpu.memory_space<vmem>>
    %dma_start3A_17 = tpu.memref_slice %arg2[%add3A_11] : memref<512000xi32, #tpu.memory_space<hbm>> -> memref<1600xi32, #tpu.memory_space<hbm>>
    tpu.enqueue_dma source(%dma_start3A_17 : memref<1600xi32, #tpu.memory_space<hbm>>) target(%dma_start3A_16 : memref<1600xi32, #tpu.memory_space<vmem>>) target_semaphore(%arg19 : memref<!tpu.dma_semaphore, #tpu.memory_space<semaphore_mem>>)
    %add3A_18 = arith.constant 102400 : i32
    %add3A_19 = arith.addi %add3A_18, %mul3A_2 : i32
    %dma_start3A_20 = arith.constant 3200 : i32
    %dma_start3A_21 = tpu.memref_slice %arg5[%dma_start3A_20] : memref<16000xi32, #tpu.memory_space<vmem>> -> memref<1600xi32, #tpu.memory_space<vmem>>
    %dma_start3A_22 = tpu.memref_slice %arg2[%add3A_19] : memref<512000xi32, #tpu.memory_space<hbm>> -> memref<1600xi32, #tpu.memory_space<hbm>>
    %dma_start3A_23 = arith.constant 3200 : i32
    %dma_start3A_24 = tpu.memref_slice %arg5[%dma_start3A_23] : memref<16000xi32, #tpu.memory_space<vmem>> -> memref<1600xi32, #tpu.memory_space<vmem>>
    %dma_start3A_25 = tpu.memref_slice %arg2[%add3A_19] : memref<512000xi32, #tpu.memory_space<hbm>> -> memref<1600xi32, #tpu.memory_space<hbm>>
    tpu.enqueue_dma source(%dma_start3A_25 : memref<1600xi32, #tpu.memory_space<hbm>>) target(%dma_start3A_24 : memref<1600xi32, #tpu.memory_space<vmem>>) target_semaphore(%arg19 : memref<!tpu.dma_semaphore, #tpu.memory_space<semaphore_mem>>)
    %add3A_26 = arith.constant 153600 : i32
    %add3A_27 = arith.addi %add3A_26, %mul3A_2 : i32
    %dma_start3A_28 = arith.constant 4800 : i32
    %dma_start3A_29 = tpu.memref_slice %arg5[%dma_start3A_28] : memref<16000xi32, #tpu.memory_space<vmem>> -> memref<1600xi32, #tpu.memory_space<vmem>>
    %dma_start3A_30 = tpu.memref_slice %arg2[%add3A_27] : memref<512000xi32, #tpu.memory_space<hbm>> -> memref<1600xi32, #tpu.memory_space<hbm>>
    %dma_start3A_31 = arith.constant 4800 : i32
    %dma_start3A_32 = tpu.memref_slice %arg5[%dma_start3A_31] : memref<16000xi32, #tpu.memory_space<vmem>> -> memref<1600xi32, #tpu.memory_space<vmem>>
    %dma_start3A_33 = tpu.memref_slice %arg2[%add3A_27] : memref<512000xi32, #tpu.memory_space<hbm>> -> memref<1600xi32, #tpu.memory_space<hbm>>
    tpu.enqueue_dma source(%dma_start3A_33 : memref<1600xi32, #tpu.memory_space<hbm>>) target(%dma_start3A_32 : memref<1600xi32, #tpu.memory_space<vmem>>) target_semaphore(%arg19 : memref<!tpu.dma_semaphore, #tpu.memory_space<semaphore_mem>>)
    %add3A_34 = arith.constant 204800 : i32
    %add3A_35 = arith.addi %add3A_34, %mul3A_2 : i32
    %dma_start3A_36 = arith.constant 6400 : i32
    %dma_start3A_37 = tpu.memref_slice %arg5[%dma_start3A_36] : memref<16000xi32, #tpu.memory_space<vmem>> -> memref<1600xi32, #tpu.memory_space<vmem>>
    %dma_start3A_38 = tpu.memref_slice %arg2[%add3A_35] : memref<512000xi32, #tpu.memory_space<hbm>> -> memref<1600xi32, #tpu.memory_space<hbm>>
    %dma_start3A_39 = arith.constant 6400 : i32
    %dma_start3A_40 = tpu.memref_slice %arg5[%dma_start3A_39] : memref<16000xi32, #tpu.memory_space<vmem>> -> memref<1600xi32, #tpu.memory_space<vmem>>
    %dma_start3A_41 = tpu.memref_slice %arg2[%add3A_35] : memref<512000xi32, #tpu.memory_space<hbm>> -> memref<1600xi32, #tpu.memory_space<hbm>>
    tpu.enqueue_dma source(%dma_start3A_41 : memref<1600xi32, #tpu.memory_space<hbm>>) target(%dma_start3A_40 : memref<1600xi32, #tpu.memory_space<vmem>>) target_semaphore(%arg19 : memref<!tpu.dma_semaphore, #tpu.memory_space<semaphore_mem>>)
    %add3A_42 = arith.constant 256000 : i32
    %add3A_43 = arith.addi %add3A_42, %mul3A_2 : i32
    %dma_start3A_44 = arith.constant 8000 : i32
    %dma_start3A_45 = tpu.memref_slice %arg5[%dma_start3A_44] : memref<16000xi32, #tpu.memory_space<vmem>> -> memref<1600xi32, #tpu.memory_space<vmem>>
    %dma_start3A_46 = tpu.memref_slice %arg2[%add3A_43] : memref<512000xi32, #tpu.memory_space<hbm>> -> memref<1600xi32, #tpu.memory_space<hbm>>
    %dma_start3A_47 = arith.constant 8000 : i32
    %dma_start3A_48 = tpu.memref_slice %arg5[%dma_start3A_47] : memref<16000xi32, #tpu.memory_space<vmem>> -> memref<1600xi32, #tpu.memory_space<vmem>>
    %dma_start3A_49 = tpu.memref_slice %arg2[%add3A_43] : memref<512000xi32, #tpu.memory_space<hbm>> -> memref<1600xi32, #tpu.memory_space<hbm>>
    tpu.enqueue_dma source(%dma_start3A_49 : memref<1600xi32, #tpu.memory_space<hbm>>) target(%dma_start3A_48 : memref<1600xi32, #tpu.memory_space<vmem>>) target_semaphore(%arg19 : memref<!tpu.dma_semaphore, #tpu.memory_space<semaphore_mem>>)
    %add3A_50 = arith.constant 307200 : i32
    %add3A_51 = arith.addi %add3A_50, %mul3A_2 : i32
    %dma_start3A_52 = arith.constant 9600 : i32
    %dma_start3A_53 = tpu.memref_slice %arg5[%dma_start3A_52] : memref<16000xi32, #tpu.memory_space<vmem>> -> memref<1600xi32, #tpu.memory_space<vmem>>
    %dma_start3A_54 = tpu.memref_slice %arg2[%add3A_51] : memref<512000xi32, #tpu.memory_space<hbm>> -> memref<1600xi32, #tpu.memory_space<hbm>>
    %dma_start3A_55 = arith.constant 9600 : i32
    %dma_start3A_56 = tpu.memref_slice %arg5[%dma_start3A_55] : memref<16000xi32, #tpu.memory_space<vmem>> -> memref<1600xi32, #tpu.memory_space<vmem>>
    %dma_start3A_57 = tpu.memref_slice %arg2[%add3A_51] : memref<512000xi32, #tpu.memory_space<hbm>> -> memref<1600xi32, #tpu.memory_space<hbm>>
    tpu.enqueue_dma source(%dma_start3A_57 : memref<1600xi32, #tpu.memory_space<hbm>>) target(%dma_start3A_56 : memref<1600xi32, #tpu.memory_space<vmem>>) target_semaphore(%arg19 : memref<!tpu.dma_semaphore, #tpu.memory_space<semaphore_mem>>)
    %add3A_58 = arith.constant 358400 : i32
    %add3A_59 = arith.addi %add3A_58, %mul3A_2 : i32
    %dma_start3A_60 = arith.constant 11200 : i32
    %dma_start3A_61 = tpu.memref_slice %arg5[%dma_start3A_60] : memref<16000xi32, #tpu.memory_space<vmem>> -> memref<1600xi32, #tpu.memory_space<vmem>>
    %dma_start3A_62 = tpu.memref_slice %arg2[%add3A_59] : memref<512000xi32, #tpu.memory_space<hbm>> -> memref<1600xi32, #tpu.memory_space<hbm>>
    %dma_start3A_63 = arith.constant 11200 : i32
    %dma_start3A_64 = tpu.memref_slice %arg5[%dma_start3A_63] : memref<16000xi32, #tpu.memory_space<vmem>> -> memref<1600xi32, #tpu.memory_space<vmem>>
    %dma_start3A_65 = tpu.memref_slice %arg2[%add3A_59] : memref<512000xi32, #tpu.memory_space<hbm>> -> memref<1600xi32, #tpu.memory_space<hbm>>
    tpu.enqueue_dma source(%dma_start3A_65 : memref<1600xi32, #tpu.memory_space<hbm>>) target(%dma_start3A_64 : memref<1600xi32, #tpu.memory_space<vmem>>) target_semaphore(%arg19 : memref<!tpu.dma_semaphore, #tpu.memory_space<semaphore_mem>>)
    %add3A_66 = arith.constant 409600 : i32
    %add3A_67 = arith.addi %add3A_66, %mul3A_2 : i32
    %dma_start3A_68 = arith.constant 12800 : i32
    %dma_start3A_69 = tpu.memref_slice %arg5[%dma_start3A_68] : memref<16000xi32, #tpu.memory_space<vmem>> -> memref<1600xi32, #tpu.memory_space<vmem>>
    %dma_start3A_70 = tpu.memref_slice %arg2[%add3A_67] : memref<512000xi32, #tpu.memory_space<hbm>> -> memref<1600xi32, #tpu.memory_space<hbm>>
    %dma_start3A_71 = arith.constant 12800 : i32
    %dma_start3A_72 = tpu.memref_slice %arg5[%dma_start3A_71] : memref<16000xi32, #tpu.memory_space<vmem>> -> memref<1600xi32, #tpu.memory_space<vmem>>
    %dma_start3A_73 = tpu.memref_slice %arg2[%add3A_67] : memref<512000xi32, #tpu.memory_space<hbm>> -> memref<1600xi32, #tpu.memory_space<hbm>>
    tpu.enqueue_dma source(%dma_start3A_73 : memref<1600xi32, #tpu.memory_space<hbm>>) target(%dma_start3A_72 : memref<1600xi32, #tpu.memory_space<vmem>>) target_semaphore(%arg19 : memref<!tpu.dma_semaphore, #tpu.memory_space<semaphore_mem>>)
    %add3A_74 = arith.constant 460800 : i32
    %add3A_75 = arith.addi %add3A_74, %mul3A_2 : i32
    %dma_start3A_76 = arith.constant 14400 : i32
    %dma_start3A_77 = tpu.memref_slice %arg5[%dma_start3A_76] : memref<16000xi32, #tpu.memory_space<vmem>> -> memref<1600xi32, #tpu.memory_space<vmem>>
    %dma_start3A_78 = tpu.memref_slice %arg2[%add3A_75] : memref<512000xi32, #tpu.memory_space<hbm>> -> memref<1600xi32, #tpu.memory_space<hbm>>
    %dma_start3A_79 = arith.constant 14400 : i32
    %dma_start3A_80 = tpu.memref_slice %arg5[%dma_start3A_79] : memref<16000xi32, #tpu.memory_space<vmem>> -> memref<1600xi32, #tpu.memory_space<vmem>>
    %dma_start3A_81 = tpu.memref_slice %arg2[%add3A_75] : memref<512000xi32, #tpu.memory_space<hbm>> -> memref<1600xi32, #tpu.memory_space<hbm>>
    tpu.enqueue_dma source(%dma_start3A_81 : memref<1600xi32, #tpu.memory_space<hbm>>) target(%dma_start3A_80 : memref<1600xi32, #tpu.memory_space<vmem>>) target_semaphore(%arg19 : memref<!tpu.dma_semaphore, #tpu.memory_space<semaphore_mem>>)
    %scan3A = arith.constant 0 : i32
    %scan3A_82 = arith.constant 80 : i32
    %scan3A_83 = arith.addi %scan3A, %scan3A_82 : i32
    %scan3A_84 = arith.constant 1 : i32
    scf.for %scan3A_351 = %scan3A to %scan3A_83 step %scan3A_84  : i32 {
      %mul3A_352 = arith.constant 1 : i32
      %mul3A_353 = arith.muli %scan3A_351, %mul3A_352 : i32
      %add3A_354 = arith.constant 0 : i32
      %add3A_355 = arith.addi %add3A_354, %mul3A_353 : i32
      %broadcast_in_dim3A = arith.constant 0.000000e+00 : f32
      %broadcast_in_dim3A_356 = vector.broadcast %broadcast_in_dim3A : f32 to vector<16xf32>
      %swap3A = arith.index_cast %add3A_355 : i32 to index
      %swap3A_357 = arith.constant 0 : index
      %swap3A_358 = tpu.vector_load %arg7[%swap3A, %swap3A_357] {strides = array<i32>} : memref<80x128xf32, #tpu.memory_space<vmem>>, vector<16xf32>,
      tpu.vector_store %arg7[%swap3A, %swap3A_357], %broadcast_in_dim3A_356 {strides = array<i32>} : memref<80x128xf32, #tpu.memory_space<vmem>>, vector<16xf32>,
      %broadcast_in_dim3A_359 = arith.constant 0.000000e+00 : f32
      %broadcast_in_dim3A_360 = vector.broadcast %broadcast_in_dim3A_359 : f32 to vector<16xf32>
      %swap3A_361 = arith.index_cast %add3A_355 : i32 to index
      %swap3A_362 = arith.constant 16 : index
      %swap3A_363 = tpu.vector_load %arg7[%swap3A_361, %swap3A_362] {strides = array<i32>} : memref<80x128xf32, #tpu.memory_space<vmem>>, vector<16xf32>,
      tpu.vector_store %arg7[%swap3A_361, %swap3A_362], %broadcast_in_dim3A_360 {strides = array<i32>} : memref<80x128xf32, #tpu.memory_space<vmem>>, vector<16xf32>,
      %broadcast_in_dim3A_364 = arith.constant 0.000000e+00 : f32
      %broadcast_in_dim3A_365 = vector.broadcast %broadcast_in_dim3A_364 : f32 to vector<16xf32>
      %swap3A_366 = arith.index_cast %add3A_355 : i32 to index
      %swap3A_367 = arith.constant 32 : index
      %swap3A_368 = tpu.vector_load %arg7[%swap3A_366, %swap3A_367] {strides = array<i32>} : memref<80x128xf32, #tpu.memory_space<vmem>>, vector<16xf32>,
      tpu.vector_store %arg7[%swap3A_366, %swap3A_367], %broadcast_in_dim3A_365 {strides = array<i32>} : memref<80x128xf32, #tpu.memory_space<vmem>>, vector<16xf32>,
      %broadcast_in_dim3A_369 = arith.constant 0.000000e+00 : f32
      %broadcast_in_dim3A_370 = vector.broadcast %broadcast_in_dim3A_369 : f32 to vector<16xf32>
      %swap3A_371 = arith.index_cast %add3A_355 : i32 to index
      %swap3A_372 = arith.constant 48 : index
      %swap3A_373 = tpu.vector_load %arg7[%swap3A_371, %swap3A_372] {strides = array<i32>} : memref<80x128xf32, #tpu.memory_space<vmem>>, vector<16xf32>,
      tpu.vector_store %arg7[%swap3A_371, %swap3A_372], %broadcast_in_dim3A_370 {strides = array<i32>} : memref<80x128xf32, #tpu.memory_space<vmem>>, vector<16xf32>,
      %broadcast_in_dim3A_374 = arith.constant 0.000000e+00 : f32
      %broadcast_in_dim3A_375 = vector.broadcast %broadcast_in_dim3A_374 : f32 to vector<16xf32>
      %swap3A_376 = arith.index_cast %add3A_355 : i32 to index
      %swap3A_377 = arith.constant 64 : index
      %swap3A_378 = tpu.vector_load %arg7[%swap3A_376, %swap3A_377] {strides = array<i32>} : memref<80x128xf32, #tpu.memory_space<vmem>>, vector<16xf32>,
      tpu.vector_store %arg7[%swap3A_376, %swap3A_377], %broadcast_in_dim3A_375 {strides = array<i32>} : memref<80x128xf32, #tpu.memory_space<vmem>>, vector<16xf32>,
      %broadcast_in_dim3A_379 = arith.constant 0.000000e+00 : f32
      %broadcast_in_dim3A_380 = vector.broadcast %broadcast_in_dim3A_379 : f32 to vector<16xf32>
      %swap3A_381 = arith.index_cast %add3A_355 : i32 to index
      %swap3A_382 = arith.constant 80 : index
      %swap3A_383 = tpu.vector_load %arg7[%swap3A_381, %swap3A_382] {strides = array<i32>} : memref<80x128xf32, #tpu.memory_space<vmem>>, vector<16xf32>,
      tpu.vector_store %arg7[%swap3A_381, %swap3A_382], %broadcast_in_dim3A_380 {strides = array<i32>} : memref<80x128xf32, #tpu.memory_space<vmem>>, vector<16xf32>,
      %broadcast_in_dim3A_384 = arith.constant 0.000000e+00 : f32
      %broadcast_in_dim3A_385 = vector.broadcast %broadcast_in_dim3A_384 : f32 to vector<16xf32>
      %swap3A_386 = arith.index_cast %add3A_355 : i32 to index
      %swap3A_387 = arith.constant 96 : index
      %swap3A_388 = tpu.vector_load %arg7[%swap3A_386, %swap3A_387] {strides = array<i32>} : memref<80x128xf32, #tpu.memory_space<vmem>>, vector<16xf32>,
      tpu.vector_store %arg7[%swap3A_386, %swap3A_387], %broadcast_in_dim3A_385 {strides = array<i32>} : memref<80x128xf32, #tpu.memory_space<vmem>>, vector<16xf32>,
      %broadcast_in_dim3A_389 = arith.constant 0.000000e+00 : f32
      %broadcast_in_dim3A_390 = vector.broadcast %broadcast_in_dim3A_389 : f32 to vector<16xf32>
      %swap3A_391 = arith.index_cast %add3A_355 : i32 to index
      %swap3A_392 = arith.constant 112 : index
      %swap3A_393 = tpu.vector_load %arg7[%swap3A_391, %swap3A_392] {strides = array<i32>} : memref<80x128xf32, #tpu.memory_space<vmem>>, vector<16xf32>,
      tpu.vector_store %arg7[%swap3A_391, %swap3A_392], %broadcast_in_dim3A_390 {strides = array<i32>} : memref<80x128xf32, #tpu.memory_space<vmem>>, vector<16xf32>,
    }
    %scan3A_85 = arith.constant 80 : i32
    %scan3A_86 = arith.constant 0 : i32
    %scan3A_87 = arith.constant 80 : i32
    %scan3A_88 = arith.addi %scan3A_86, %scan3A_87 : i32
    %scan3A_89 = arith.constant 1 : i32
    scf.for %scan3A_351 = %scan3A_86 to %scan3A_88 step %scan3A_89  : i32 {
      %mul3A_352 = arith.constant 1 : i32
      %mul3A_353 = arith.muli %scan3A_351, %mul3A_352 : i32
      %add3A_354 = arith.constant 0 : i32
      %add3A_355 = arith.addi %add3A_354, %mul3A_353 : i32
      %broadcast_in_dim3A = arith.constant 0.000000e+00 : f32
      %broadcast_in_dim3A_356 = vector.broadcast %broadcast_in_dim3A : f32 to vector<16xf32>
      %swap3A = arith.index_cast %add3A_355 : i32 to index
      %swap3A_357 = arith.constant 0 : index
      %swap3A_358 = tpu.vector_load %arg8[%swap3A, %swap3A_357] {strides = array<i32>} : memref<80x128xf32, #tpu.memory_space<vmem>>, vector<16xf32>,
      tpu.vector_store %arg8[%swap3A, %swap3A_357], %broadcast_in_dim3A_356 {strides = array<i32>} : memref<80x128xf32, #tpu.memory_space<vmem>>, vector<16xf32>,
      %broadcast_in_dim3A_359 = arith.constant 0.000000e+00 : f32
      %broadcast_in_dim3A_360 = vector.broadcast %broadcast_in_dim3A_359 : f32 to vector<16xf32>
      %swap3A_361 = arith.index_cast %add3A_355 : i32 to index
      %swap3A_362 = arith.constant 16 : index
      %swap3A_363 = tpu.vector_load %arg8[%swap3A_361, %swap3A_362] {strides = array<i32>} : memref<80x128xf32, #tpu.memory_space<vmem>>, vector<16xf32>,
      tpu.vector_store %arg8[%swap3A_361, %swap3A_362], %broadcast_in_dim3A_360 {strides = array<i32>} : memref<80x128xf32, #tpu.memory_space<vmem>>, vector<16xf32>,
      %broadcast_in_dim3A_364 = arith.constant 0.000000e+00 : f32
      %broadcast_in_dim3A_365 = vector.broadcast %broadcast_in_dim3A_364 : f32 to vector<16xf32>
      %swap3A_366 = arith.index_cast %add3A_355 : i32 to index
      %swap3A_367 = arith.constant 32 : index
      %swap3A_368 = tpu.vector_load %arg8[%swap3A_366, %swap3A_367] {strides = array<i32>} : memref<80x128xf32, #tpu.memory_space<vmem>>, vector<16xf32>,
      tpu.vector_store %arg8[%swap3A_366, %swap3A_367], %broadcast_in_dim3A_365 {strides = array<i32>} : memref<80x128xf32, #tpu.memory_space<vmem>>, vector<16xf32>,
      %broadcast_in_dim3A_369 = arith.constant 0.000000e+00 : f32
      %broadcast_in_dim3A_370 = vector.broadcast %broadcast_in_dim3A_369 : f32 to vector<16xf32>
      %swap3A_371 = arith.index_cast %add3A_355 : i32 to index
      %swap3A_372 = arith.constant 48 : index
      %swap3A_373 = tpu.vector_load %arg8[%swap3A_371, %swap3A_372] {strides = array<i32>} : memref<80x128xf32, #tpu.memory_space<vmem>>, vector<16xf32>,
      tpu.vector_store %arg8[%swap3A_371, %swap3A_372], %broadcast_in_dim3A_370 {strides = array<i32>} : memref<80x128xf32, #tpu.memory_space<vmem>>, vector<16xf32>,
      %broadcast_in_dim3A_374 = arith.constant 0.000000e+00 : f32
      %broadcast_in_dim3A_375 = vector.broadcast %broadcast_in_dim3A_374 : f32 to vector<16xf32>
      %swap3A_376 = arith.index_cast %add3A_355 : i32 to index
      %swap3A_377 = arith.constant 64 : index
      %swap3A_378 = tpu.vector_load %arg8[%swap3A_376, %swap3A_377] {strides = array<i32>} : memref<80x128xf32, #tpu.memory_space<vmem>>, vector<16xf32>,
      tpu.vector_store %arg8[%swap3A_376, %swap3A_377], %broadcast_in_dim3A_375 {strides = array<i32>} : memref<80x128xf32, #tpu.memory_space<vmem>>, vector<16xf32>,
      %broadcast_in_dim3A_379 = arith.constant 0.000000e+00 : f32
      %broadcast_in_dim3A_380 = vector.broadcast %broadcast_in_dim3A_379 : f32 to vector<16xf32>
      %swap3A_381 = arith.index_cast %add3A_355 : i32 to index
      %swap3A_382 = arith.constant 80 : index
      %swap3A_383 = tpu.vector_load %arg8[%swap3A_381, %swap3A_382] {strides = array<i32>} : memref<80x128xf32, #tpu.memory_space<vmem>>, vector<16xf32>,
      tpu.vector_store %arg8[%swap3A_381, %swap3A_382], %broadcast_in_dim3A_380 {strides = array<i32>} : memref<80x128xf32, #tpu.memory_space<vmem>>, vector<16xf32>,
      %broadcast_in_dim3A_384 = arith.constant 0.000000e+00 : f32
      %broadcast_in_dim3A_385 = vector.broadcast %broadcast_in_dim3A_384 : f32 to vector<16xf32>
      %swap3A_386 = arith.index_cast %add3A_355 : i32 to index
      %swap3A_387 = arith.constant 96 : index
      %swap3A_388 = tpu.vector_load %arg8[%swap3A_386, %swap3A_387] {strides = array<i32>} : memref<80x128xf32, #tpu.memory_space<vmem>>, vector<16xf32>,
      tpu.vector_store %arg8[%swap3A_386, %swap3A_387], %broadcast_in_dim3A_385 {strides = array<i32>} : memref<80x128xf32, #tpu.memory_space<vmem>>, vector<16xf32>,
      %broadcast_in_dim3A_389 = arith.constant 0.000000e+00 : f32
      %broadcast_in_dim3A_390 = vector.broadcast %broadcast_in_dim3A_389 : f32 to vector<16xf32>
      %swap3A_391 = arith.index_cast %add3A_355 : i32 to index
      %swap3A_392 = arith.constant 112 : index
      %swap3A_393 = tpu.vector_load %arg8[%swap3A_391, %swap3A_392] {strides = array<i32>} : memref<80x128xf32, #tpu.memory_space<vmem>>, vector<16xf32>,
      tpu.vector_store %arg8[%swap3A_391, %swap3A_392], %broadcast_in_dim3A_390 {strides = array<i32>} : memref<80x128xf32, #tpu.memory_space<vmem>>, vector<16xf32>,
    }
    %scan3A_90 = arith.constant 80 : i32
    %scan3A_91 = arith.constant 0 : i32
    %scan3A_92 = arith.constant 80 : i32
    %scan3A_93 = arith.addi %scan3A_91, %scan3A_92 : i32
    %scan3A_94 = arith.constant 1 : i32
    scf.for %scan3A_351 = %scan3A_91 to %scan3A_93 step %scan3A_94  : i32 {
      %mul3A_352 = arith.constant 1 : i32
      %mul3A_353 = arith.muli %scan3A_351, %mul3A_352 : i32
      %add3A_354 = arith.constant 0 : i32
      %add3A_355 = arith.addi %add3A_354, %mul3A_353 : i32
      %broadcast_in_dim3A = arith.constant 0.000000e+00 : f32
      %broadcast_in_dim3A_356 = vector.broadcast %broadcast_in_dim3A : f32 to vector<16xf32>
      %swap3A = arith.index_cast %add3A_355 : i32 to index
      %swap3A_357 = arith.constant 0 : index
      %swap3A_358 = tpu.vector_load %arg9[%swap3A, %swap3A_357] {strides = array<i32>} : memref<80x128xf32, #tpu.memory_space<vmem>>, vector<16xf32>,
      tpu.vector_store %arg9[%swap3A, %swap3A_357], %broadcast_in_dim3A_356 {strides = array<i32>} : memref<80x128xf32, #tpu.memory_space<vmem>>, vector<16xf32>,
      %broadcast_in_dim3A_359 = arith.constant 0.000000e+00 : f32
      %broadcast_in_dim3A_360 = vector.broadcast %broadcast_in_dim3A_359 : f32 to vector<16xf32>
      %swap3A_361 = arith.index_cast %add3A_355 : i32 to index
      %swap3A_362 = arith.constant 16 : index
      %swap3A_363 = tpu.vector_load %arg9[%swap3A_361, %swap3A_362] {strides = array<i32>} : memref<80x128xf32, #tpu.memory_space<vmem>>, vector<16xf32>,
      tpu.vector_store %arg9[%swap3A_361, %swap3A_362], %broadcast_in_dim3A_360 {strides = array<i32>} : memref<80x128xf32, #tpu.memory_space<vmem>>, vector<16xf32>,
      %broadcast_in_dim3A_364 = arith.constant 0.000000e+00 : f32
      %broadcast_in_dim3A_365 = vector.broadcast %broadcast_in_dim3A_364 : f32 to vector<16xf32>
      %swap3A_366 = arith.index_cast %add3A_355 : i32 to index
      %swap3A_367 = arith.constant 32 : index
      %swap3A_368 = tpu.vector_load %arg9[%swap3A_366, %swap3A_367] {strides = array<i32>} : memref<80x128xf32, #tpu.memory_space<vmem>>, vector<16xf32>,
      tpu.vector_store %arg9[%swap3A_366, %swap3A_367], %broadcast_in_dim3A_365 {strides = array<i32>} : memref<80x128xf32, #tpu.memory_space<vmem>>, vector<16xf32>,
      %broadcast_in_dim3A_369 = arith.constant 0.000000e+00 : f32
      %broadcast_in_dim3A_370 = vector.broadcast %broadcast_in_dim3A_369 : f32 to vector<16xf32>
      %swap3A_371 = arith.index_cast %add3A_355 : i32 to index
      %swap3A_372 = arith.constant 48 : index
      %swap3A_373 = tpu.vector_load %arg9[%swap3A_371, %swap3A_372] {strides = array<i32>} : memref<80x128xf32, #tpu.memory_space<vmem>>, vector<16xf32>,
      tpu.vector_store %arg9[%swap3A_371, %swap3A_372], %broadcast_in_dim3A_370 {strides = array<i32>} : memref<80x128xf32, #tpu.memory_space<vmem>>, vector<16xf32>,
      %broadcast_in_dim3A_374 = arith.constant 0.000000e+00 : f32
      %broadcast_in_dim3A_375 = vector.broadcast %broadcast_in_dim3A_374 : f32 to vector<16xf32>
      %swap3A_376 = arith.index_cast %add3A_355 : i32 to index
      %swap3A_377 = arith.constant 64 : index
      %swap3A_378 = tpu.vector_load %arg9[%swap3A_376, %swap3A_377] {strides = array<i32>} : memref<80x128xf32, #tpu.memory_space<vmem>>, vector<16xf32>,
      tpu.vector_store %arg9[%swap3A_376, %swap3A_377], %broadcast_in_dim3A_375 {strides = array<i32>} : memref<80x128xf32, #tpu.memory_space<vmem>>, vector<16xf32>,
      %broadcast_in_dim3A_379 = arith.constant 0.000000e+00 : f32
      %broadcast_in_dim3A_380 = vector.broadcast %broadcast_in_dim3A_379 : f32 to vector<16xf32>
      %swap3A_381 = arith.index_cast %add3A_355 : i32 to index
      %swap3A_382 = arith.constant 80 : index
      %swap3A_383 = tpu.vector_load %arg9[%swap3A_381, %swap3A_382] {strides = array<i32>} : memref<80x128xf32, #tpu.memory_space<vmem>>, vector<16xf32>,
      tpu.vector_store %arg9[%swap3A_381, %swap3A_382], %broadcast_in_dim3A_380 {strides = array<i32>} : memref<80x128xf32, #tpu.memory_space<vmem>>, vector<16xf32>,
      %broadcast_in_dim3A_384 = arith.constant 0.000000e+00 : f32
      %broadcast_in_dim3A_385 = vector.broadcast %broadcast_in_dim3A_384 : f32 to vector<16xf32>
      %swap3A_386 = arith.index_cast %add3A_355 : i32 to index
      %swap3A_387 = arith.constant 96 : index
      %swap3A_388 = tpu.vector_load %arg9[%swap3A_386, %swap3A_387] {strides = array<i32>} : memref<80x128xf32, #tpu.memory_space<vmem>>, vector<16xf32>,
      tpu.vector_store %arg9[%swap3A_386, %swap3A_387], %broadcast_in_dim3A_385 {strides = array<i32>} : memref<80x128xf32, #tpu.memory_space<vmem>>, vector<16xf32>,
      %broadcast_in_dim3A_389 = arith.constant 0.000000e+00 : f32
      %broadcast_in_dim3A_390 = vector.broadcast %broadcast_in_dim3A_389 : f32 to vector<16xf32>
      %swap3A_391 = arith.index_cast %add3A_355 : i32 to index
      %swap3A_392 = arith.constant 112 : index
      %swap3A_393 = tpu.vector_load %arg9[%swap3A_391, %swap3A_392] {strides = array<i32>} : memref<80x128xf32, #tpu.memory_space<vmem>>, vector<16xf32>,
      tpu.vector_store %arg9[%swap3A_391, %swap3A_392], %broadcast_in_dim3A_390 {strides = array<i32>} : memref<80x128xf32, #tpu.memory_space<vmem>>, vector<16xf32>,
    }
    %scan3A_95 = arith.constant 80 : i32
    %add3A_96 = arith.constant 0 : i32
    %add3A_97 = arith.addi %add3A_96, %mul3A_2 : i32
    %dma_wait3A = arith.constant 0 : i32
    %dma_wait3A_98 = tpu.memref_slice %arg5[%dma_wait3A] : memref<16000xi32, #tpu.memory_space<vmem>> -> memref<1600xi32, #tpu.memory_space<vmem>>
    %dma_wait3A_99 = tpu.memref_slice %arg2[%add3A_97] : memref<512000xi32, #tpu.memory_space<hbm>> -> memref<1600xi32, #tpu.memory_space<hbm>>
    %dma_wait3A_100 = arith.constant 0 : i32
    %dma_wait3A_101 = tpu.memref_slice %arg5[%dma_wait3A_100] : memref<16000xi32, #tpu.memory_space<vmem>> -> memref<1600xi32, #tpu.memory_space<vmem>>
    %dma_wait3A_102 = tpu.memref_slice %arg2[%add3A_97] : memref<512000xi32, #tpu.memory_space<hbm>> -> memref<1600xi32, #tpu.memory_space<hbm>>
    tpu.wait_dma2 semaphore(%arg19 : memref<!tpu.dma_semaphore, #tpu.memory_space<semaphore_mem>>) src(%dma_wait3A_102 : memref<1600xi32, #tpu.memory_space<hbm>>) dst(%dma_wait3A_101 : memref<1600xi32, #tpu.memory_space<vmem>>)
    %add3A_103 = arith.constant 51200 : i32
    %add3A_104 = arith.addi %add3A_103, %mul3A_2 : i32
    %dma_wait3A_105 = arith.constant 1600 : i32
    %dma_wait3A_106 = tpu.memref_slice %arg5[%dma_wait3A_105] : memref<16000xi32, #tpu.memory_space<vmem>> -> memref<1600xi32, #tpu.memory_space<vmem>>
    %dma_wait3A_107 = tpu.memref_slice %arg2[%add3A_104] : memref<512000xi32, #tpu.memory_space<hbm>> -> memref<1600xi32, #tpu.memory_space<hbm>>
    %dma_wait3A_108 = arith.constant 1600 : i32
    %dma_wait3A_109 = tpu.memref_slice %arg5[%dma_wait3A_108] : memref<16000xi32, #tpu.memory_space<vmem>> -> memref<1600xi32, #tpu.memory_space<vmem>>
    %dma_wait3A_110 = tpu.memref_slice %arg2[%add3A_104] : memref<512000xi32, #tpu.memory_space<hbm>> -> memref<1600xi32, #tpu.memory_space<hbm>>
    tpu.wait_dma2 semaphore(%arg19 : memref<!tpu.dma_semaphore, #tpu.memory_space<semaphore_mem>>) src(%dma_wait3A_110 : memref<1600xi32, #tpu.memory_space<hbm>>) dst(%dma_wait3A_109 : memref<1600xi32, #tpu.memory_space<vmem>>)
    %add3A_111 = arith.constant 102400 : i32
    %add3A_112 = arith.addi %add3A_111, %mul3A_2 : i32
    %dma_wait3A_113 = arith.constant 3200 : i32
    %dma_wait3A_114 = tpu.memref_slice %arg5[%dma_wait3A_113] : memref<16000xi32, #tpu.memory_space<vmem>> -> memref<1600xi32, #tpu.memory_space<vmem>>
    %dma_wait3A_115 = tpu.memref_slice %arg2[%add3A_112] : memref<512000xi32, #tpu.memory_space<hbm>> -> memref<1600xi32, #tpu.memory_space<hbm>>
    %dma_wait3A_116 = arith.constant 3200 : i32
    %dma_wait3A_117 = tpu.memref_slice %arg5[%dma_wait3A_116] : memref<16000xi32, #tpu.memory_space<vmem>> -> memref<1600xi32, #tpu.memory_space<vmem>>
    %dma_wait3A_118 = tpu.memref_slice %arg2[%add3A_112] : memref<512000xi32, #tpu.memory_space<hbm>> -> memref<1600xi32, #tpu.memory_space<hbm>>
    tpu.wait_dma2 semaphore(%arg19 : memref<!tpu.dma_semaphore, #tpu.memory_space<semaphore_mem>>) src(%dma_wait3A_118 : memref<1600xi32, #tpu.memory_space<hbm>>) dst(%dma_wait3A_117 : memref<1600xi32, #tpu.memory_space<vmem>>)
    %add3A_119 = arith.constant 153600 : i32
    %add3A_120 = arith.addi %add3A_119, %mul3A_2 : i32
    %dma_wait3A_121 = arith.constant 4800 : i32
    %dma_wait3A_122 = tpu.memref_slice %arg5[%dma_wait3A_121] : memref<16000xi32, #tpu.memory_space<vmem>> -> memref<1600xi32, #tpu.memory_space<vmem>>
    %dma_wait3A_123 = tpu.memref_slice %arg2[%add3A_120] : memref<512000xi32, #tpu.memory_space<hbm>> -> memref<1600xi32, #tpu.memory_space<hbm>>
    %dma_wait3A_124 = arith.constant 4800 : i32
    %dma_wait3A_125 = tpu.memref_slice %arg5[%dma_wait3A_124] : memref<16000xi32, #tpu.memory_space<vmem>> -> memref<1600xi32, #tpu.memory_space<vmem>>
    %dma_wait3A_126 = tpu.memref_slice %arg2[%add3A_120] : memref<512000xi32, #tpu.memory_space<hbm>> -> memref<1600xi32, #tpu.memory_space<hbm>>
    tpu.wait_dma2 semaphore(%arg19 : memref<!tpu.dma_semaphore, #tpu.memory_space<semaphore_mem>>) src(%dma_wait3A_126 : memref<1600xi32, #tpu.memory_space<hbm>>) dst(%dma_wait3A_125 : memref<1600xi32, #tpu.memory_space<vmem>>)
    %add3A_127 = arith.constant 204800 : i32
    %add3A_128 = arith.addi %add3A_127, %mul3A_2 : i32
    %dma_wait3A_129 = arith.constant 6400 : i32
    %dma_wait3A_130 = tpu.memref_slice %arg5[%dma_wait3A_129] : memref<16000xi32, #tpu.memory_space<vmem>> -> memref<1600xi32, #tpu.memory_space<vmem>>
    %dma_wait3A_131 = tpu.memref_slice %arg2[%add3A_128] : memref<512000xi32, #tpu.memory_space<hbm>> -> memref<1600xi32, #tpu.memory_space<hbm>>
    %dma_wait3A_132 = arith.constant 6400 : i32
    %dma_wait3A_133 = tpu.memref_slice %arg5[%dma_wait3A_132] : memref<16000xi32, #tpu.memory_space<vmem>> -> memref<1600xi32, #tpu.memory_space<vmem>>
    %dma_wait3A_134 = tpu.memref_slice %arg2[%add3A_128] : memref<512000xi32, #tpu.memory_space<hbm>> -> memref<1600xi32, #tpu.memory_space<hbm>>
    tpu.wait_dma2 semaphore(%arg19 : memref<!tpu.dma_semaphore, #tpu.memory_space<semaphore_mem>>) src(%dma_wait3A_134 : memref<1600xi32, #tpu.memory_space<hbm>>) dst(%dma_wait3A_133 : memref<1600xi32, #tpu.memory_space<vmem>>)
    %add3A_135 = arith.constant 256000 : i32
    %add3A_136 = arith.addi %add3A_135, %mul3A_2 : i32
    %dma_wait3A_137 = arith.constant 8000 : i32
    %dma_wait3A_138 = tpu.memref_slice %arg5[%dma_wait3A_137] : memref<16000xi32, #tpu.memory_space<vmem>> -> memref<1600xi32, #tpu.memory_space<vmem>>
    %dma_wait3A_139 = tpu.memref_slice %arg2[%add3A_136] : memref<512000xi32, #tpu.memory_space<hbm>> -> memref<1600xi32, #tpu.memory_space<hbm>>
    %dma_wait3A_140 = arith.constant 8000 : i32
    %dma_wait3A_141 = tpu.memref_slice %arg5[%dma_wait3A_140] : memref<16000xi32, #tpu.memory_space<vmem>> -> memref<1600xi32, #tpu.memory_space<vmem>>
    %dma_wait3A_142 = tpu.memref_slice %arg2[%add3A_136] : memref<512000xi32, #tpu.memory_space<hbm>> -> memref<1600xi32, #tpu.memory_space<hbm>>
    tpu.wait_dma2 semaphore(%arg19 : memref<!tpu.dma_semaphore, #tpu.memory_space<semaphore_mem>>) src(%dma_wait3A_142 : memref<1600xi32, #tpu.memory_space<hbm>>) dst(%dma_wait3A_141 : memref<1600xi32, #tpu.memory_space<vmem>>)
    %add3A_143 = arith.constant 307200 : i32
    %add3A_144 = arith.addi %add3A_143, %mul3A_2 : i32
    %dma_wait3A_145 = arith.constant 9600 : i32
    %dma_wait3A_146 = tpu.memref_slice %arg5[%dma_wait3A_145] : memref<16000xi32, #tpu.memory_space<vmem>> -> memref<1600xi32, #tpu.memory_space<vmem>>
    %dma_wait3A_147 = tpu.memref_slice %arg2[%add3A_144] : memref<512000xi32, #tpu.memory_space<hbm>> -> memref<1600xi32, #tpu.memory_space<hbm>>
    %dma_wait3A_148 = arith.constant 9600 : i32
    %dma_wait3A_149 = tpu.memref_slice %arg5[%dma_wait3A_148] : memref<16000xi32, #tpu.memory_space<vmem>> -> memref<1600xi32, #tpu.memory_space<vmem>>
    %dma_wait3A_150 = tpu.memref_slice %arg2[%add3A_144] : memref<512000xi32, #tpu.memory_space<hbm>> -> memref<1600xi32, #tpu.memory_space<hbm>>
    tpu.wait_dma2 semaphore(%arg19 : memref<!tpu.dma_semaphore, #tpu.memory_space<semaphore_mem>>) src(%dma_wait3A_150 : memref<1600xi32, #tpu.memory_space<hbm>>) dst(%dma_wait3A_149 : memref<1600xi32, #tpu.memory_space<vmem>>)
    %add3A_151 = arith.constant 358400 : i32
    %add3A_152 = arith.addi %add3A_151, %mul3A_2 : i32
    %dma_wait3A_153 = arith.constant 11200 : i32
    %dma_wait3A_154 = tpu.memref_slice %arg5[%dma_wait3A_153] : memref<16000xi32, #tpu.memory_space<vmem>> -> memref<1600xi32, #tpu.memory_space<vmem>>
    %dma_wait3A_155 = tpu.memref_slice %arg2[%add3A_152] : memref<512000xi32, #tpu.memory_space<hbm>> -> memref<1600xi32, #tpu.memory_space<hbm>>
    %dma_wait3A_156 = arith.constant 11200 : i32
    %dma_wait3A_157 = tpu.memref_slice %arg5[%dma_wait3A_156] : memref<16000xi32, #tpu.memory_space<vmem>> -> memref<1600xi32, #tpu.memory_space<vmem>>
    %dma_wait3A_158 = tpu.memref_slice %arg2[%add3A_152] : memref<512000xi32, #tpu.memory_space<hbm>> -> memref<1600xi32, #tpu.memory_space<hbm>>
    tpu.wait_dma2 semaphore(%arg19 : memref<!tpu.dma_semaphore, #tpu.memory_space<semaphore_mem>>) src(%dma_wait3A_158 : memref<1600xi32, #tpu.memory_space<hbm>>) dst(%dma_wait3A_157 : memref<1600xi32, #tpu.memory_space<vmem>>)
    %add3A_159 = arith.constant 409600 : i32
    %add3A_160 = arith.addi %add3A_159, %mul3A_2 : i32
    %dma_wait3A_161 = arith.constant 12800 : i32
    %dma_wait3A_162 = tpu.memref_slice %arg5[%dma_wait3A_161] : memref<16000xi32, #tpu.memory_space<vmem>> -> memref<1600xi32, #tpu.memory_space<vmem>>
    %dma_wait3A_163 = tpu.memref_slice %arg2[%add3A_160] : memref<512000xi32, #tpu.memory_space<hbm>> -> memref<1600xi32, #tpu.memory_space<hbm>>
    %dma_wait3A_164 = arith.constant 12800 : i32
    %dma_wait3A_165 = tpu.memref_slice %arg5[%dma_wait3A_164] : memref<16000xi32, #tpu.memory_space<vmem>> -> memref<1600xi32, #tpu.memory_space<vmem>>
    %dma_wait3A_166 = tpu.memref_slice %arg2[%add3A_160] : memref<512000xi32, #tpu.memory_space<hbm>> -> memref<1600xi32, #tpu.memory_space<hbm>>
    tpu.wait_dma2 semaphore(%arg19 : memref<!tpu.dma_semaphore, #tpu.memory_space<semaphore_mem>>) src(%dma_wait3A_166 : memref<1600xi32, #tpu.memory_space<hbm>>) dst(%dma_wait3A_165 : memref<1600xi32, #tpu.memory_space<vmem>>)
    %add3A_167 = arith.constant 460800 : i32
    %add3A_168 = arith.addi %add3A_167, %mul3A_2 : i32
    %dma_wait3A_169 = arith.constant 14400 : i32
    %dma_wait3A_170 = tpu.memref_slice %arg5[%dma_wait3A_169] : memref<16000xi32, #tpu.memory_space<vmem>> -> memref<1600xi32, #tpu.memory_space<vmem>>
    %dma_wait3A_171 = tpu.memref_slice %arg2[%add3A_168] : memref<512000xi32, #tpu.memory_space<hbm>> -> memref<1600xi32, #tpu.memory_space<hbm>>
    %dma_wait3A_172 = arith.constant 14400 : i32
    %dma_wait3A_173 = tpu.memref_slice %arg5[%dma_wait3A_172] : memref<16000xi32, #tpu.memory_space<vmem>> -> memref<1600xi32, #tpu.memory_space<vmem>>
    %dma_wait3A_174 = tpu.memref_slice %arg2[%add3A_168] : memref<512000xi32, #tpu.memory_space<hbm>> -> memref<1600xi32, #tpu.memory_space<hbm>>
    tpu.wait_dma2 semaphore(%arg19 : memref<!tpu.dma_semaphore, #tpu.memory_space<semaphore_mem>>) src(%dma_wait3A_174 : memref<1600xi32, #tpu.memory_space<hbm>>) dst(%dma_wait3A_173 : memref<1600xi32, #tpu.memory_space<vmem>>)
    %dma_start3A_175 = arith.constant 0 : i32
    %dma_start3A_176 = tpu.memref_slice %arg5[%dma_start3A_175] : memref<16000xi32, #tpu.memory_space<vmem>> -> memref<80xi32, #tpu.memory_space<vmem>>
    %dma_start3A_177 = arith.constant 0 : i32
    %dma_start3A_178 = arith.constant 0 : i32
    %dma_start3A_179 = tpu.memref_slice %arg3[%dma_start3A_177, %dma_start3A_178] : memref<10000x128xf32, #tpu.memory_space<hbm>> -> memref<10000x128xf32, #tpu.memory_space<hbm>>
    tpu.enqueue_indirect_dma source(%dma_start3A_179 : memref<10000x128xf32, #tpu.memory_space<hbm>>) target(%arg7 : memref<80x128xf32, #tpu.memory_space<vmem>>) offsets(%dma_start3A_176 : memref<80xi32, #tpu.memory_space<vmem>>) semaphore(%arg11 : memref<!tpu.dma_semaphore, #tpu.memory_space<semaphore_mem>>) {add = true}
    %dma_start3A_180 = arith.constant 1600 : i32
    %dma_start3A_181 = tpu.memref_slice %arg5[%dma_start3A_180] : memref<16000xi32, #tpu.memory_space<vmem>> -> memref<80xi32, #tpu.memory_space<vmem>>
    %dma_start3A_182 = arith.constant 0 : i32
    %dma_start3A_183 = arith.constant 0 : i32
    %dma_start3A_184 = tpu.memref_slice %arg3[%dma_start3A_182, %dma_start3A_183] : memref<10000x128xf32, #tpu.memory_space<hbm>> -> memref<10000x128xf32, #tpu.memory_space<hbm>>
    tpu.enqueue_indirect_dma source(%dma_start3A_184 : memref<10000x128xf32, #tpu.memory_space<hbm>>) target(%arg7 : memref<80x128xf32, #tpu.memory_space<vmem>>) offsets(%dma_start3A_181 : memref<80xi32, #tpu.memory_space<vmem>>) semaphore(%arg11 : memref<!tpu.dma_semaphore, #tpu.memory_space<semaphore_mem>>) {add = true}
    %dma_start3A_185 = arith.constant 3200 : i32
    %dma_start3A_186 = tpu.memref_slice %arg5[%dma_start3A_185] : memref<16000xi32, #tpu.memory_space<vmem>> -> memref<80xi32, #tpu.memory_space<vmem>>
    %dma_start3A_187 = arith.constant 0 : i32
    %dma_start3A_188 = arith.constant 0 : i32
    %dma_start3A_189 = tpu.memref_slice %arg3[%dma_start3A_187, %dma_start3A_188] : memref<10000x128xf32, #tpu.memory_space<hbm>> -> memref<10000x128xf32, #tpu.memory_space<hbm>>
    tpu.enqueue_indirect_dma source(%dma_start3A_189 : memref<10000x128xf32, #tpu.memory_space<hbm>>) target(%arg7 : memref<80x128xf32, #tpu.memory_space<vmem>>) offsets(%dma_start3A_186 : memref<80xi32, #tpu.memory_space<vmem>>) semaphore(%arg11 : memref<!tpu.dma_semaphore, #tpu.memory_space<semaphore_mem>>) {add = true}
    %dma_start3A_190 = arith.constant 4800 : i32
    %dma_start3A_191 = tpu.memref_slice %arg5[%dma_start3A_190] : memref<16000xi32, #tpu.memory_space<vmem>> -> memref<80xi32, #tpu.memory_space<vmem>>
    %dma_start3A_192 = arith.constant 0 : i32
    %dma_start3A_193 = arith.constant 0 : i32
    %dma_start3A_194 = tpu.memref_slice %arg3[%dma_start3A_192, %dma_start3A_193] : memref<10000x128xf32, #tpu.memory_space<hbm>> -> memref<10000x128xf32, #tpu.memory_space<hbm>>
    tpu.enqueue_indirect_dma source(%dma_start3A_194 : memref<10000x128xf32, #tpu.memory_space<hbm>>) target(%arg7 : memref<80x128xf32, #tpu.memory_space<vmem>>) offsets(%dma_start3A_191 : memref<80xi32, #tpu.memory_space<vmem>>) semaphore(%arg11 : memref<!tpu.dma_semaphore, #tpu.memory_space<semaphore_mem>>) {add = true}
    %dma_start3A_195 = arith.constant 6400 : i32
    %dma_start3A_196 = tpu.memref_slice %arg5[%dma_start3A_195] : memref<16000xi32, #tpu.memory_space<vmem>> -> memref<80xi32, #tpu.memory_space<vmem>>
    %dma_start3A_197 = arith.constant 0 : i32
    %dma_start3A_198 = arith.constant 0 : i32
    %dma_start3A_199 = tpu.memref_slice %arg3[%dma_start3A_197, %dma_start3A_198] : memref<10000x128xf32, #tpu.memory_space<hbm>> -> memref<10000x128xf32, #tpu.memory_space<hbm>>
    tpu.enqueue_indirect_dma source(%dma_start3A_199 : memref<10000x128xf32, #tpu.memory_space<hbm>>) target(%arg7 : memref<80x128xf32, #tpu.memory_space<vmem>>) offsets(%dma_start3A_196 : memref<80xi32, #tpu.memory_space<vmem>>) semaphore(%arg11 : memref<!tpu.dma_semaphore, #tpu.memory_space<semaphore_mem>>) {add = true}
    %dma_start3A_200 = arith.constant 8000 : i32
    %dma_start3A_201 = tpu.memref_slice %arg5[%dma_start3A_200] : memref<16000xi32, #tpu.memory_space<vmem>> -> memref<80xi32, #tpu.memory_space<vmem>>
    %dma_start3A_202 = arith.constant 0 : i32
    %dma_start3A_203 = arith.constant 0 : i32
    %dma_start3A_204 = tpu.memref_slice %arg3[%dma_start3A_202, %dma_start3A_203] : memref<10000x128xf32, #tpu.memory_space<hbm>> -> memref<10000x128xf32, #tpu.memory_space<hbm>>
    tpu.enqueue_indirect_dma source(%dma_start3A_204 : memref<10000x128xf32, #tpu.memory_space<hbm>>) target(%arg7 : memref<80x128xf32, #tpu.memory_space<vmem>>) offsets(%dma_start3A_201 : memref<80xi32, #tpu.memory_space<vmem>>) semaphore(%arg11 : memref<!tpu.dma_semaphore, #tpu.memory_space<semaphore_mem>>) {add = true}
    %dma_start3A_205 = arith.constant 9600 : i32
    %dma_start3A_206 = tpu.memref_slice %arg5[%dma_start3A_205] : memref<16000xi32, #tpu.memory_space<vmem>> -> memref<80xi32, #tpu.memory_space<vmem>>
    %dma_start3A_207 = arith.constant 0 : i32
    %dma_start3A_208 = arith.constant 0 : i32
    %dma_start3A_209 = tpu.memref_slice %arg3[%dma_start3A_207, %dma_start3A_208] : memref<10000x128xf32, #tpu.memory_space<hbm>> -> memref<10000x128xf32, #tpu.memory_space<hbm>>
    tpu.enqueue_indirect_dma source(%dma_start3A_209 : memref<10000x128xf32, #tpu.memory_space<hbm>>) target(%arg7 : memref<80x128xf32, #tpu.memory_space<vmem>>) offsets(%dma_start3A_206 : memref<80xi32, #tpu.memory_space<vmem>>) semaphore(%arg11 : memref<!tpu.dma_semaphore, #tpu.memory_space<semaphore_mem>>) {add = true}
    %dma_start3A_210 = arith.constant 11200 : i32
    %dma_start3A_211 = tpu.memref_slice %arg5[%dma_start3A_210] : memref<16000xi32, #tpu.memory_space<vmem>> -> memref<80xi32, #tpu.memory_space<vmem>>
    %dma_start3A_212 = arith.constant 0 : i32
    %dma_start3A_213 = arith.constant 0 : i32
    %dma_start3A_214 = tpu.memref_slice %arg3[%dma_start3A_212, %dma_start3A_213] : memref<10000x128xf32, #tpu.memory_space<hbm>> -> memref<10000x128xf32, #tpu.memory_space<hbm>>
    tpu.enqueue_indirect_dma source(%dma_start3A_214 : memref<10000x128xf32, #tpu.memory_space<hbm>>) target(%arg7 : memref<80x128xf32, #tpu.memory_space<vmem>>) offsets(%dma_start3A_211 : memref<80xi32, #tpu.memory_space<vmem>>) semaphore(%arg11 : memref<!tpu.dma_semaphore, #tpu.memory_space<semaphore_mem>>) {add = true}
    %dma_start3A_215 = arith.constant 12800 : i32
    %dma_start3A_216 = tpu.memref_slice %arg5[%dma_start3A_215] : memref<16000xi32, #tpu.memory_space<vmem>> -> memref<80xi32, #tpu.memory_space<vmem>>
    %dma_start3A_217 = arith.constant 0 : i32
    %dma_start3A_218 = arith.constant 0 : i32
    %dma_start3A_219 = tpu.memref_slice %arg3[%dma_start3A_217, %dma_start3A_218] : memref<10000x128xf32, #tpu.memory_space<hbm>> -> memref<10000x128xf32, #tpu.memory_space<hbm>>
    tpu.enqueue_indirect_dma source(%dma_start3A_219 : memref<10000x128xf32, #tpu.memory_space<hbm>>) target(%arg7 : memref<80x128xf32, #tpu.memory_space<vmem>>) offsets(%dma_start3A_216 : memref<80xi32, #tpu.memory_space<vmem>>) semaphore(%arg11 : memref<!tpu.dma_semaphore, #tpu.memory_space<semaphore_mem>>) {add = true}
    %dma_start3A_220 = arith.constant 14400 : i32
    %dma_start3A_221 = tpu.memref_slice %arg5[%dma_start3A_220] : memref<16000xi32, #tpu.memory_space<vmem>> -> memref<80xi32, #tpu.memory_space<vmem>>
    %dma_start3A_222 = arith.constant 0 : i32
    %dma_start3A_223 = arith.constant 0 : i32
    %dma_start3A_224 = tpu.memref_slice %arg3[%dma_start3A_222, %dma_start3A_223] : memref<10000x128xf32, #tpu.memory_space<hbm>> -> memref<10000x128xf32, #tpu.memory_space<hbm>>
    tpu.enqueue_indirect_dma source(%dma_start3A_224 : memref<10000x128xf32, #tpu.memory_space<hbm>>) target(%arg7 : memref<80x128xf32, #tpu.memory_space<vmem>>) offsets(%dma_start3A_221 : memref<80xi32, #tpu.memory_space<vmem>>) semaphore(%arg11 : memref<!tpu.dma_semaphore, #tpu.memory_space<semaphore_mem>>) {add = true}
    %dma_start3A_225 = arith.constant 80 : i32
    %dma_start3A_226 = tpu.memref_slice %arg5[%dma_start3A_225] : memref<16000xi32, #tpu.memory_space<vmem>> -> memref<80xi32, #tpu.memory_space<vmem>>
    %dma_start3A_227 = arith.constant 0 : i32
    %dma_start3A_228 = arith.constant 0 : i32
    %dma_start3A_229 = tpu.memref_slice %arg3[%dma_start3A_227, %dma_start3A_228] : memref<10000x128xf32, #tpu.memory_space<hbm>> -> memref<10000x128xf32, #tpu.memory_space<hbm>>
    tpu.enqueue_indirect_dma source(%dma_start3A_229 : memref<10000x128xf32, #tpu.memory_space<hbm>>) target(%arg8 : memref<80x128xf32, #tpu.memory_space<vmem>>) offsets(%dma_start3A_226 : memref<80xi32, #tpu.memory_space<vmem>>) semaphore(%arg12 : memref<!tpu.dma_semaphore, #tpu.memory_space<semaphore_mem>>) {add = true}
    %dma_start3A_230 = arith.constant 1680 : i32
    %dma_start3A_231 = tpu.memref_slice %arg5[%dma_start3A_230] : memref<16000xi32, #tpu.memory_space<vmem>> -> memref<80xi32, #tpu.memory_space<vmem>>
    %dma_start3A_232 = arith.constant 0 : i32
    %dma_start3A_233 = arith.constant 0 : i32
    %dma_start3A_234 = tpu.memref_slice %arg3[%dma_start3A_232, %dma_start3A_233] : memref<10000x128xf32, #tpu.memory_space<hbm>> -> memref<10000x128xf32, #tpu.memory_space<hbm>>
    tpu.enqueue_indirect_dma source(%dma_start3A_234 : memref<10000x128xf32, #tpu.memory_space<hbm>>) target(%arg8 : memref<80x128xf32, #tpu.memory_space<vmem>>) offsets(%dma_start3A_231 : memref<80xi32, #tpu.memory_space<vmem>>) semaphore(%arg12 : memref<!tpu.dma_semaphore, #tpu.memory_space<semaphore_mem>>) {add = true}
    %dma_start3A_235 = arith.constant 3280 : i32
    %dma_start3A_236 = tpu.memref_slice %arg5[%dma_start3A_235] : memref<16000xi32, #tpu.memory_space<vmem>> -> memref<80xi32, #tpu.memory_space<vmem>>
    %dma_start3A_237 = arith.constant 0 : i32
    %dma_start3A_238 = arith.constant 0 : i32
    %dma_start3A_239 = tpu.memref_slice %arg3[%dma_start3A_237, %dma_start3A_238] : memref<10000x128xf32, #tpu.memory_space<hbm>> -> memref<10000x128xf32, #tpu.memory_space<hbm>>
    tpu.enqueue_indirect_dma source(%dma_start3A_239 : memref<10000x128xf32, #tpu.memory_space<hbm>>) target(%arg8 : memref<80x128xf32, #tpu.memory_space<vmem>>) offsets(%dma_start3A_236 : memref<80xi32, #tpu.memory_space<vmem>>) semaphore(%arg12 : memref<!tpu.dma_semaphore, #tpu.memory_space<semaphore_mem>>) {add = true}
    %dma_start3A_240 = arith.constant 4880 : i32
    %dma_start3A_241 = tpu.memref_slice %arg5[%dma_start3A_240] : memref<16000xi32, #tpu.memory_space<vmem>> -> memref<80xi32, #tpu.memory_space<vmem>>
    %dma_start3A_242 = arith.constant 0 : i32
    %dma_start3A_243 = arith.constant 0 : i32
    %dma_start3A_244 = tpu.memref_slice %arg3[%dma_start3A_242, %dma_start3A_243] : memref<10000x128xf32, #tpu.memory_space<hbm>> -> memref<10000x128xf32, #tpu.memory_space<hbm>>
    tpu.enqueue_indirect_dma source(%dma_start3A_244 : memref<10000x128xf32, #tpu.memory_space<hbm>>) target(%arg8 : memref<80x128xf32, #tpu.memory_space<vmem>>) offsets(%dma_start3A_241 : memref<80xi32, #tpu.memory_space<vmem>>) semaphore(%arg12 : memref<!tpu.dma_semaphore, #tpu.memory_space<semaphore_mem>>) {add = true}
    %dma_start3A_245 = arith.constant 6480 : i32
    %dma_start3A_246 = tpu.memref_slice %arg5[%dma_start3A_245] : memref<16000xi32, #tpu.memory_space<vmem>> -> memref<80xi32, #tpu.memory_space<vmem>>
    %dma_start3A_247 = arith.constant 0 : i32
    %dma_start3A_248 = arith.constant 0 : i32
    %dma_start3A_249 = tpu.memref_slice %arg3[%dma_start3A_247, %dma_start3A_248] : memref<10000x128xf32, #tpu.memory_space<hbm>> -> memref<10000x128xf32, #tpu.memory_space<hbm>>
    tpu.enqueue_indirect_dma source(%dma_start3A_249 : memref<10000x128xf32, #tpu.memory_space<hbm>>) target(%arg8 : memref<80x128xf32, #tpu.memory_space<vmem>>) offsets(%dma_start3A_246 : memref<80xi32, #tpu.memory_space<vmem>>) semaphore(%arg12 : memref<!tpu.dma_semaphore, #tpu.memory_space<semaphore_mem>>) {add = true}
    %dma_start3A_250 = arith.constant 8080 : i32
    %dma_start3A_251 = tpu.memref_slice %arg5[%dma_start3A_250] : memref<16000xi32, #tpu.memory_space<vmem>> -> memref<80xi32, #tpu.memory_space<vmem>>
    %dma_start3A_252 = arith.constant 0 : i32
    %dma_start3A_253 = arith.constant 0 : i32
    %dma_start3A_254 = tpu.memref_slice %arg3[%dma_start3A_252, %dma_start3A_253] : memref<10000x128xf32, #tpu.memory_space<hbm>> -> memref<10000x128xf32, #tpu.memory_space<hbm>>
    tpu.enqueue_indirect_dma source(%dma_start3A_254 : memref<10000x128xf32, #tpu.memory_space<hbm>>) target(%arg8 : memref<80x128xf32, #tpu.memory_space<vmem>>) offsets(%dma_start3A_251 : memref<80xi32, #tpu.memory_space<vmem>>) semaphore(%arg12 : memref<!tpu.dma_semaphore, #tpu.memory_space<semaphore_mem>>) {add = true}
    %dma_start3A_255 = arith.constant 9680 : i32
    %dma_start3A_256 = tpu.memref_slice %arg5[%dma_start3A_255] : memref<16000xi32, #tpu.memory_space<vmem>> -> memref<80xi32, #tpu.memory_space<vmem>>
    %dma_start3A_257 = arith.constant 0 : i32
    %dma_start3A_258 = arith.constant 0 : i32
    %dma_start3A_259 = tpu.memref_slice %arg3[%dma_start3A_257, %dma_start3A_258] : memref<10000x128xf32, #tpu.memory_space<hbm>> -> memref<10000x128xf32, #tpu.memory_space<hbm>>
    tpu.enqueue_indirect_dma source(%dma_start3A_259 : memref<10000x128xf32, #tpu.memory_space<hbm>>) target(%arg8 : memref<80x128xf32, #tpu.memory_space<vmem>>) offsets(%dma_start3A_256 : memref<80xi32, #tpu.memory_space<vmem>>) semaphore(%arg12 : memref<!tpu.dma_semaphore, #tpu.memory_space<semaphore_mem>>) {add = true}
    %dma_start3A_260 = arith.constant 11280 : i32
    %dma_start3A_261 = tpu.memref_slice %arg5[%dma_start3A_260] : memref<16000xi32, #tpu.memory_space<vmem>> -> memref<80xi32, #tpu.memory_space<vmem>>
    %dma_start3A_262 = arith.constant 0 : i32
    %dma_start3A_263 = arith.constant 0 : i32
    %dma_start3A_264 = tpu.memref_slice %arg3[%dma_start3A_262, %dma_start3A_263] : memref<10000x128xf32, #tpu.memory_space<hbm>> -> memref<10000x128xf32, #tpu.memory_space<hbm>>
    tpu.enqueue_indirect_dma source(%dma_start3A_264 : memref<10000x128xf32, #tpu.memory_space<hbm>>) target(%arg8 : memref<80x128xf32, #tpu.memory_space<vmem>>) offsets(%dma_start3A_261 : memref<80xi32, #tpu.memory_space<vmem>>) semaphore(%arg12 : memref<!tpu.dma_semaphore, #tpu.memory_space<semaphore_mem>>) {add = true}
    %dma_start3A_265 = arith.constant 12880 : i32
    %dma_start3A_266 = tpu.memref_slice %arg5[%dma_start3A_265] : memref<16000xi32, #tpu.memory_space<vmem>> -> memref<80xi32, #tpu.memory_space<vmem>>
    %dma_start3A_267 = arith.constant 0 : i32
    %dma_start3A_268 = arith.constant 0 : i32
    %dma_start3A_269 = tpu.memref_slice %arg3[%dma_start3A_267, %dma_start3A_268] : memref<10000x128xf32, #tpu.memory_space<hbm>> -> memref<10000x128xf32, #tpu.memory_space<hbm>>
    tpu.enqueue_indirect_dma source(%dma_start3A_269 : memref<10000x128xf32, #tpu.memory_space<hbm>>) target(%arg8 : memref<80x128xf32, #tpu.memory_space<vmem>>) offsets(%dma_start3A_266 : memref<80xi32, #tpu.memory_space<vmem>>) semaphore(%arg12 : memref<!tpu.dma_semaphore, #tpu.memory_space<semaphore_mem>>) {add = true}
    %dma_start3A_270 = arith.constant 14480 : i32
    %dma_start3A_271 = tpu.memref_slice %arg5[%dma_start3A_270] : memref<16000xi32, #tpu.memory_space<vmem>> -> memref<80xi32, #tpu.memory_space<vmem>>
    %dma_start3A_272 = arith.constant 0 : i32
    %dma_start3A_273 = arith.constant 0 : i32
    %dma_start3A_274 = tpu.memref_slice %arg3[%dma_start3A_272, %dma_start3A_273] : memref<10000x128xf32, #tpu.memory_space<hbm>> -> memref<10000x128xf32, #tpu.memory_space<hbm>>
    tpu.enqueue_indirect_dma source(%dma_start3A_274 : memref<10000x128xf32, #tpu.memory_space<hbm>>) target(%arg8 : memref<80x128xf32, #tpu.memory_space<vmem>>) offsets(%dma_start3A_271 : memref<80xi32, #tpu.memory_space<vmem>>) semaphore(%arg12 : memref<!tpu.dma_semaphore, #tpu.memory_space<semaphore_mem>>) {add = true}
    %dma_start3A_275 = arith.constant 160 : i32
    %dma_start3A_276 = tpu.memref_slice %arg5[%dma_start3A_275] : memref<16000xi32, #tpu.memory_space<vmem>> -> memref<80xi32, #tpu.memory_space<vmem>>
    %dma_start3A_277 = arith.constant 0 : i32
    %dma_start3A_278 = arith.constant 0 : i32
    %dma_start3A_279 = tpu.memref_slice %arg3[%dma_start3A_277, %dma_start3A_278] : memref<10000x128xf32, #tpu.memory_space<hbm>> -> memref<10000x128xf32, #tpu.memory_space<hbm>>
    tpu.enqueue_indirect_dma source(%dma_start3A_279 : memref<10000x128xf32, #tpu.memory_space<hbm>>) target(%arg9 : memref<80x128xf32, #tpu.memory_space<vmem>>) offsets(%dma_start3A_276 : memref<80xi32, #tpu.memory_space<vmem>>) semaphore(%arg13 : memref<!tpu.dma_semaphore, #tpu.memory_space<semaphore_mem>>) {add = true}
    %dma_start3A_280 = arith.constant 1760 : i32
    %dma_start3A_281 = tpu.memref_slice %arg5[%dma_start3A_280] : memref<16000xi32, #tpu.memory_space<vmem>> -> memref<80xi32, #tpu.memory_space<vmem>>
    %dma_start3A_282 = arith.constant 0 : i32
    %dma_start3A_283 = arith.constant 0 : i32
    %dma_start3A_284 = tpu.memref_slice %arg3[%dma_start3A_282, %dma_start3A_283] : memref<10000x128xf32, #tpu.memory_space<hbm>> -> memref<10000x128xf32, #tpu.memory_space<hbm>>
    tpu.enqueue_indirect_dma source(%dma_start3A_284 : memref<10000x128xf32, #tpu.memory_space<hbm>>) target(%arg9 : memref<80x128xf32, #tpu.memory_space<vmem>>) offsets(%dma_start3A_281 : memref<80xi32, #tpu.memory_space<vmem>>) semaphore(%arg13 : memref<!tpu.dma_semaphore, #tpu.memory_space<semaphore_mem>>) {add = true}
    %dma_start3A_285 = arith.constant 3360 : i32
    %dma_start3A_286 = tpu.memref_slice %arg5[%dma_start3A_285] : memref<16000xi32, #tpu.memory_space<vmem>> -> memref<80xi32, #tpu.memory_space<vmem>>
    %dma_start3A_287 = arith.constant 0 : i32
    %dma_start3A_288 = arith.constant 0 : i32
    %dma_start3A_289 = tpu.memref_slice %arg3[%dma_start3A_287, %dma_start3A_288] : memref<10000x128xf32, #tpu.memory_space<hbm>> -> memref<10000x128xf32, #tpu.memory_space<hbm>>
    tpu.enqueue_indirect_dma source(%dma_start3A_289 : memref<10000x128xf32, #tpu.memory_space<hbm>>) target(%arg9 : memref<80x128xf32, #tpu.memory_space<vmem>>) offsets(%dma_start3A_286 : memref<80xi32, #tpu.memory_space<vmem>>) semaphore(%arg13 : memref<!tpu.dma_semaphore, #tpu.memory_space<semaphore_mem>>) {add = true}
    %dma_start3A_290 = arith.constant 4960 : i32
    %dma_start3A_291 = tpu.memref_slice %arg5[%dma_start3A_290] : memref<16000xi32, #tpu.memory_space<vmem>> -> memref<80xi32, #tpu.memory_space<vmem>>
    %dma_start3A_292 = arith.constant 0 : i32
    %dma_start3A_293 = arith.constant 0 : i32
    %dma_start3A_294 = tpu.memref_slice %arg3[%dma_start3A_292, %dma_start3A_293] : memref<10000x128xf32, #tpu.memory_space<hbm>> -> memref<10000x128xf32, #tpu.memory_space<hbm>>
    tpu.enqueue_indirect_dma source(%dma_start3A_294 : memref<10000x128xf32, #tpu.memory_space<hbm>>) target(%arg9 : memref<80x128xf32, #tpu.memory_space<vmem>>) offsets(%dma_start3A_291 : memref<80xi32, #tpu.memory_space<vmem>>) semaphore(%arg13 : memref<!tpu.dma_semaphore, #tpu.memory_space<semaphore_mem>>) {add = true}
    %dma_start3A_295 = arith.constant 6560 : i32
    %dma_start3A_296 = tpu.memref_slice %arg5[%dma_start3A_295] : memref<16000xi32, #tpu.memory_space<vmem>> -> memref<80xi32, #tpu.memory_space<vmem>>
    %dma_start3A_297 = arith.constant 0 : i32
    %dma_start3A_298 = arith.constant 0 : i32
    %dma_start3A_299 = tpu.memref_slice %arg3[%dma_start3A_297, %dma_start3A_298] : memref<10000x128xf32, #tpu.memory_space<hbm>> -> memref<10000x128xf32, #tpu.memory_space<hbm>>
    tpu.enqueue_indirect_dma source(%dma_start3A_299 : memref<10000x128xf32, #tpu.memory_space<hbm>>) target(%arg9 : memref<80x128xf32, #tpu.memory_space<vmem>>) offsets(%dma_start3A_296 : memref<80xi32, #tpu.memory_space<vmem>>) semaphore(%arg13 : memref<!tpu.dma_semaphore, #tpu.memory_space<semaphore_mem>>) {add = true}
    %dma_start3A_300 = arith.constant 8160 : i32
    %dma_start3A_301 = tpu.memref_slice %arg5[%dma_start3A_300] : memref<16000xi32, #tpu.memory_space<vmem>> -> memref<80xi32, #tpu.memory_space<vmem>>
    %dma_start3A_302 = arith.constant 0 : i32
    %dma_start3A_303 = arith.constant 0 : i32
    %dma_start3A_304 = tpu.memref_slice %arg3[%dma_start3A_302, %dma_start3A_303] : memref<10000x128xf32, #tpu.memory_space<hbm>> -> memref<10000x128xf32, #tpu.memory_space<hbm>>
    tpu.enqueue_indirect_dma source(%dma_start3A_304 : memref<10000x128xf32, #tpu.memory_space<hbm>>) target(%arg9 : memref<80x128xf32, #tpu.memory_space<vmem>>) offsets(%dma_start3A_301 : memref<80xi32, #tpu.memory_space<vmem>>) semaphore(%arg13 : memref<!tpu.dma_semaphore, #tpu.memory_space<semaphore_mem>>) {add = true}
    %dma_start3A_305 = arith.constant 9760 : i32
    %dma_start3A_306 = tpu.memref_slice %arg5[%dma_start3A_305] : memref<16000xi32, #tpu.memory_space<vmem>> -> memref<80xi32, #tpu.memory_space<vmem>>
    %dma_start3A_307 = arith.constant 0 : i32
    %dma_start3A_308 = arith.constant 0 : i32
    %dma_start3A_309 = tpu.memref_slice %arg3[%dma_start3A_307, %dma_start3A_308] : memref<10000x128xf32, #tpu.memory_space<hbm>> -> memref<10000x128xf32, #tpu.memory_space<hbm>>
    tpu.enqueue_indirect_dma source(%dma_start3A_309 : memref<10000x128xf32, #tpu.memory_space<hbm>>) target(%arg9 : memref<80x128xf32, #tpu.memory_space<vmem>>) offsets(%dma_start3A_306 : memref<80xi32, #tpu.memory_space<vmem>>) semaphore(%arg13 : memref<!tpu.dma_semaphore, #tpu.memory_space<semaphore_mem>>) {add = true}
    %dma_start3A_310 = arith.constant 11360 : i32
    %dma_start3A_311 = tpu.memref_slice %arg5[%dma_start3A_310] : memref<16000xi32, #tpu.memory_space<vmem>> -> memref<80xi32, #tpu.memory_space<vmem>>
    %dma_start3A_312 = arith.constant 0 : i32
    %dma_start3A_313 = arith.constant 0 : i32
    %dma_start3A_314 = tpu.memref_slice %arg3[%dma_start3A_312, %dma_start3A_313] : memref<10000x128xf32, #tpu.memory_space<hbm>> -> memref<10000x128xf32, #tpu.memory_space<hbm>>
    tpu.enqueue_indirect_dma source(%dma_start3A_314 : memref<10000x128xf32, #tpu.memory_space<hbm>>) target(%arg9 : memref<80x128xf32, #tpu.memory_space<vmem>>) offsets(%dma_start3A_311 : memref<80xi32, #tpu.memory_space<vmem>>) semaphore(%arg13 : memref<!tpu.dma_semaphore, #tpu.memory_space<semaphore_mem>>) {add = true}
    %dma_start3A_315 = arith.constant 12960 : i32
    %dma_start3A_316 = tpu.memref_slice %arg5[%dma_start3A_315] : memref<16000xi32, #tpu.memory_space<vmem>> -> memref<80xi32, #tpu.memory_space<vmem>>
    %dma_start3A_317 = arith.constant 0 : i32
    %dma_start3A_318 = arith.constant 0 : i32
    %dma_start3A_319 = tpu.memref_slice %arg3[%dma_start3A_317, %dma_start3A_318] : memref<10000x128xf32, #tpu.memory_space<hbm>> -> memref<10000x128xf32, #tpu.memory_space<hbm>>
    tpu.enqueue_indirect_dma source(%dma_start3A_319 : memref<10000x128xf32, #tpu.memory_space<hbm>>) target(%arg9 : memref<80x128xf32, #tpu.memory_space<vmem>>) offsets(%dma_start3A_316 : memref<80xi32, #tpu.memory_space<vmem>>) semaphore(%arg13 : memref<!tpu.dma_semaphore, #tpu.memory_space<semaphore_mem>>) {add = true}
    %dma_start3A_320 = arith.constant 14560 : i32
    %dma_start3A_321 = tpu.memref_slice %arg5[%dma_start3A_320] : memref<16000xi32, #tpu.memory_space<vmem>> -> memref<80xi32, #tpu.memory_space<vmem>>
    %dma_start3A_322 = arith.constant 0 : i32
    %dma_start3A_323 = arith.constant 0 : i32
    %dma_start3A_324 = tpu.memref_slice %arg3[%dma_start3A_322, %dma_start3A_323] : memref<10000x128xf32, #tpu.memory_space<hbm>> -> memref<10000x128xf32, #tpu.memory_space<hbm>>
    tpu.enqueue_indirect_dma source(%dma_start3A_324 : memref<10000x128xf32, #tpu.memory_space<hbm>>) target(%arg9 : memref<80x128xf32, #tpu.memory_space<vmem>>) offsets(%dma_start3A_321 : memref<80xi32, #tpu.memory_space<vmem>>) semaphore(%arg13 : memref<!tpu.dma_semaphore, #tpu.memory_space<semaphore_mem>>) {add = true}
    %scan3A_325 = arith.constant 0 : i32
    %scan3A_326 = arith.constant 100 : i32
    %scan3A_327 = arith.addi %scan3A_325, %scan3A_326 : i32
    %scan3A_328 = arith.constant 1 : i32
    scf.for %scan3A_351 = %scan3A_325 to %scan3A_327 step %scan3A_328  : i32 {
      %mul3A_352 = arith.constant 1 : i32
      %mul3A_353 = arith.muli %scan3A_351, %mul3A_352 : i32
      %add3A_354 = arith.constant 0 : i32
      %add3A_355 = arith.addi %add3A_354, %mul3A_353 : i32
      %mul3A_356 = arith.constant 16 : i32
      %mul3A_357 = arith.muli %add3A_355, %mul3A_356 : i32
      %add3A_358 = arith.constant 0 : i32
      %add3A_359 = arith.addi %add3A_358, %mul3A_357 : i32
      %get3A = arith.index_cast %add3A_359 : i32 to index
      %get3A_360 = tpu.vector_load %arg5[%get3A] {strides = array<i32>} : memref<16000xi32, #tpu.memory_space<vmem>>, vector<16xi32>,
      %ge3A = arith.constant 10 : i32
      %ge3A_361 = vector.broadcast %ge3A : i32 to vector<16xi32>
      %ge3A_362 = arith.cmpi sge, %get3A_360, %ge3A_361 : vector<16xi32>
      %jit3A = arith.constant 1.000000e+00 : f32
      %jit3A_363 = arith.constant 0.000000e+00 : f32
      %broadcast_in_dim3A = vector.broadcast %jit3A : f32 to vector<16xf32>
      %broadcast_in_dim3A_364 = vector.broadcast %jit3A_363 : f32 to vector<16xf32>
      %select_n3A = arith.select %ge3A_362, %broadcast_in_dim3A, %broadcast_in_dim3A_364 : vector<16xi1>, vector<16xf32>
      %mul3A_365 = arith.constant 16 : i32
      %mul3A_366 = arith.muli %add3A_355, %mul3A_365 : i32
      %add3A_367 = arith.constant 1600 : i32
      %add3A_368 = arith.addi %add3A_367, %mul3A_366 : i32
      %get3A_369 = arith.index_cast %add3A_368 : i32 to index
      %get3A_370 = tpu.vector_load %arg5[%get3A_369] {strides = array<i32>} : memref<16000xi32, #tpu.memory_space<vmem>>, vector<16xi32>,
      %ge3A_371 = arith.constant 10 : i32
      %ge3A_372 = vector.broadcast %ge3A_371 : i32 to vector<16xi32>
      %ge3A_373 = arith.cmpi sge, %get3A_370, %ge3A_372 : vector<16xi32>
      %jit3A_374 = arith.constant 1.000000e+00 : f32
      %jit3A_375 = arith.constant 0.000000e+00 : f32
      %broadcast_in_dim3A_376 = vector.broadcast %jit3A_374 : f32 to vector<16xf32>
      %broadcast_in_dim3A_377 = vector.broadcast %jit3A_375 : f32 to vector<16xf32>
      %select_n3A_378 = arith.select %ge3A_373, %broadcast_in_dim3A_376, %broadcast_in_dim3A_377 : vector<16xi1>, vector<16xf32>
      %add3A_379 = arith.addf %select_n3A, %select_n3A_378 : vector<16xf32>
      %mul3A_380 = arith.constant 16 : i32
      %mul3A_381 = arith.muli %add3A_355, %mul3A_380 : i32
      %add3A_382 = arith.constant 3200 : i32
      %add3A_383 = arith.addi %add3A_382, %mul3A_381 : i32
      %get3A_384 = arith.index_cast %add3A_383 : i32 to index
      %get3A_385 = tpu.vector_load %arg5[%get3A_384] {strides = array<i32>} : memref<16000xi32, #tpu.memory_space<vmem>>, vector<16xi32>,
      %ge3A_386 = arith.constant 10 : i32
      %ge3A_387 = vector.broadcast %ge3A_386 : i32 to vector<16xi32>
      %ge3A_388 = arith.cmpi sge, %get3A_385, %ge3A_387 : vector<16xi32>
      %jit3A_389 = arith.constant 1.000000e+00 : f32
      %jit3A_390 = arith.constant 0.000000e+00 : f32
      %broadcast_in_dim3A_391 = vector.broadcast %jit3A_389 : f32 to vector<16xf32>
      %broadcast_in_dim3A_392 = vector.broadcast %jit3A_390 : f32 to vector<16xf32>
      %select_n3A_393 = arith.select %ge3A_388, %broadcast_in_dim3A_391, %broadcast_in_dim3A_392 : vector<16xi1>, vector<16xf32>
      %add3A_394 = arith.addf %add3A_379, %select_n3A_393 : vector<16xf32>
      %mul3A_395 = arith.constant 16 : i32
      %mul3A_396 = arith.muli %add3A_355, %mul3A_395 : i32
      %add3A_397 = arith.constant 4800 : i32
      %add3A_398 = arith.addi %add3A_397, %mul3A_396 : i32
      %get3A_399 = arith.index_cast %add3A_398 : i32 to index
      %get3A_400 = tpu.vector_load %arg5[%get3A_399] {strides = array<i32>} : memref<16000xi32, #tpu.memory_space<vmem>>, vector<16xi32>,
      %ge3A_401 = arith.constant 10 : i32
      %ge3A_402 = vector.broadcast %ge3A_401 : i32 to vector<16xi32>
      %ge3A_403 = arith.cmpi sge, %get3A_400, %ge3A_402 : vector<16xi32>
      %jit3A_404 = arith.constant 1.000000e+00 : f32
      %jit3A_405 = arith.constant 0.000000e+00 : f32
      %broadcast_in_dim3A_406 = vector.broadcast %jit3A_404 : f32 to vector<16xf32>
      %broadcast_in_dim3A_407 = vector.broadcast %jit3A_405 : f32 to vector<16xf32>
      %select_n3A_408 = arith.select %ge3A_403, %broadcast_in_dim3A_406, %broadcast_in_dim3A_407 : vector<16xi1>, vector<16xf32>
      %add3A_409 = arith.addf %add3A_394, %select_n3A_408 : vector<16xf32>
      %mul3A_410 = arith.constant 16 : i32
      %mul3A_411 = arith.muli %add3A_355, %mul3A_410 : i32
      %add3A_412 = arith.constant 6400 : i32
      %add3A_413 = arith.addi %add3A_412, %mul3A_411 : i32
      %get3A_414 = arith.index_cast %add3A_413 : i32 to index
      %get3A_415 = tpu.vector_load %arg5[%get3A_414] {strides = array<i32>} : memref<16000xi32, #tpu.memory_space<vmem>>, vector<16xi32>,
      %ge3A_416 = arith.constant 10 : i32
      %ge3A_417 = vector.broadcast %ge3A_416 : i32 to vector<16xi32>
      %ge3A_418 = arith.cmpi sge, %get3A_415, %ge3A_417 : vector<16xi32>
      %jit3A_419 = arith.constant 1.000000e+00 : f32
      %jit3A_420 = arith.constant 0.000000e+00 : f32
      %broadcast_in_dim3A_421 = vector.broadcast %jit3A_419 : f32 to vector<16xf32>
      %broadcast_in_dim3A_422 = vector.broadcast %jit3A_420 : f32 to vector<16xf32>
      %select_n3A_423 = arith.select %ge3A_418, %broadcast_in_dim3A_421, %broadcast_in_dim3A_422 : vector<16xi1>, vector<16xf32>
      %add3A_424 = arith.addf %add3A_409, %select_n3A_423 : vector<16xf32>
      %mul3A_425 = arith.constant 16 : i32
      %mul3A_426 = arith.muli %add3A_355, %mul3A_425 : i32
      %add3A_427 = arith.constant 8000 : i32
      %add3A_428 = arith.addi %add3A_427, %mul3A_426 : i32
      %get3A_429 = arith.index_cast %add3A_428 : i32 to index
      %get3A_430 = tpu.vector_load %arg5[%get3A_429] {strides = array<i32>} : memref<16000xi32, #tpu.memory_space<vmem>>, vector<16xi32>,
      %ge3A_431 = arith.constant 10 : i32
      %ge3A_432 = vector.broadcast %ge3A_431 : i32 to vector<16xi32>
      %ge3A_433 = arith.cmpi sge, %get3A_430, %ge3A_432 : vector<16xi32>
      %jit3A_434 = arith.constant 1.000000e+00 : f32
      %jit3A_435 = arith.constant 0.000000e+00 : f32
      %broadcast_in_dim3A_436 = vector.broadcast %jit3A_434 : f32 to vector<16xf32>
      %broadcast_in_dim3A_437 = vector.broadcast %jit3A_435 : f32 to vector<16xf32>
      %select_n3A_438 = arith.select %ge3A_433, %broadcast_in_dim3A_436, %broadcast_in_dim3A_437 : vector<16xi1>, vector<16xf32>
      %add3A_439 = arith.addf %add3A_424, %select_n3A_438 : vector<16xf32>
      %mul3A_440 = arith.constant 16 : i32
      %mul3A_441 = arith.muli %add3A_355, %mul3A_440 : i32
      %add3A_442 = arith.constant 9600 : i32
      %add3A_443 = arith.addi %add3A_442, %mul3A_441 : i32
      %get3A_444 = arith.index_cast %add3A_443 : i32 to index
      %get3A_445 = tpu.vector_load %arg5[%get3A_444] {strides = array<i32>} : memref<16000xi32, #tpu.memory_space<vmem>>, vector<16xi32>,
      %ge3A_446 = arith.constant 10 : i32
      %ge3A_447 = vector.broadcast %ge3A_446 : i32 to vector<16xi32>
      %ge3A_448 = arith.cmpi sge, %get3A_445, %ge3A_447 : vector<16xi32>
      %jit3A_449 = arith.constant 1.000000e+00 : f32
      %jit3A_450 = arith.constant 0.000000e+00 : f32
      %broadcast_in_dim3A_451 = vector.broadcast %jit3A_449 : f32 to vector<16xf32>
      %broadcast_in_dim3A_452 = vector.broadcast %jit3A_450 : f32 to vector<16xf32>
      %select_n3A_453 = arith.select %ge3A_448, %broadcast_in_dim3A_451, %broadcast_in_dim3A_452 : vector<16xi1>, vector<16xf32>
      %add3A_454 = arith.addf %add3A_439, %select_n3A_453 : vector<16xf32>
      %mul3A_455 = arith.constant 16 : i32
      %mul3A_456 = arith.muli %add3A_355, %mul3A_455 : i32
      %add3A_457 = arith.constant 11200 : i32
      %add3A_458 = arith.addi %add3A_457, %mul3A_456 : i32
      %get3A_459 = arith.index_cast %add3A_458 : i32 to index
      %get3A_460 = tpu.vector_load %arg5[%get3A_459] {strides = array<i32>} : memref<16000xi32, #tpu.memory_space<vmem>>, vector<16xi32>,
      %ge3A_461 = arith.constant 10 : i32
      %ge3A_462 = vector.broadcast %ge3A_461 : i32 to vector<16xi32>
      %ge3A_463 = arith.cmpi sge, %get3A_460, %ge3A_462 : vector<16xi32>
      %jit3A_464 = arith.constant 1.000000e+00 : f32
      %jit3A_465 = arith.constant 0.000000e+00 : f32
      %broadcast_in_dim3A_466 = vector.broadcast %jit3A_464 : f32 to vector<16xf32>
      %broadcast_in_dim3A_467 = vector.broadcast %jit3A_465 : f32 to vector<16xf32>
      %select_n3A_468 = arith.select %ge3A_463, %broadcast_in_dim3A_466, %broadcast_in_dim3A_467 : vector<16xi1>, vector<16xf32>
      %add3A_469 = arith.addf %add3A_454, %select_n3A_468 : vector<16xf32>
      %mul3A_470 = arith.constant 16 : i32
      %mul3A_471 = arith.muli %add3A_355, %mul3A_470 : i32
      %add3A_472 = arith.constant 12800 : i32
      %add3A_473 = arith.addi %add3A_472, %mul3A_471 : i32
      %get3A_474 = arith.index_cast %add3A_473 : i32 to index
      %get3A_475 = tpu.vector_load %arg5[%get3A_474] {strides = array<i32>} : memref<16000xi32, #tpu.memory_space<vmem>>, vector<16xi32>,
      %ge3A_476 = arith.constant 10 : i32
      %ge3A_477 = vector.broadcast %ge3A_476 : i32 to vector<16xi32>
      %ge3A_478 = arith.cmpi sge, %get3A_475, %ge3A_477 : vector<16xi32>
      %jit3A_479 = arith.constant 1.000000e+00 : f32
      %jit3A_480 = arith.constant 0.000000e+00 : f32
      %broadcast_in_dim3A_481 = vector.broadcast %jit3A_479 : f32 to vector<16xf32>
      %broadcast_in_dim3A_482 = vector.broadcast %jit3A_480 : f32 to vector<16xf32>
      %select_n3A_483 = arith.select %ge3A_478, %broadcast_in_dim3A_481, %broadcast_in_dim3A_482 : vector<16xi1>, vector<16xf32>
      %add3A_484 = arith.addf %add3A_469, %select_n3A_483 : vector<16xf32>
      %mul3A_485 = arith.constant 16 : i32
      %mul3A_486 = arith.muli %add3A_355, %mul3A_485 : i32
      %add3A_487 = arith.constant 14400 : i32
      %add3A_488 = arith.addi %add3A_487, %mul3A_486 : i32
      %get3A_489 = arith.index_cast %add3A_488 : i32 to index
      %get3A_490 = tpu.vector_load %arg5[%get3A_489] {strides = array<i32>} : memref<16000xi32, #tpu.memory_space<vmem>>, vector<16xi32>,
      %ge3A_491 = arith.constant 10 : i32
      %ge3A_492 = vector.broadcast %ge3A_491 : i32 to vector<16xi32>
      %ge3A_493 = arith.cmpi sge, %get3A_490, %ge3A_492 : vector<16xi32>
      %jit3A_494 = arith.constant 1.000000e+00 : f32
      %jit3A_495 = arith.constant 0.000000e+00 : f32
      %broadcast_in_dim3A_496 = vector.broadcast %jit3A_494 : f32 to vector<16xf32>
      %broadcast_in_dim3A_497 = vector.broadcast %jit3A_495 : f32 to vector<16xf32>
      %select_n3A_498 = arith.select %ge3A_493, %broadcast_in_dim3A_496, %broadcast_in_dim3A_497 : vector<16xi1>, vector<16xf32>
      %add3A_499 = arith.addf %add3A_484, %select_n3A_498 : vector<16xf32>
      %div3A = arith.constant 1.000000e+00 : f32
      %div3A_500 = vector.broadcast %div3A : f32 to vector<16xf32>
      %div3A_501 = arith.divf %div3A_500, %add3A_499 : vector<16xf32>
      %mul3A_502 = arith.constant 16 : i32
      %mul3A_503 = arith.muli %add3A_355, %mul3A_502 : i32
      %swap3A = arith.index_cast %mul3A_503 : i32 to index
      %swap3A_504 = tpu.vector_load %arg6[%swap3A] {strides = array<i32>} : memref<1600xf32, #tpu.memory_space<vmem>>, vector<16xf32>,
      tpu.vector_store %arg6[%swap3A], %div3A_501 {strides = array<i32>} : memref<1600xf32, #tpu.memory_space<vmem>>, vector<16xf32>,
    }
    %scan3A_329 = arith.constant 100 : i32
    %scan3A_330 = arith.constant 0 : i32
    %scan3A_331 = arith.constant 5 : i32
    %scan3A_332 = arith.addi %scan3A_330, %scan3A_331 : i32
    %scan3A_333 = arith.constant 1 : i32
    scf.for %scan3A_351 = %scan3A_330 to %scan3A_332 step %scan3A_333  : i32 {
      %mul3A_352 = arith.constant 4 : i32
      %mul3A_353 = arith.muli %scan3A_351, %mul3A_352 : i32
      %add3A_354 = arith.constant 0 : i32
      %add3A_355 = arith.addi %add3A_354, %mul3A_353 : i32
      %add3A_356 = arith.constant 0 : i32
      %add3A_357 = arith.addi %add3A_355, %add3A_356 : i32
      %add3A_358 = arith.constant 4 : i32
      %add3A_359 = arith.addi %add3A_357, %add3A_358 : i32
      %sub3A = arith.constant 1 : i32
      %sub3A_360 = arith.subi %add3A_359, %sub3A : i32
      %lt3A = arith.constant 20 : i32
      %lt3A_361 = arith.cmpi slt, %sub3A_360, %lt3A : i32
      %convert_element_type3A = arith.extui %lt3A_361 : i1 to i32
      %cond3A = arith.constant 0 : i32
      %cond3A_362 = arith.cmpi ne, %convert_element_type3A, %cond3A : i32
      scf.if %cond3A_362 {
        %ge3A = arith.constant 1 : i32
        %ge3A_764 = arith.cmpi sge, %add3A_357, %ge3A : i32
        %convert_element_type3A_765 = arith.extui %ge3A_764 : i1 to i32
        %cond3A_766 = arith.constant 0 : i32
        %cond3A_767 = arith.cmpi ne, %convert_element_type3A_765, %cond3A_766 : i32
        scf.if %cond3A_767 {
          %dma_wait3A_857 = arith.constant 0 : i32
          %dma_wait3A_858 = tpu.memref_slice %arg4[%mul3A_2, %dma_wait3A_857] : memref<51200x128xf32, #tpu.memory_space<hbm>> -> memref<80x128xf32, #tpu.memory_space<hbm>>
          %dma_wait3A_859 = arith.constant 0 : i32
          %dma_wait3A_860 = tpu.memref_slice %arg4[%mul3A_2, %dma_wait3A_859] : memref<51200x128xf32, #tpu.memory_space<hbm>> -> memref<80x128xf32, #tpu.memory_space<hbm>>
          tpu.wait_dma2 semaphore(%arg18 : memref<!tpu.dma_semaphore, #tpu.memory_space<semaphore_mem>>) src(%arg10 : memref<80x128xf32, #tpu.memory_space<vmem>>) dst(%dma_wait3A_860 : memref<80x128xf32, #tpu.memory_space<hbm>>)
        } else {
        }
        %add3A_768 = arith.constant 4 : i32
        %add3A_769 = arith.addi %add3A_357, %add3A_768 : i32
        %sub3A_770 = arith.constant 1 : i32
        %sub3A_771 = arith.subi %add3A_769, %sub3A_770 : i32
        %scan3A_772 = arith.constant 0 : i32
        %scan3A_773 = arith.constant 80 : i32
        %scan3A_774 = arith.addi %scan3A_772, %scan3A_773 : i32
        %scan3A_775 = arith.constant 1 : i32
        scf.for %scan3A_857 = %scan3A_772 to %scan3A_774 step %scan3A_775  : i32 {
          %mul3A_858 = arith.constant 1 : i32
          %mul3A_859 = arith.muli %scan3A_857, %mul3A_858 : i32
          %add3A_860 = arith.constant 0 : i32
          %add3A_861 = arith.addi %add3A_860, %mul3A_859 : i32
          %broadcast_in_dim3A = arith.constant 0.000000e+00 : f32
          %broadcast_in_dim3A_862 = vector.broadcast %broadcast_in_dim3A : f32 to vector<16xf32>
          %swap3A = arith.index_cast %add3A_861 : i32 to index
          %swap3A_863 = arith.constant 0 : index
          %swap3A_864 = tpu.vector_load %arg10[%swap3A, %swap3A_863] {strides = array<i32>} : memref<80x128xf32, #tpu.memory_space<vmem>>, vector<16xf32>,
          tpu.vector_store %arg10[%swap3A, %swap3A_863], %broadcast_in_dim3A_862 {strides = array<i32>} : memref<80x128xf32, #tpu.memory_space<vmem>>, vector<16xf32>,
          %broadcast_in_dim3A_865 = arith.constant 0.000000e+00 : f32
          %broadcast_in_dim3A_866 = vector.broadcast %broadcast_in_dim3A_865 : f32 to vector<16xf32>
          %swap3A_867 = arith.index_cast %add3A_861 : i32 to index
          %swap3A_868 = arith.constant 16 : index
          %swap3A_869 = tpu.vector_load %arg10[%swap3A_867, %swap3A_868] {strides = array<i32>} : memref<80x128xf32, #tpu.memory_space<vmem>>, vector<16xf32>,
          tpu.vector_store %arg10[%swap3A_867, %swap3A_868], %broadcast_in_dim3A_866 {strides = array<i32>} : memref<80x128xf32, #tpu.memory_space<vmem>>, vector<16xf32>,
          %broadcast_in_dim3A_870 = arith.constant 0.000000e+00 : f32
          %broadcast_in_dim3A_871 = vector.broadcast %broadcast_in_dim3A_870 : f32 to vector<16xf32>
          %swap3A_872 = arith.index_cast %add3A_861 : i32 to index
          %swap3A_873 = arith.constant 32 : index
          %swap3A_874 = tpu.vector_load %arg10[%swap3A_872, %swap3A_873] {strides = array<i32>} : memref<80x128xf32, #tpu.memory_space<vmem>>, vector<16xf32>,
          tpu.vector_store %arg10[%swap3A_872, %swap3A_873], %broadcast_in_dim3A_871 {strides = array<i32>} : memref<80x128xf32, #tpu.memory_space<vmem>>, vector<16xf32>,
          %broadcast_in_dim3A_875 = arith.constant 0.000000e+00 : f32
          %broadcast_in_dim3A_876 = vector.broadcast %broadcast_in_dim3A_875 : f32 to vector<16xf32>
          %swap3A_877 = arith.index_cast %add3A_861 : i32 to index
          %swap3A_878 = arith.constant 48 : index
          %swap3A_879 = tpu.vector_load %arg10[%swap3A_877, %swap3A_878] {strides = array<i32>} : memref<80x128xf32, #tpu.memory_space<vmem>>, vector<16xf32>,
          tpu.vector_store %arg10[%swap3A_877, %swap3A_878], %broadcast_in_dim3A_876 {strides = array<i32>} : memref<80x128xf32, #tpu.memory_space<vmem>>, vector<16xf32>,
          %broadcast_in_dim3A_880 = arith.constant 0.000000e+00 : f32
          %broadcast_in_dim3A_881 = vector.broadcast %broadcast_in_dim3A_880 : f32 to vector<16xf32>
          %swap3A_882 = arith.index_cast %add3A_861 : i32 to index
          %swap3A_883 = arith.constant 64 : index
          %swap3A_884 = tpu.vector_load %arg10[%swap3A_882, %swap3A_883] {strides = array<i32>} : memref<80x128xf32, #tpu.memory_space<vmem>>, vector<16xf32>,
          tpu.vector_store %arg10[%swap3A_882, %swap3A_883], %broadcast_in_dim3A_881 {strides = array<i32>} : memref<80x128xf32, #tpu.memory_space<vmem>>, vector<16xf32>,
          %broadcast_in_dim3A_885 = arith.constant 0.000000e+00 : f32
          %broadcast_in_dim3A_886 = vector.broadcast %broadcast_in_dim3A_885 : f32 to vector<16xf32>
          %swap3A_887 = arith.index_cast %add3A_861 : i32 to index
          %swap3A_888 = arith.constant 80 : index
          %swap3A_889 = tpu.vector_load %arg10[%swap3A_887, %swap3A_888] {strides = array<i32>} : memref<80x128xf32, #tpu.memory_space<vmem>>, vector<16xf32>,
          tpu.vector_store %arg10[%swap3A_887, %swap3A_888], %broadcast_in_dim3A_886 {strides = array<i32>} : memref<80x128xf32, #tpu.memory_space<vmem>>, vector<16xf32>,
          %broadcast_in_dim3A_890 = arith.constant 0.000000e+00 : f32
          %broadcast_in_dim3A_891 = vector.broadcast %broadcast_in_dim3A_890 : f32 to vector<16xf32>
          %swap3A_892 = arith.index_cast %add3A_861 : i32 to index
          %swap3A_893 = arith.constant 96 : index
          %swap3A_894 = tpu.vector_load %arg10[%swap3A_892, %swap3A_893] {strides = array<i32>} : memref<80x128xf32, #tpu.memory_space<vmem>>, vector<16xf32>,
          tpu.vector_store %arg10[%swap3A_892, %swap3A_893], %broadcast_in_dim3A_891 {strides = array<i32>} : memref<80x128xf32, #tpu.memory_space<vmem>>, vector<16xf32>,
          %broadcast_in_dim3A_895 = arith.constant 0.000000e+00 : f32
          %broadcast_in_dim3A_896 = vector.broadcast %broadcast_in_dim3A_895 : f32 to vector<16xf32>
          %swap3A_897 = arith.index_cast %add3A_861 : i32 to index
          %swap3A_898 = arith.constant 112 : index
          %swap3A_899 = tpu.vector_load %arg10[%swap3A_897, %swap3A_898] {strides = array<i32>} : memref<80x128xf32, #tpu.memory_space<vmem>>, vector<16xf32>,
          tpu.vector_store %arg10[%swap3A_897, %swap3A_898], %broadcast_in_dim3A_896 {strides = array<i32>} : memref<80x128xf32, #tpu.memory_space<vmem>>, vector<16xf32>,
        }
        %scan3A_776 = arith.constant 80 : i32
        %mul3A_777 = arith.constant 80 : i32
        %mul3A_778 = arith.muli %sub3A_771, %mul3A_777 : i32
        %add3A_779 = arith.constant 0 : i32
        %add3A_780 = arith.addi %add3A_779, %mul3A_778 : i32
        %dma_start3A_781 = tpu.memref_slice %arg5[%add3A_780] : memref<16000xi32, #tpu.memory_space<vmem>> -> memref<80xi32, #tpu.memory_space<vmem>>
        %dma_start3A_782 = arith.constant 0 : i32
        %dma_start3A_783 = arith.constant 0 : i32
        %dma_start3A_784 = tpu.memref_slice %arg3[%dma_start3A_782, %dma_start3A_783] : memref<10000x128xf32, #tpu.memory_space<hbm>> -> memref<10000x128xf32, #tpu.memory_space<hbm>>
        tpu.enqueue_indirect_dma source(%dma_start3A_784 : memref<10000x128xf32, #tpu.memory_space<hbm>>) target(%arg10 : memref<80x128xf32, #tpu.memory_space<vmem>>) offsets(%dma_start3A_781 : memref<80xi32, #tpu.memory_space<vmem>>) semaphore(%arg14 : memref<!tpu.dma_semaphore, #tpu.memory_space<semaphore_mem>>) {add = true}
        %mul3A_785 = arith.constant 80 : i32
        %mul3A_786 = arith.muli %sub3A_771, %mul3A_785 : i32
        %add3A_787 = arith.constant 1600 : i32
        %add3A_788 = arith.addi %add3A_787, %mul3A_786 : i32
        %dma_start3A_789 = tpu.memref_slice %arg5[%add3A_788] : memref<16000xi32, #tpu.memory_space<vmem>> -> memref<80xi32, #tpu.memory_space<vmem>>
        %dma_start3A_790 = arith.constant 0 : i32
        %dma_start3A_791 = arith.constant 0 : i32
        %dma_start3A_792 = tpu.memref_slice %arg3[%dma_start3A_790, %dma_start3A_791] : memref<10000x128xf32, #tpu.memory_space<hbm>> -> memref<10000x128xf32, #tpu.memory_space<hbm>>
        tpu.enqueue_indirect_dma source(%dma_start3A_792 : memref<10000x128xf32, #tpu.memory_space<hbm>>) target(%arg10 : memref<80x128xf32, #tpu.memory_space<vmem>>) offsets(%dma_start3A_789 : memref<80xi32, #tpu.memory_space<vmem>>) semaphore(%arg14 : memref<!tpu.dma_semaphore, #tpu.memory_space<semaphore_mem>>) {add = true}
        %mul3A_793 = arith.constant 80 : i32
        %mul3A_794 = arith.muli %sub3A_771, %mul3A_793 : i32
        %add3A_795 = arith.constant 3200 : i32
        %add3A_796 = arith.addi %add3A_795, %mul3A_794 : i32
        %dma_start3A_797 = tpu.memref_slice %arg5[%add3A_796] : memref<16000xi32, #tpu.memory_space<vmem>> -> memref<80xi32, #tpu.memory_space<vmem>>
        %dma_start3A_798 = arith.constant 0 : i32
        %dma_start3A_799 = arith.constant 0 : i32
        %dma_start3A_800 = tpu.memref_slice %arg3[%dma_start3A_798, %dma_start3A_799] : memref<10000x128xf32, #tpu.memory_space<hbm>> -> memref<10000x128xf32, #tpu.memory_space<hbm>>
        tpu.enqueue_indirect_dma source(%dma_start3A_800 : memref<10000x128xf32, #tpu.memory_space<hbm>>) target(%arg10 : memref<80x128xf32, #tpu.memory_space<vmem>>) offsets(%dma_start3A_797 : memref<80xi32, #tpu.memory_space<vmem>>) semaphore(%arg14 : memref<!tpu.dma_semaphore, #tpu.memory_space<semaphore_mem>>) {add = true}
        %mul3A_801 = arith.constant 80 : i32
        %mul3A_802 = arith.muli %sub3A_771, %mul3A_801 : i32
        %add3A_803 = arith.constant 4800 : i32
        %add3A_804 = arith.addi %add3A_803, %mul3A_802 : i32
        %dma_start3A_805 = tpu.memref_slice %arg5[%add3A_804] : memref<16000xi32, #tpu.memory_space<vmem>> -> memref<80xi32, #tpu.memory_space<vmem>>
        %dma_start3A_806 = arith.constant 0 : i32
        %dma_start3A_807 = arith.constant 0 : i32
        %dma_start3A_808 = tpu.memref_slice %arg3[%dma_start3A_806, %dma_start3A_807] : memref<10000x128xf32, #tpu.memory_space<hbm>> -> memref<10000x128xf32, #tpu.memory_space<hbm>>
        tpu.enqueue_indirect_dma source(%dma_start3A_808 : memref<10000x128xf32, #tpu.memory_space<hbm>>) target(%arg10 : memref<80x128xf32, #tpu.memory_space<vmem>>) offsets(%dma_start3A_805 : memref<80xi32, #tpu.memory_space<vmem>>) semaphore(%arg14 : memref<!tpu.dma_semaphore, #tpu.memory_space<semaphore_mem>>) {add = true}
        %mul3A_809 = arith.constant 80 : i32
        %mul3A_810 = arith.muli %sub3A_771, %mul3A_809 : i32
        %add3A_811 = arith.constant 6400 : i32
        %add3A_812 = arith.addi %add3A_811, %mul3A_810 : i32
        %dma_start3A_813 = tpu.memref_slice %arg5[%add3A_812] : memref<16000xi32, #tpu.memory_space<vmem>> -> memref<80xi32, #tpu.memory_space<vmem>>
        %dma_start3A_814 = arith.constant 0 : i32
        %dma_start3A_815 = arith.constant 0 : i32
        %dma_start3A_816 = tpu.memref_slice %arg3[%dma_start3A_814, %dma_start3A_815] : memref<10000x128xf32, #tpu.memory_space<hbm>> -> memref<10000x128xf32, #tpu.memory_space<hbm>>
        tpu.enqueue_indirect_dma source(%dma_start3A_816 : memref<10000x128xf32, #tpu.memory_space<hbm>>) target(%arg10 : memref<80x128xf32, #tpu.memory_space<vmem>>) offsets(%dma_start3A_813 : memref<80xi32, #tpu.memory_space<vmem>>) semaphore(%arg14 : memref<!tpu.dma_semaphore, #tpu.memory_space<semaphore_mem>>) {add = true}
        %mul3A_817 = arith.constant 80 : i32
        %mul3A_818 = arith.muli %sub3A_771, %mul3A_817 : i32
        %add3A_819 = arith.constant 8000 : i32
        %add3A_820 = arith.addi %add3A_819, %mul3A_818 : i32
        %dma_start3A_821 = tpu.memref_slice %arg5[%add3A_820] : memref<16000xi32, #tpu.memory_space<vmem>> -> memref<80xi32, #tpu.memory_space<vmem>>
        %dma_start3A_822 = arith.constant 0 : i32
        %dma_start3A_823 = arith.constant 0 : i32
        %dma_start3A_824 = tpu.memref_slice %arg3[%dma_start3A_822, %dma_start3A_823] : memref<10000x128xf32, #tpu.memory_space<hbm>> -> memref<10000x128xf32, #tpu.memory_space<hbm>>
        tpu.enqueue_indirect_dma source(%dma_start3A_824 : memref<10000x128xf32, #tpu.memory_space<hbm>>) target(%arg10 : memref<80x128xf32, #tpu.memory_space<vmem>>) offsets(%dma_start3A_821 : memref<80xi32, #tpu.memory_space<vmem>>) semaphore(%arg14 : memref<!tpu.dma_semaphore, #tpu.memory_space<semaphore_mem>>) {add = true}
        %mul3A_825 = arith.constant 80 : i32
        %mul3A_826 = arith.muli %sub3A_771, %mul3A_825 : i32
        %add3A_827 = arith.constant 9600 : i32
        %add3A_828 = arith.addi %add3A_827, %mul3A_826 : i32
        %dma_start3A_829 = tpu.memref_slice %arg5[%add3A_828] : memref<16000xi32, #tpu.memory_space<vmem>> -> memref<80xi32, #tpu.memory_space<vmem>>
        %dma_start3A_830 = arith.constant 0 : i32
        %dma_start3A_831 = arith.constant 0 : i32
        %dma_start3A_832 = tpu.memref_slice %arg3[%dma_start3A_830, %dma_start3A_831] : memref<10000x128xf32, #tpu.memory_space<hbm>> -> memref<10000x128xf32, #tpu.memory_space<hbm>>
        tpu.enqueue_indirect_dma source(%dma_start3A_832 : memref<10000x128xf32, #tpu.memory_space<hbm>>) target(%arg10 : memref<80x128xf32, #tpu.memory_space<vmem>>) offsets(%dma_start3A_829 : memref<80xi32, #tpu.memory_space<vmem>>) semaphore(%arg14 : memref<!tpu.dma_semaphore, #tpu.memory_space<semaphore_mem>>) {add = true}
        %mul3A_833 = arith.constant 80 : i32
        %mul3A_834 = arith.muli %sub3A_771, %mul3A_833 : i32
        %add3A_835 = arith.constant 11200 : i32
        %add3A_836 = arith.addi %add3A_835, %mul3A_834 : i32
        %dma_start3A_837 = tpu.memref_slice %arg5[%add3A_836] : memref<16000xi32, #tpu.memory_space<vmem>> -> memref<80xi32, #tpu.memory_space<vmem>>
        %dma_start3A_838 = arith.constant 0 : i32
        %dma_start3A_839 = arith.constant 0 : i32
        %dma_start3A_840 = tpu.memref_slice %arg3[%dma_start3A_838, %dma_start3A_839] : memref<10000x128xf32, #tpu.memory_space<hbm>> -> memref<10000x128xf32, #tpu.memory_space<hbm>>
        tpu.enqueue_indirect_dma source(%dma_start3A_840 : memref<10000x128xf32, #tpu.memory_space<hbm>>) target(%arg10 : memref<80x128xf32, #tpu.memory_space<vmem>>) offsets(%dma_start3A_837 : memref<80xi32, #tpu.memory_space<vmem>>) semaphore(%arg14 : memref<!tpu.dma_semaphore, #tpu.memory_space<semaphore_mem>>) {add = true}
        %mul3A_841 = arith.constant 80 : i32
        %mul3A_842 = arith.muli %sub3A_771, %mul3A_841 : i32
        %add3A_843 = arith.constant 12800 : i32
        %add3A_844 = arith.addi %add3A_843, %mul3A_842 : i32
        %dma_start3A_845 = tpu.memref_slice %arg5[%add3A_844] : memref<16000xi32, #tpu.memory_space<vmem>> -> memref<80xi32, #tpu.memory_space<vmem>>
        %dma_start3A_846 = arith.constant 0 : i32
        %dma_start3A_847 = arith.constant 0 : i32
        %dma_start3A_848 = tpu.memref_slice %arg3[%dma_start3A_846, %dma_start3A_847] : memref<10000x128xf32, #tpu.memory_space<hbm>> -> memref<10000x128xf32, #tpu.memory_space<hbm>>
        tpu.enqueue_indirect_dma source(%dma_start3A_848 : memref<10000x128xf32, #tpu.memory_space<hbm>>) target(%arg10 : memref<80x128xf32, #tpu.memory_space<vmem>>) offsets(%dma_start3A_845 : memref<80xi32, #tpu.memory_space<vmem>>) semaphore(%arg14 : memref<!tpu.dma_semaphore, #tpu.memory_space<semaphore_mem>>) {add = true}
        %mul3A_849 = arith.constant 80 : i32
        %mul3A_850 = arith.muli %sub3A_771, %mul3A_849 : i32
        %add3A_851 = arith.constant 14400 : i32
        %add3A_852 = arith.addi %add3A_851, %mul3A_850 : i32
        %dma_start3A_853 = tpu.memref_slice %arg5[%add3A_852] : memref<16000xi32, #tpu.memory_space<vmem>> -> memref<80xi32, #tpu.memory_space<vmem>>
        %dma_start3A_854 = arith.constant 0 : i32
        %dma_start3A_855 = arith.constant 0 : i32
        %dma_start3A_856 = tpu.memref_slice %arg3[%dma_start3A_854, %dma_start3A_855] : memref<10000x128xf32, #tpu.memory_space<hbm>> -> memref<10000x128xf32, #tpu.memory_space<hbm>>
        tpu.enqueue_indirect_dma source(%dma_start3A_856 : memref<10000x128xf32, #tpu.memory_space<hbm>>) target(%arg10 : memref<80x128xf32, #tpu.memory_space<vmem>>) offsets(%dma_start3A_853 : memref<80xi32, #tpu.memory_space<vmem>>) semaphore(%arg14 : memref<!tpu.dma_semaphore, #tpu.memory_space<semaphore_mem>>) {add = true}
      } else {
      }
      %mul3A_363 = arith.constant 80 : i32
      %mul3A_364 = arith.muli %add3A_357, %mul3A_363 : i32
      %add3A_365 = arith.constant 0 : i32
      %add3A_366 = arith.addi %add3A_365, %mul3A_364 : i32
      %dma_wait3A_367 = tpu.memref_slice %arg5[%add3A_366] : memref<16000xi32, #tpu.memory_space<vmem>> -> memref<80xi32, #tpu.memory_space<vmem>>
      %dma_wait3A_368 = arith.constant 0 : i32
      %dma_wait3A_369 = arith.constant 0 : i32
      %dma_wait3A_370 = tpu.memref_slice %arg3[%dma_wait3A_368, %dma_wait3A_369] : memref<10000x128xf32, #tpu.memory_space<hbm>> -> memref<10000x128xf32, #tpu.memory_space<hbm>>
      tpu.wait_indirect_dma semaphore(%arg11 : memref<!tpu.dma_semaphore, #tpu.memory_space<semaphore_mem>>) src(%dma_wait3A_370 : memref<10000x128xf32, #tpu.memory_space<hbm>>) dst(%arg7 : memref<80x128xf32, #tpu.memory_space<vmem>>)
      %mul3A_371 = arith.constant 80 : i32
      %mul3A_372 = arith.muli %add3A_357, %mul3A_371 : i32
      %add3A_373 = arith.constant 1600 : i32
      %add3A_374 = arith.addi %add3A_373, %mul3A_372 : i32
      %dma_wait3A_375 = tpu.memref_slice %arg5[%add3A_374] : memref<16000xi32, #tpu.memory_space<vmem>> -> memref<80xi32, #tpu.memory_space<vmem>>
      %dma_wait3A_376 = arith.constant 0 : i32
      %dma_wait3A_377 = arith.constant 0 : i32
      %dma_wait3A_378 = tpu.memref_slice %arg3[%dma_wait3A_376, %dma_wait3A_377] : memref<10000x128xf32, #tpu.memory_space<hbm>> -> memref<10000x128xf32, #tpu.memory_space<hbm>>
      tpu.wait_indirect_dma semaphore(%arg11 : memref<!tpu.dma_semaphore, #tpu.memory_space<semaphore_mem>>) src(%dma_wait3A_378 : memref<10000x128xf32, #tpu.memory_space<hbm>>) dst(%arg7 : memref<80x128xf32, #tpu.memory_space<vmem>>)
      %mul3A_379 = arith.constant 80 : i32
      %mul3A_380 = arith.muli %add3A_357, %mul3A_379 : i32
      %add3A_381 = arith.constant 3200 : i32
      %add3A_382 = arith.addi %add3A_381, %mul3A_380 : i32
      %dma_wait3A_383 = tpu.memref_slice %arg5[%add3A_382] : memref<16000xi32, #tpu.memory_space<vmem>> -> memref<80xi32, #tpu.memory_space<vmem>>
      %dma_wait3A_384 = arith.constant 0 : i32
      %dma_wait3A_385 = arith.constant 0 : i32
      %dma_wait3A_386 = tpu.memref_slice %arg3[%dma_wait3A_384, %dma_wait3A_385] : memref<10000x128xf32, #tpu.memory_space<hbm>> -> memref<10000x128xf32, #tpu.memory_space<hbm>>
      tpu.wait_indirect_dma semaphore(%arg11 : memref<!tpu.dma_semaphore, #tpu.memory_space<semaphore_mem>>) src(%dma_wait3A_386 : memref<10000x128xf32, #tpu.memory_space<hbm>>) dst(%arg7 : memref<80x128xf32, #tpu.memory_space<vmem>>)
      %mul3A_387 = arith.constant 80 : i32
      %mul3A_388 = arith.muli %add3A_357, %mul3A_387 : i32
      %add3A_389 = arith.constant 4800 : i32
      %add3A_390 = arith.addi %add3A_389, %mul3A_388 : i32
      %dma_wait3A_391 = tpu.memref_slice %arg5[%add3A_390] : memref<16000xi32, #tpu.memory_space<vmem>> -> memref<80xi32, #tpu.memory_space<vmem>>
      %dma_wait3A_392 = arith.constant 0 : i32
      %dma_wait3A_393 = arith.constant 0 : i32
      %dma_wait3A_394 = tpu.memref_slice %arg3[%dma_wait3A_392, %dma_wait3A_393] : memref<10000x128xf32, #tpu.memory_space<hbm>> -> memref<10000x128xf32, #tpu.memory_space<hbm>>
      tpu.wait_indirect_dma semaphore(%arg11 : memref<!tpu.dma_semaphore, #tpu.memory_space<semaphore_mem>>) src(%dma_wait3A_394 : memref<10000x128xf32, #tpu.memory_space<hbm>>) dst(%arg7 : memref<80x128xf32, #tpu.memory_space<vmem>>)
      %mul3A_395 = arith.constant 80 : i32
      %mul3A_396 = arith.muli %add3A_357, %mul3A_395 : i32
      %add3A_397 = arith.constant 6400 : i32
      %add3A_398 = arith.addi %add3A_397, %mul3A_396 : i32
      %dma_wait3A_399 = tpu.memref_slice %arg5[%add3A_398] : memref<16000xi32, #tpu.memory_space<vmem>> -> memref<80xi32, #tpu.memory_space<vmem>>
      %dma_wait3A_400 = arith.constant 0 : i32
      %dma_wait3A_401 = arith.constant 0 : i32
      %dma_wait3A_402 = tpu.memref_slice %arg3[%dma_wait3A_400, %dma_wait3A_401] : memref<10000x128xf32, #tpu.memory_space<hbm>> -> memref<10000x128xf32, #tpu.memory_space<hbm>>
      tpu.wait_indirect_dma semaphore(%arg11 : memref<!tpu.dma_semaphore, #tpu.memory_space<semaphore_mem>>) src(%dma_wait3A_402 : memref<10000x128xf32, #tpu.memory_space<hbm>>) dst(%arg7 : memref<80x128xf32, #tpu.memory_space<vmem>>)
      %mul3A_403 = arith.constant 80 : i32
      %mul3A_404 = arith.muli %add3A_357, %mul3A_403 : i32
      %add3A_405 = arith.constant 8000 : i32
      %add3A_406 = arith.addi %add3A_405, %mul3A_404 : i32
      %dma_wait3A_407 = tpu.memref_slice %arg5[%add3A_406] : memref<16000xi32, #tpu.memory_space<vmem>> -> memref<80xi32, #tpu.memory_space<vmem>>
      %dma_wait3A_408 = arith.constant 0 : i32
      %dma_wait3A_409 = arith.constant 0 : i32
      %dma_wait3A_410 = tpu.memref_slice %arg3[%dma_wait3A_408, %dma_wait3A_409] : memref<10000x128xf32, #tpu.memory_space<hbm>> -> memref<10000x128xf32, #tpu.memory_space<hbm>>
      tpu.wait_indirect_dma semaphore(%arg11 : memref<!tpu.dma_semaphore, #tpu.memory_space<semaphore_mem>>) src(%dma_wait3A_410 : memref<10000x128xf32, #tpu.memory_space<hbm>>) dst(%arg7 : memref<80x128xf32, #tpu.memory_space<vmem>>)
      %mul3A_411 = arith.constant 80 : i32
      %mul3A_412 = arith.muli %add3A_357, %mul3A_411 : i32
      %add3A_413 = arith.constant 9600 : i32
      %add3A_414 = arith.addi %add3A_413, %mul3A_412 : i32
      %dma_wait3A_415 = tpu.memref_slice %arg5[%add3A_414] : memref<16000xi32, #tpu.memory_space<vmem>> -> memref<80xi32, #tpu.memory_space<vmem>>
      %dma_wait3A_416 = arith.constant 0 : i32
      %dma_wait3A_417 = arith.constant 0 : i32
      %dma_wait3A_418 = tpu.memref_slice %arg3[%dma_wait3A_416, %dma_wait3A_417] : memref<10000x128xf32, #tpu.memory_space<hbm>> -> memref<10000x128xf32, #tpu.memory_space<hbm>>
      tpu.wait_indirect_dma semaphore(%arg11 : memref<!tpu.dma_semaphore, #tpu.memory_space<semaphore_mem>>) src(%dma_wait3A_418 : memref<10000x128xf32, #tpu.memory_space<hbm>>) dst(%arg7 : memref<80x128xf32, #tpu.memory_space<vmem>>)
      %mul3A_419 = arith.constant 80 : i32
      %mul3A_420 = arith.muli %add3A_357, %mul3A_419 : i32
      %add3A_421 = arith.constant 11200 : i32
      %add3A_422 = arith.addi %add3A_421, %mul3A_420 : i32
      %dma_wait3A_423 = tpu.memref_slice %arg5[%add3A_422] : memref<16000xi32, #tpu.memory_space<vmem>> -> memref<80xi32, #tpu.memory_space<vmem>>
      %dma_wait3A_424 = arith.constant 0 : i32
      %dma_wait3A_425 = arith.constant 0 : i32
      %dma_wait3A_426 = tpu.memref_slice %arg3[%dma_wait3A_424, %dma_wait3A_425] : memref<10000x128xf32, #tpu.memory_space<hbm>> -> memref<10000x128xf32, #tpu.memory_space<hbm>>
      tpu.wait_indirect_dma semaphore(%arg11 : memref<!tpu.dma_semaphore, #tpu.memory_space<semaphore_mem>>) src(%dma_wait3A_426 : memref<10000x128xf32, #tpu.memory_space<hbm>>) dst(%arg7 : memref<80x128xf32, #tpu.memory_space<vmem>>)
      %mul3A_427 = arith.constant 80 : i32
      %mul3A_428 = arith.muli %add3A_357, %mul3A_427 : i32
      %add3A_429 = arith.constant 12800 : i32
      %add3A_430 = arith.addi %add3A_429, %mul3A_428 : i32
      %dma_wait3A_431 = tpu.memref_slice %arg5[%add3A_430] : memref<16000xi32, #tpu.memory_space<vmem>> -> memref<80xi32, #tpu.memory_space<vmem>>
      %dma_wait3A_432 = arith.constant 0 : i32
      %dma_wait3A_433 = arith.constant 0 : i32
      %dma_wait3A_434 = tpu.memref_slice %arg3[%dma_wait3A_432, %dma_wait3A_433] : memref<10000x128xf32, #tpu.memory_space<hbm>> -> memref<10000x128xf32, #tpu.memory_space<hbm>>
      tpu.wait_indirect_dma semaphore(%arg11 : memref<!tpu.dma_semaphore, #tpu.memory_space<semaphore_mem>>) src(%dma_wait3A_434 : memref<10000x128xf32, #tpu.memory_space<hbm>>) dst(%arg7 : memref<80x128xf32, #tpu.memory_space<vmem>>)
      %mul3A_435 = arith.constant 80 : i32
      %mul3A_436 = arith.muli %add3A_357, %mul3A_435 : i32
      %add3A_437 = arith.constant 14400 : i32
      %add3A_438 = arith.addi %add3A_437, %mul3A_436 : i32
      %dma_wait3A_439 = tpu.memref_slice %arg5[%add3A_438] : memref<16000xi32, #tpu.memory_space<vmem>> -> memref<80xi32, #tpu.memory_space<vmem>>
      %dma_wait3A_440 = arith.constant 0 : i32
      %dma_wait3A_441 = arith.constant 0 : i32
      %dma_wait3A_442 = tpu.memref_slice %arg3[%dma_wait3A_440, %dma_wait3A_441] : memref<10000x128xf32, #tpu.memory_space<hbm>> -> memref<10000x128xf32, #tpu.memory_space<hbm>>
      tpu.wait_indirect_dma semaphore(%arg11 : memref<!tpu.dma_semaphore, #tpu.memory_space<semaphore_mem>>) src(%dma_wait3A_442 : memref<10000x128xf32, #tpu.memory_space<hbm>>) dst(%arg7 : memref<80x128xf32, #tpu.memory_space<vmem>>)
      %scan3A_443 = arith.constant 0 : i32
      %scan3A_444 = arith.constant 80 : i32
      %scan3A_445 = arith.addi %scan3A_443, %scan3A_444 : i32
      %scan3A_446 = arith.constant 1 : i32
      scf.for %scan3A_764 = %scan3A_443 to %scan3A_445 step %scan3A_446  : i32 {
        %mul3A_765 = arith.constant 1 : i32
        %mul3A_766 = arith.muli %scan3A_764, %mul3A_765 : i32
        %add3A_767 = arith.constant 0 : i32
        %add3A_768 = arith.addi %add3A_767, %mul3A_766 : i32
        %mul3A_769 = arith.constant 80 : i32
        %mul3A_770 = arith.muli %add3A_357, %mul3A_769 : i32
        %add3A_771 = arith.addi %mul3A_770, %add3A_768 : i32
        %broadcast_in_dim3A = vector.broadcast %add3A_771 : i32 to vector<16xi32>
        %gather3A = tpu.vector_load_idx %arg6[%broadcast_in_dim3A] : memref<1600xf32, #tpu.memory_space<vmem>>[vector<16xi32>], vector<16xf32>,
        %get3A = arith.index_cast %add3A_768 : i32 to index
        %get3A_772 = arith.constant 0 : index
        %get3A_773 = tpu.vector_load %arg7[%get3A, %get3A_772] {strides = array<i32>} : memref<80x128xf32, #tpu.memory_space<vmem>>, vector<16xf32>,
        %mul3A_774 = arith.mulf %get3A_773, %gather3A : vector<16xf32>
        %swap3A = arith.index_cast %add3A_768 : i32 to index
        %swap3A_775 = arith.constant 0 : index
        %swap3A_776 = tpu.vector_load %arg7[%swap3A, %swap3A_775] {strides = array<i32>} : memref<80x128xf32, #tpu.memory_space<vmem>>, vector<16xf32>,
        tpu.vector_store %arg7[%swap3A, %swap3A_775], %mul3A_774 {strides = array<i32>} : memref<80x128xf32, #tpu.memory_space<vmem>>, vector<16xf32>,
        %get3A_777 = arith.index_cast %add3A_768 : i32 to index
        %get3A_778 = arith.constant 16 : index
        %get3A_779 = tpu.vector_load %arg7[%get3A_777, %get3A_778] {strides = array<i32>} : memref<80x128xf32, #tpu.memory_space<vmem>>, vector<16xf32>,
        %mul3A_780 = arith.mulf %get3A_779, %gather3A : vector<16xf32>
        %swap3A_781 = arith.index_cast %add3A_768 : i32 to index
        %swap3A_782 = arith.constant 16 : index
        %swap3A_783 = tpu.vector_load %arg7[%swap3A_781, %swap3A_782] {strides = array<i32>} : memref<80x128xf32, #tpu.memory_space<vmem>>, vector<16xf32>,
        tpu.vector_store %arg7[%swap3A_781, %swap3A_782], %mul3A_780 {strides = array<i32>} : memref<80x128xf32, #tpu.memory_space<vmem>>, vector<16xf32>,
        %get3A_784 = arith.index_cast %add3A_768 : i32 to index
        %get3A_785 = arith.constant 32 : index
        %get3A_786 = tpu.vector_load %arg7[%get3A_784, %get3A_785] {strides = array<i32>} : memref<80x128xf32, #tpu.memory_space<vmem>>, vector<16xf32>,
        %mul3A_787 = arith.mulf %get3A_786, %gather3A : vector<16xf32>
        %swap3A_788 = arith.index_cast %add3A_768 : i32 to index
        %swap3A_789 = arith.constant 32 : index
        %swap3A_790 = tpu.vector_load %arg7[%swap3A_788, %swap3A_789] {strides = array<i32>} : memref<80x128xf32, #tpu.memory_space<vmem>>, vector<16xf32>,
        tpu.vector_store %arg7[%swap3A_788, %swap3A_789], %mul3A_787 {strides = array<i32>} : memref<80x128xf32, #tpu.memory_space<vmem>>, vector<16xf32>,
        %get3A_791 = arith.index_cast %add3A_768 : i32 to index
        %get3A_792 = arith.constant 48 : index
        %get3A_793 = tpu.vector_load %arg7[%get3A_791, %get3A_792] {strides = array<i32>} : memref<80x128xf32, #tpu.memory_space<vmem>>, vector<16xf32>,
        %mul3A_794 = arith.mulf %get3A_793, %gather3A : vector<16xf32>
        %swap3A_795 = arith.index_cast %add3A_768 : i32 to index
        %swap3A_796 = arith.constant 48 : index
        %swap3A_797 = tpu.vector_load %arg7[%swap3A_795, %swap3A_796] {strides = array<i32>} : memref<80x128xf32, #tpu.memory_space<vmem>>, vector<16xf32>,
        tpu.vector_store %arg7[%swap3A_795, %swap3A_796], %mul3A_794 {strides = array<i32>} : memref<80x128xf32, #tpu.memory_space<vmem>>, vector<16xf32>,
        %get3A_798 = arith.index_cast %add3A_768 : i32 to index
        %get3A_799 = arith.constant 64 : index
        %get3A_800 = tpu.vector_load %arg7[%get3A_798, %get3A_799] {strides = array<i32>} : memref<80x128xf32, #tpu.memory_space<vmem>>, vector<16xf32>,
        %mul3A_801 = arith.mulf %get3A_800, %gather3A : vector<16xf32>
        %swap3A_802 = arith.index_cast %add3A_768 : i32 to index
        %swap3A_803 = arith.constant 64 : index
        %swap3A_804 = tpu.vector_load %arg7[%swap3A_802, %swap3A_803] {strides = array<i32>} : memref<80x128xf32, #tpu.memory_space<vmem>>, vector<16xf32>,
        tpu.vector_store %arg7[%swap3A_802, %swap3A_803], %mul3A_801 {strides = array<i32>} : memref<80x128xf32, #tpu.memory_space<vmem>>, vector<16xf32>,
        %get3A_805 = arith.index_cast %add3A_768 : i32 to index
        %get3A_806 = arith.constant 80 : index
        %get3A_807 = tpu.vector_load %arg7[%get3A_805, %get3A_806] {strides = array<i32>} : memref<80x128xf32, #tpu.memory_space<vmem>>, vector<16xf32>,
        %mul3A_808 = arith.mulf %get3A_807, %gather3A : vector<16xf32>
        %swap3A_809 = arith.index_cast %add3A_768 : i32 to index
        %swap3A_810 = arith.constant 80 : index
        %swap3A_811 = tpu.vector_load %arg7[%swap3A_809, %swap3A_810] {strides = array<i32>} : memref<80x128xf32, #tpu.memory_space<vmem>>, vector<16xf32>,
        tpu.vector_store %arg7[%swap3A_809, %swap3A_810], %mul3A_808 {strides = array<i32>} : memref<80x128xf32, #tpu.memory_space<vmem>>, vector<16xf32>,
        %get3A_812 = arith.index_cast %add3A_768 : i32 to index
        %get3A_813 = arith.constant 96 : index
        %get3A_814 = tpu.vector_load %arg7[%get3A_812, %get3A_813] {strides = array<i32>} : memref<80x128xf32, #tpu.memory_space<vmem>>, vector<16xf32>,
        %mul3A_815 = arith.mulf %get3A_814, %gather3A : vector<16xf32>
        %swap3A_816 = arith.index_cast %add3A_768 : i32 to index
        %swap3A_817 = arith.constant 96 : index
        %swap3A_818 = tpu.vector_load %arg7[%swap3A_816, %swap3A_817] {strides = array<i32>} : memref<80x128xf32, #tpu.memory_space<vmem>>, vector<16xf32>,
        tpu.vector_store %arg7[%swap3A_816, %swap3A_817], %mul3A_815 {strides = array<i32>} : memref<80x128xf32, #tpu.memory_space<vmem>>, vector<16xf32>,
        %get3A_819 = arith.index_cast %add3A_768 : i32 to index
        %get3A_820 = arith.constant 112 : index
        %get3A_821 = tpu.vector_load %arg7[%get3A_819, %get3A_820] {strides = array<i32>} : memref<80x128xf32, #tpu.memory_space<vmem>>, vector<16xf32>,
        %mul3A_822 = arith.mulf %get3A_821, %gather3A : vector<16xf32>
        %swap3A_823 = arith.index_cast %add3A_768 : i32 to index
        %swap3A_824 = arith.constant 112 : index
        %swap3A_825 = tpu.vector_load %arg7[%swap3A_823, %swap3A_824] {strides = array<i32>} : memref<80x128xf32, #tpu.memory_space<vmem>>, vector<16xf32>,
        tpu.vector_store %arg7[%swap3A_823, %swap3A_824], %mul3A_822 {strides = array<i32>} : memref<80x128xf32, #tpu.memory_space<vmem>>, vector<16xf32>,
      }
      %scan3A_447 = arith.constant 80 : i32
      %mul3A_448 = arith.constant 80 : i32
      %mul3A_449 = arith.muli %add3A_357, %mul3A_448 : i32
      %add3A_450 = arith.addi %mul3A_2, %mul3A_449 : i32
      %dma_start3A_451 = arith.constant 0 : i32
      %dma_start3A_452 = tpu.memref_slice %arg4[%add3A_450, %dma_start3A_451] : memref<51200x128xf32, #tpu.memory_space<hbm>> -> memref<80x128xf32, #tpu.memory_space<hbm>>
      %dma_start3A_453 = arith.constant 0 : i32
      %dma_start3A_454 = tpu.memref_slice %arg4[%add3A_450, %dma_start3A_453] : memref<51200x128xf32, #tpu.memory_space<hbm>> -> memref<80x128xf32, #tpu.memory_space<hbm>>
      tpu.enqueue_dma source(%arg7 : memref<80x128xf32, #tpu.memory_space<vmem>>) target(%dma_start3A_454 : memref<80x128xf32, #tpu.memory_space<hbm>>) target_semaphore(%arg15 : memref<!tpu.dma_semaphore, #tpu.memory_space<semaphore_mem>>)
      %add3A_455 = arith.constant 1 : i32
      %add3A_456 = arith.addi %add3A_355, %add3A_455 : i32
      %add3A_457 = arith.constant 4 : i32
      %add3A_458 = arith.addi %add3A_456, %add3A_457 : i32
      %sub3A_459 = arith.constant 1 : i32
      %sub3A_460 = arith.subi %add3A_458, %sub3A_459 : i32
      %lt3A_461 = arith.constant 20 : i32
      %lt3A_462 = arith.cmpi slt, %sub3A_460, %lt3A_461 : i32
      %convert_element_type3A_463 = arith.extui %lt3A_462 : i1 to i32
      %cond3A_464 = arith.constant 0 : i32
      %cond3A_465 = arith.cmpi ne, %convert_element_type3A_463, %cond3A_464 : i32
      scf.if %cond3A_465 {
        %ge3A = arith.constant 1 : i32
        %ge3A_764 = arith.cmpi sge, %add3A_456, %ge3A : i32
        %convert_element_type3A_765 = arith.extui %ge3A_764 : i1 to i32
        %cond3A_766 = arith.constant 0 : i32
        %cond3A_767 = arith.cmpi ne, %convert_element_type3A_765, %cond3A_766 : i32
        scf.if %cond3A_767 {
          %dma_wait3A_857 = arith.constant 0 : i32
          %dma_wait3A_858 = tpu.memref_slice %arg4[%mul3A_2, %dma_wait3A_857] : memref<51200x128xf32, #tpu.memory_space<hbm>> -> memref<80x128xf32, #tpu.memory_space<hbm>>
          %dma_wait3A_859 = arith.constant 0 : i32
          %dma_wait3A_860 = tpu.memref_slice %arg4[%mul3A_2, %dma_wait3A_859] : memref<51200x128xf32, #tpu.memory_space<hbm>> -> memref<80x128xf32, #tpu.memory_space<hbm>>
          tpu.wait_dma2 semaphore(%arg15 : memref<!tpu.dma_semaphore, #tpu.memory_space<semaphore_mem>>) src(%arg7 : memref<80x128xf32, #tpu.memory_space<vmem>>) dst(%dma_wait3A_860 : memref<80x128xf32, #tpu.memory_space<hbm>>)
        } else {
        }
        %add3A_768 = arith.constant 4 : i32
        %add3A_769 = arith.addi %add3A_456, %add3A_768 : i32
        %sub3A_770 = arith.constant 1 : i32
        %sub3A_771 = arith.subi %add3A_769, %sub3A_770 : i32
        %scan3A_772 = arith.constant 0 : i32
        %scan3A_773 = arith.constant 80 : i32
        %scan3A_774 = arith.addi %scan3A_772, %scan3A_773 : i32
        %scan3A_775 = arith.constant 1 : i32
        scf.for %scan3A_857 = %scan3A_772 to %scan3A_774 step %scan3A_775  : i32 {
          %mul3A_858 = arith.constant 1 : i32
          %mul3A_859 = arith.muli %scan3A_857, %mul3A_858 : i32
          %add3A_860 = arith.constant 0 : i32
          %add3A_861 = arith.addi %add3A_860, %mul3A_859 : i32
          %broadcast_in_dim3A = arith.constant 0.000000e+00 : f32
          %broadcast_in_dim3A_862 = vector.broadcast %broadcast_in_dim3A : f32 to vector<16xf32>
          %swap3A = arith.index_cast %add3A_861 : i32 to index
          %swap3A_863 = arith.constant 0 : index
          %swap3A_864 = tpu.vector_load %arg7[%swap3A, %swap3A_863] {strides = array<i32>} : memref<80x128xf32, #tpu.memory_space<vmem>>, vector<16xf32>,
          tpu.vector_store %arg7[%swap3A, %swap3A_863], %broadcast_in_dim3A_862 {strides = array<i32>} : memref<80x128xf32, #tpu.memory_space<vmem>>, vector<16xf32>,
          %broadcast_in_dim3A_865 = arith.constant 0.000000e+00 : f32
          %broadcast_in_dim3A_866 = vector.broadcast %broadcast_in_dim3A_865 : f32 to vector<16xf32>
          %swap3A_867 = arith.index_cast %add3A_861 : i32 to index
          %swap3A_868 = arith.constant 16 : index
          %swap3A_869 = tpu.vector_load %arg7[%swap3A_867, %swap3A_868] {strides = array<i32>} : memref<80x128xf32, #tpu.memory_space<vmem>>, vector<16xf32>,
          tpu.vector_store %arg7[%swap3A_867, %swap3A_868], %broadcast_in_dim3A_866 {strides = array<i32>} : memref<80x128xf32, #tpu.memory_space<vmem>>, vector<16xf32>,
          %broadcast_in_dim3A_870 = arith.constant 0.000000e+00 : f32
          %broadcast_in_dim3A_871 = vector.broadcast %broadcast_in_dim3A_870 : f32 to vector<16xf32>
          %swap3A_872 = arith.index_cast %add3A_861 : i32 to index
          %swap3A_873 = arith.constant 32 : index
          %swap3A_874 = tpu.vector_load %arg7[%swap3A_872, %swap3A_873] {strides = array<i32>} : memref<80x128xf32, #tpu.memory_space<vmem>>, vector<16xf32>,
          tpu.vector_store %arg7[%swap3A_872, %swap3A_873], %broadcast_in_dim3A_871 {strides = array<i32>} : memref<80x128xf32, #tpu.memory_space<vmem>>, vector<16xf32>,
          %broadcast_in_dim3A_875 = arith.constant 0.000000e+00 : f32
          %broadcast_in_dim3A_876 = vector.broadcast %broadcast_in_dim3A_875 : f32 to vector<16xf32>
          %swap3A_877 = arith.index_cast %add3A_861 : i32 to index
          %swap3A_878 = arith.constant 48 : index
          %swap3A_879 = tpu.vector_load %arg7[%swap3A_877, %swap3A_878] {strides = array<i32>} : memref<80x128xf32, #tpu.memory_space<vmem>>, vector<16xf32>,
          tpu.vector_store %arg7[%swap3A_877, %swap3A_878], %broadcast_in_dim3A_876 {strides = array<i32>} : memref<80x128xf32, #tpu.memory_space<vmem>>, vector<16xf32>,
          %broadcast_in_dim3A_880 = arith.constant 0.000000e+00 : f32
          %broadcast_in_dim3A_881 = vector.broadcast %broadcast_in_dim3A_880 : f32 to vector<16xf32>
          %swap3A_882 = arith.index_cast %add3A_861 : i32 to index
          %swap3A_883 = arith.constant 64 : index
          %swap3A_884 = tpu.vector_load %arg7[%swap3A_882, %swap3A_883] {strides = array<i32>} : memref<80x128xf32, #tpu.memory_space<vmem>>, vector<16xf32>,
          tpu.vector_store %arg7[%swap3A_882, %swap3A_883], %broadcast_in_dim3A_881 {strides = array<i32>} : memref<80x128xf32, #tpu.memory_space<vmem>>, vector<16xf32>,
          %broadcast_in_dim3A_885 = arith.constant 0.000000e+00 : f32
          %broadcast_in_dim3A_886 = vector.broadcast %broadcast_in_dim3A_885 : f32 to vector<16xf32>
          %swap3A_887 = arith.index_cast %add3A_861 : i32 to index
          %swap3A_888 = arith.constant 80 : index
          %swap3A_889 = tpu.vector_load %arg7[%swap3A_887, %swap3A_888] {strides = array<i32>} : memref<80x128xf32, #tpu.memory_space<vmem>>, vector<16xf32>,
          tpu.vector_store %arg7[%swap3A_887, %swap3A_888], %broadcast_in_dim3A_886 {strides = array<i32>} : memref<80x128xf32, #tpu.memory_space<vmem>>, vector<16xf32>,
          %broadcast_in_dim3A_890 = arith.constant 0.000000e+00 : f32
          %broadcast_in_dim3A_891 = vector.broadcast %broadcast_in_dim3A_890 : f32 to vector<16xf32>
          %swap3A_892 = arith.index_cast %add3A_861 : i32 to index
          %swap3A_893 = arith.constant 96 : index
          %swap3A_894 = tpu.vector_load %arg7[%swap3A_892, %swap3A_893] {strides = array<i32>} : memref<80x128xf32, #tpu.memory_space<vmem>>, vector<16xf32>,
          tpu.vector_store %arg7[%swap3A_892, %swap3A_893], %broadcast_in_dim3A_891 {strides = array<i32>} : memref<80x128xf32, #tpu.memory_space<vmem>>, vector<16xf32>,
          %broadcast_in_dim3A_895 = arith.constant 0.000000e+00 : f32
          %broadcast_in_dim3A_896 = vector.broadcast %broadcast_in_dim3A_895 : f32 to vector<16xf32>
          %swap3A_897 = arith.index_cast %add3A_861 : i32 to index
          %swap3A_898 = arith.constant 112 : index
          %swap3A_899 = tpu.vector_load %arg7[%swap3A_897, %swap3A_898] {strides = array<i32>} : memref<80x128xf32, #tpu.memory_space<vmem>>, vector<16xf32>,
          tpu.vector_store %arg7[%swap3A_897, %swap3A_898], %broadcast_in_dim3A_896 {strides = array<i32>} : memref<80x128xf32, #tpu.memory_space<vmem>>, vector<16xf32>,
        }
        %scan3A_776 = arith.constant 80 : i32
        %mul3A_777 = arith.constant 80 : i32
        %mul3A_778 = arith.muli %sub3A_771, %mul3A_777 : i32
        %add3A_779 = arith.constant 0 : i32
        %add3A_780 = arith.addi %add3A_779, %mul3A_778 : i32
        %dma_start3A_781 = tpu.memref_slice %arg5[%add3A_780] : memref<16000xi32, #tpu.memory_space<vmem>> -> memref<80xi32, #tpu.memory_space<vmem>>
        %dma_start3A_782 = arith.constant 0 : i32
        %dma_start3A_783 = arith.constant 0 : i32
        %dma_start3A_784 = tpu.memref_slice %arg3[%dma_start3A_782, %dma_start3A_783] : memref<10000x128xf32, #tpu.memory_space<hbm>> -> memref<10000x128xf32, #tpu.memory_space<hbm>>
        tpu.enqueue_indirect_dma source(%dma_start3A_784 : memref<10000x128xf32, #tpu.memory_space<hbm>>) target(%arg7 : memref<80x128xf32, #tpu.memory_space<vmem>>) offsets(%dma_start3A_781 : memref<80xi32, #tpu.memory_space<vmem>>) semaphore(%arg11 : memref<!tpu.dma_semaphore, #tpu.memory_space<semaphore_mem>>) {add = true}
        %mul3A_785 = arith.constant 80 : i32
        %mul3A_786 = arith.muli %sub3A_771, %mul3A_785 : i32
        %add3A_787 = arith.constant 1600 : i32
        %add3A_788 = arith.addi %add3A_787, %mul3A_786 : i32
        %dma_start3A_789 = tpu.memref_slice %arg5[%add3A_788] : memref<16000xi32, #tpu.memory_space<vmem>> -> memref<80xi32, #tpu.memory_space<vmem>>
        %dma_start3A_790 = arith.constant 0 : i32
        %dma_start3A_791 = arith.constant 0 : i32
        %dma_start3A_792 = tpu.memref_slice %arg3[%dma_start3A_790, %dma_start3A_791] : memref<10000x128xf32, #tpu.memory_space<hbm>> -> memref<10000x128xf32, #tpu.memory_space<hbm>>
        tpu.enqueue_indirect_dma source(%dma_start3A_792 : memref<10000x128xf32, #tpu.memory_space<hbm>>) target(%arg7 : memref<80x128xf32, #tpu.memory_space<vmem>>) offsets(%dma_start3A_789 : memref<80xi32, #tpu.memory_space<vmem>>) semaphore(%arg11 : memref<!tpu.dma_semaphore, #tpu.memory_space<semaphore_mem>>) {add = true}
        %mul3A_793 = arith.constant 80 : i32
        %mul3A_794 = arith.muli %sub3A_771, %mul3A_793 : i32
        %add3A_795 = arith.constant 3200 : i32
        %add3A_796 = arith.addi %add3A_795, %mul3A_794 : i32
        %dma_start3A_797 = tpu.memref_slice %arg5[%add3A_796] : memref<16000xi32, #tpu.memory_space<vmem>> -> memref<80xi32, #tpu.memory_space<vmem>>
        %dma_start3A_798 = arith.constant 0 : i32
        %dma_start3A_799 = arith.constant 0 : i32
        %dma_start3A_800 = tpu.memref_slice %arg3[%dma_start3A_798, %dma_start3A_799] : memref<10000x128xf32, #tpu.memory_space<hbm>> -> memref<10000x128xf32, #tpu.memory_space<hbm>>
        tpu.enqueue_indirect_dma source(%dma_start3A_800 : memref<10000x128xf32, #tpu.memory_space<hbm>>) target(%arg7 : memref<80x128xf32, #tpu.memory_space<vmem>>) offsets(%dma_start3A_797 : memref<80xi32, #tpu.memory_space<vmem>>) semaphore(%arg11 : memref<!tpu.dma_semaphore, #tpu.memory_space<semaphore_mem>>) {add = true}
        %mul3A_801 = arith.constant 80 : i32
        %mul3A_802 = arith.muli %sub3A_771, %mul3A_801 : i32
        %add3A_803 = arith.constant 4800 : i32
        %add3A_804 = arith.addi %add3A_803, %mul3A_802 : i32
        %dma_start3A_805 = tpu.memref_slice %arg5[%add3A_804] : memref<16000xi32, #tpu.memory_space<vmem>> -> memref<80xi32, #tpu.memory_space<vmem>>
        %dma_start3A_806 = arith.constant 0 : i32
        %dma_start3A_807 = arith.constant 0 : i32
        %dma_start3A_808 = tpu.memref_slice %arg3[%dma_start3A_806, %dma_start3A_807] : memref<10000x128xf32, #tpu.memory_space<hbm>> -> memref<10000x128xf32, #tpu.memory_space<hbm>>
        tpu.enqueue_indirect_dma source(%dma_start3A_808 : memref<10000x128xf32, #tpu.memory_space<hbm>>) target(%arg7 : memref<80x128xf32, #tpu.memory_space<vmem>>) offsets(%dma_start3A_805 : memref<80xi32, #tpu.memory_space<vmem>>) semaphore(%arg11 : memref<!tpu.dma_semaphore, #tpu.memory_space<semaphore_mem>>) {add = true}
        %mul3A_809 = arith.constant 80 : i32
        %mul3A_810 = arith.muli %sub3A_771, %mul3A_809 : i32
        %add3A_811 = arith.constant 6400 : i32
        %add3A_812 = arith.addi %add3A_811, %mul3A_810 : i32
        %dma_start3A_813 = tpu.memref_slice %arg5[%add3A_812] : memref<16000xi32, #tpu.memory_space<vmem>> -> memref<80xi32, #tpu.memory_space<vmem>>
        %dma_start3A_814 = arith.constant 0 : i32
        %dma_start3A_815 = arith.constant 0 : i32
        %dma_start3A_816 = tpu.memref_slice %arg3[%dma_start3A_814, %dma_start3A_815] : memref<10000x128xf32, #tpu.memory_space<hbm>> -> memref<10000x128xf32, #tpu.memory_space<hbm>>
        tpu.enqueue_indirect_dma source(%dma_start3A_816 : memref<10000x128xf32, #tpu.memory_space<hbm>>) target(%arg7 : memref<80x128xf32, #tpu.memory_space<vmem>>) offsets(%dma_start3A_813 : memref<80xi32, #tpu.memory_space<vmem>>) semaphore(%arg11 : memref<!tpu.dma_semaphore, #tpu.memory_space<semaphore_mem>>) {add = true}
        %mul3A_817 = arith.constant 80 : i32
        %mul3A_818 = arith.muli %sub3A_771, %mul3A_817 : i32
        %add3A_819 = arith.constant 8000 : i32
        %add3A_820 = arith.addi %add3A_819, %mul3A_818 : i32
        %dma_start3A_821 = tpu.memref_slice %arg5[%add3A_820] : memref<16000xi32, #tpu.memory_space<vmem>> -> memref<80xi32, #tpu.memory_space<vmem>>
        %dma_start3A_822 = arith.constant 0 : i32
        %dma_start3A_823 = arith.constant 0 : i32
        %dma_start3A_824 = tpu.memref_slice %arg3[%dma_start3A_822, %dma_start3A_823] : memref<10000x128xf32, #tpu.memory_space<hbm>> -> memref<10000x128xf32, #tpu.memory_space<hbm>>
        tpu.enqueue_indirect_dma source(%dma_start3A_824 : memref<10000x128xf32, #tpu.memory_space<hbm>>) target(%arg7 : memref<80x128xf32, #tpu.memory_space<vmem>>) offsets(%dma_start3A_821 : memref<80xi32, #tpu.memory_space<vmem>>) semaphore(%arg11 : memref<!tpu.dma_semaphore, #tpu.memory_space<semaphore_mem>>) {add = true}
        %mul3A_825 = arith.constant 80 : i32
        %mul3A_826 = arith.muli %sub3A_771, %mul3A_825 : i32
        %add3A_827 = arith.constant 9600 : i32
        %add3A_828 = arith.addi %add3A_827, %mul3A_826 : i32
        %dma_start3A_829 = tpu.memref_slice %arg5[%add3A_828] : memref<16000xi32, #tpu.memory_space<vmem>> -> memref<80xi32, #tpu.memory_space<vmem>>
        %dma_start3A_830 = arith.constant 0 : i32
        %dma_start3A_831 = arith.constant 0 : i32
        %dma_start3A_832 = tpu.memref_slice %arg3[%dma_start3A_830, %dma_start3A_831] : memref<10000x128xf32, #tpu.memory_space<hbm>> -> memref<10000x128xf32, #tpu.memory_space<hbm>>
        tpu.enqueue_indirect_dma source(%dma_start3A_832 : memref<10000x128xf32, #tpu.memory_space<hbm>>) target(%arg7 : memref<80x128xf32, #tpu.memory_space<vmem>>) offsets(%dma_start3A_829 : memref<80xi32, #tpu.memory_space<vmem>>) semaphore(%arg11 : memref<!tpu.dma_semaphore, #tpu.memory_space<semaphore_mem>>) {add = true}
        %mul3A_833 = arith.constant 80 : i32
        %mul3A_834 = arith.muli %sub3A_771, %mul3A_833 : i32
        %add3A_835 = arith.constant 11200 : i32
        %add3A_836 = arith.addi %add3A_835, %mul3A_834 : i32
        %dma_start3A_837 = tpu.memref_slice %arg5[%add3A_836] : memref<16000xi32, #tpu.memory_space<vmem>> -> memref<80xi32, #tpu.memory_space<vmem>>
        %dma_start3A_838 = arith.constant 0 : i32
        %dma_start3A_839 = arith.constant 0 : i32
        %dma_start3A_840 = tpu.memref_slice %arg3[%dma_start3A_838, %dma_start3A_839] : memref<10000x128xf32, #tpu.memory_space<hbm>> -> memref<10000x128xf32, #tpu.memory_space<hbm>>
        tpu.enqueue_indirect_dma source(%dma_start3A_840 : memref<10000x128xf32, #tpu.memory_space<hbm>>) target(%arg7 : memref<80x128xf32, #tpu.memory_space<vmem>>) offsets(%dma_start3A_837 : memref<80xi32, #tpu.memory_space<vmem>>) semaphore(%arg11 : memref<!tpu.dma_semaphore, #tpu.memory_space<semaphore_mem>>) {add = true}
        %mul3A_841 = arith.constant 80 : i32
        %mul3A_842 = arith.muli %sub3A_771, %mul3A_841 : i32
        %add3A_843 = arith.constant 12800 : i32
        %add3A_844 = arith.addi %add3A_843, %mul3A_842 : i32
        %dma_start3A_845 = tpu.memref_slice %arg5[%add3A_844] : memref<16000xi32, #tpu.memory_space<vmem>> -> memref<80xi32, #tpu.memory_space<vmem>>
        %dma_start3A_846 = arith.constant 0 : i32
        %dma_start3A_847 = arith.constant 0 : i32
        %dma_start3A_848 = tpu.memref_slice %arg3[%dma_start3A_846, %dma_start3A_847] : memref<10000x128xf32, #tpu.memory_space<hbm>> -> memref<10000x128xf32, #tpu.memory_space<hbm>>
        tpu.enqueue_indirect_dma source(%dma_start3A_848 : memref<10000x128xf32, #tpu.memory_space<hbm>>) target(%arg7 : memref<80x128xf32, #tpu.memory_space<vmem>>) offsets(%dma_start3A_845 : memref<80xi32, #tpu.memory_space<vmem>>) semaphore(%arg11 : memref<!tpu.dma_semaphore, #tpu.memory_space<semaphore_mem>>) {add = true}
        %mul3A_849 = arith.constant 80 : i32
        %mul3A_850 = arith.muli %sub3A_771, %mul3A_849 : i32
        %add3A_851 = arith.constant 14400 : i32
        %add3A_852 = arith.addi %add3A_851, %mul3A_850 : i32
        %dma_start3A_853 = tpu.memref_slice %arg5[%add3A_852] : memref<16000xi32, #tpu.memory_space<vmem>> -> memref<80xi32, #tpu.memory_space<vmem>>
        %dma_start3A_854 = arith.constant 0 : i32
        %dma_start3A_855 = arith.constant 0 : i32
        %dma_start3A_856 = tpu.memref_slice %arg3[%dma_start3A_854, %dma_start3A_855] : memref<10000x128xf32, #tpu.memory_space<hbm>> -> memref<10000x128xf32, #tpu.memory_space<hbm>>
        tpu.enqueue_indirect_dma source(%dma_start3A_856 : memref<10000x128xf32, #tpu.memory_space<hbm>>) target(%arg7 : memref<80x128xf32, #tpu.memory_space<vmem>>) offsets(%dma_start3A_853 : memref<80xi32, #tpu.memory_space<vmem>>) semaphore(%arg11 : memref<!tpu.dma_semaphore, #tpu.memory_space<semaphore_mem>>) {add = true}
      } else {
      }
      %mul3A_466 = arith.constant 80 : i32
      %mul3A_467 = arith.muli %add3A_456, %mul3A_466 : i32
      %add3A_468 = arith.constant 0 : i32
      %add3A_469 = arith.addi %add3A_468, %mul3A_467 : i32
      %dma_wait3A_470 = tpu.memref_slice %arg5[%add3A_469] : memref<16000xi32, #tpu.memory_space<vmem>> -> memref<80xi32, #tpu.memory_space<vmem>>
      %dma_wait3A_471 = arith.constant 0 : i32
      %dma_wait3A_472 = arith.constant 0 : i32
      %dma_wait3A_473 = tpu.memref_slice %arg3[%dma_wait3A_471, %dma_wait3A_472] : memref<10000x128xf32, #tpu.memory_space<hbm>> -> memref<10000x128xf32, #tpu.memory_space<hbm>>
      tpu.wait_indirect_dma semaphore(%arg12 : memref<!tpu.dma_semaphore, #tpu.memory_space<semaphore_mem>>) src(%dma_wait3A_473 : memref<10000x128xf32, #tpu.memory_space<hbm>>) dst(%arg8 : memref<80x128xf32, #tpu.memory_space<vmem>>)
      %mul3A_474 = arith.constant 80 : i32
      %mul3A_475 = arith.muli %add3A_456, %mul3A_474 : i32
      %add3A_476 = arith.constant 1600 : i32
      %add3A_477 = arith.addi %add3A_476, %mul3A_475 : i32
      %dma_wait3A_478 = tpu.memref_slice %arg5[%add3A_477] : memref<16000xi32, #tpu.memory_space<vmem>> -> memref<80xi32, #tpu.memory_space<vmem>>
      %dma_wait3A_479 = arith.constant 0 : i32
      %dma_wait3A_480 = arith.constant 0 : i32
      %dma_wait3A_481 = tpu.memref_slice %arg3[%dma_wait3A_479, %dma_wait3A_480] : memref<10000x128xf32, #tpu.memory_space<hbm>> -> memref<10000x128xf32, #tpu.memory_space<hbm>>
      tpu.wait_indirect_dma semaphore(%arg12 : memref<!tpu.dma_semaphore, #tpu.memory_space<semaphore_mem>>) src(%dma_wait3A_481 : memref<10000x128xf32, #tpu.memory_space<hbm>>) dst(%arg8 : memref<80x128xf32, #tpu.memory_space<vmem>>)
      %mul3A_482 = arith.constant 80 : i32
      %mul3A_483 = arith.muli %add3A_456, %mul3A_482 : i32
      %add3A_484 = arith.constant 3200 : i32
      %add3A_485 = arith.addi %add3A_484, %mul3A_483 : i32
      %dma_wait3A_486 = tpu.memref_slice %arg5[%add3A_485] : memref<16000xi32, #tpu.memory_space<vmem>> -> memref<80xi32, #tpu.memory_space<vmem>>
      %dma_wait3A_487 = arith.constant 0 : i32
      %dma_wait3A_488 = arith.constant 0 : i32
      %dma_wait3A_489 = tpu.memref_slice %arg3[%dma_wait3A_487, %dma_wait3A_488] : memref<10000x128xf32, #tpu.memory_space<hbm>> -> memref<10000x128xf32, #tpu.memory_space<hbm>>
      tpu.wait_indirect_dma semaphore(%arg12 : memref<!tpu.dma_semaphore, #tpu.memory_space<semaphore_mem>>) src(%dma_wait3A_489 : memref<10000x128xf32, #tpu.memory_space<hbm>>) dst(%arg8 : memref<80x128xf32, #tpu.memory_space<vmem>>)
      %mul3A_490 = arith.constant 80 : i32
      %mul3A_491 = arith.muli %add3A_456, %mul3A_490 : i32
      %add3A_492 = arith.constant 4800 : i32
      %add3A_493 = arith.addi %add3A_492, %mul3A_491 : i32
      %dma_wait3A_494 = tpu.memref_slice %arg5[%add3A_493] : memref<16000xi32, #tpu.memory_space<vmem>> -> memref<80xi32, #tpu.memory_space<vmem>>
      %dma_wait3A_495 = arith.constant 0 : i32
      %dma_wait3A_496 = arith.constant 0 : i32
      %dma_wait3A_497 = tpu.memref_slice %arg3[%dma_wait3A_495, %dma_wait3A_496] : memref<10000x128xf32, #tpu.memory_space<hbm>> -> memref<10000x128xf32, #tpu.memory_space<hbm>>
      tpu.wait_indirect_dma semaphore(%arg12 : memref<!tpu.dma_semaphore, #tpu.memory_space<semaphore_mem>>) src(%dma_wait3A_497 : memref<10000x128xf32, #tpu.memory_space<hbm>>) dst(%arg8 : memref<80x128xf32, #tpu.memory_space<vmem>>)
      %mul3A_498 = arith.constant 80 : i32
      %mul3A_499 = arith.muli %add3A_456, %mul3A_498 : i32
      %add3A_500 = arith.constant 6400 : i32
      %add3A_501 = arith.addi %add3A_500, %mul3A_499 : i32
      %dma_wait3A_502 = tpu.memref_slice %arg5[%add3A_501] : memref<16000xi32, #tpu.memory_space<vmem>> -> memref<80xi32, #tpu.memory_space<vmem>>
      %dma_wait3A_503 = arith.constant 0 : i32
      %dma_wait3A_504 = arith.constant 0 : i32
      %dma_wait3A_505 = tpu.memref_slice %arg3[%dma_wait3A_503, %dma_wait3A_504] : memref<10000x128xf32, #tpu.memory_space<hbm>> -> memref<10000x128xf32, #tpu.memory_space<hbm>>
      tpu.wait_indirect_dma semaphore(%arg12 : memref<!tpu.dma_semaphore, #tpu.memory_space<semaphore_mem>>) src(%dma_wait3A_505 : memref<10000x128xf32, #tpu.memory_space<hbm>>) dst(%arg8 : memref<80x128xf32, #tpu.memory_space<vmem>>)
      %mul3A_506 = arith.constant 80 : i32
      %mul3A_507 = arith.muli %add3A_456, %mul3A_506 : i32
      %add3A_508 = arith.constant 8000 : i32
      %add3A_509 = arith.addi %add3A_508, %mul3A_507 : i32
      %dma_wait3A_510 = tpu.memref_slice %arg5[%add3A_509] : memref<16000xi32, #tpu.memory_space<vmem>> -> memref<80xi32, #tpu.memory_space<vmem>>
      %dma_wait3A_511 = arith.constant 0 : i32
      %dma_wait3A_512 = arith.constant 0 : i32
      %dma_wait3A_513 = tpu.memref_slice %arg3[%dma_wait3A_511, %dma_wait3A_512] : memref<10000x128xf32, #tpu.memory_space<hbm>> -> memref<10000x128xf32, #tpu.memory_space<hbm>>
      tpu.wait_indirect_dma semaphore(%arg12 : memref<!tpu.dma_semaphore, #tpu.memory_space<semaphore_mem>>) src(%dma_wait3A_513 : memref<10000x128xf32, #tpu.memory_space<hbm>>) dst(%arg8 : memref<80x128xf32, #tpu.memory_space<vmem>>)
      %mul3A_514 = arith.constant 80 : i32
      %mul3A_515 = arith.muli %add3A_456, %mul3A_514 : i32
      %add3A_516 = arith.constant 9600 : i32
      %add3A_517 = arith.addi %add3A_516, %mul3A_515 : i32
      %dma_wait3A_518 = tpu.memref_slice %arg5[%add3A_517] : memref<16000xi32, #tpu.memory_space<vmem>> -> memref<80xi32, #tpu.memory_space<vmem>>
      %dma_wait3A_519 = arith.constant 0 : i32
      %dma_wait3A_520 = arith.constant 0 : i32
      %dma_wait3A_521 = tpu.memref_slice %arg3[%dma_wait3A_519, %dma_wait3A_520] : memref<10000x128xf32, #tpu.memory_space<hbm>> -> memref<10000x128xf32, #tpu.memory_space<hbm>>
      tpu.wait_indirect_dma semaphore(%arg12 : memref<!tpu.dma_semaphore, #tpu.memory_space<semaphore_mem>>) src(%dma_wait3A_521 : memref<10000x128xf32, #tpu.memory_space<hbm>>) dst(%arg8 : memref<80x128xf32, #tpu.memory_space<vmem>>)
      %mul3A_522 = arith.constant 80 : i32
      %mul3A_523 = arith.muli %add3A_456, %mul3A_522 : i32
      %add3A_524 = arith.constant 11200 : i32
      %add3A_525 = arith.addi %add3A_524, %mul3A_523 : i32
      %dma_wait3A_526 = tpu.memref_slice %arg5[%add3A_525] : memref<16000xi32, #tpu.memory_space<vmem>> -> memref<80xi32, #tpu.memory_space<vmem>>
      %dma_wait3A_527 = arith.constant 0 : i32
      %dma_wait3A_528 = arith.constant 0 : i32
      %dma_wait3A_529 = tpu.memref_slice %arg3[%dma_wait3A_527, %dma_wait3A_528] : memref<10000x128xf32, #tpu.memory_space<hbm>> -> memref<10000x128xf32, #tpu.memory_space<hbm>>
      tpu.wait_indirect_dma semaphore(%arg12 : memref<!tpu.dma_semaphore, #tpu.memory_space<semaphore_mem>>) src(%dma_wait3A_529 : memref<10000x128xf32, #tpu.memory_space<hbm>>) dst(%arg8 : memref<80x128xf32, #tpu.memory_space<vmem>>)
      %mul3A_530 = arith.constant 80 : i32
      %mul3A_531 = arith.muli %add3A_456, %mul3A_530 : i32
      %add3A_532 = arith.constant 12800 : i32
      %add3A_533 = arith.addi %add3A_532, %mul3A_531 : i32
      %dma_wait3A_534 = tpu.memref_slice %arg5[%add3A_533] : memref<16000xi32, #tpu.memory_space<vmem>> -> memref<80xi32, #tpu.memory_space<vmem>>
      %dma_wait3A_535 = arith.constant 0 : i32
      %dma_wait3A_536 = arith.constant 0 : i32
      %dma_wait3A_537 = tpu.memref_slice %arg3[%dma_wait3A_535, %dma_wait3A_536] : memref<10000x128xf32, #tpu.memory_space<hbm>> -> memref<10000x128xf32, #tpu.memory_space<hbm>>
      tpu.wait_indirect_dma semaphore(%arg12 : memref<!tpu.dma_semaphore, #tpu.memory_space<semaphore_mem>>) src(%dma_wait3A_537 : memref<10000x128xf32, #tpu.memory_space<hbm>>) dst(%arg8 : memref<80x128xf32, #tpu.memory_space<vmem>>)
      %mul3A_538 = arith.constant 80 : i32
      %mul3A_539 = arith.muli %add3A_456, %mul3A_538 : i32
      %add3A_540 = arith.constant 14400 : i32
      %add3A_541 = arith.addi %add3A_540, %mul3A_539 : i32
      %dma_wait3A_542 = tpu.memref_slice %arg5[%add3A_541] : memref<16000xi32, #tpu.memory_space<vmem>> -> memref<80xi32, #tpu.memory_space<vmem>>
      %dma_wait3A_543 = arith.constant 0 : i32
      %dma_wait3A_544 = arith.constant 0 : i32
      %dma_wait3A_545 = tpu.memref_slice %arg3[%dma_wait3A_543, %dma_wait3A_544] : memref<10000x128xf32, #tpu.memory_space<hbm>> -> memref<10000x128xf32, #tpu.memory_space<hbm>>
      tpu.wait_indirect_dma semaphore(%arg12 : memref<!tpu.dma_semaphore, #tpu.memory_space<semaphore_mem>>) src(%dma_wait3A_545 : memref<10000x128xf32, #tpu.memory_space<hbm>>) dst(%arg8 : memref<80x128xf32, #tpu.memory_space<vmem>>)
      %scan3A_546 = arith.constant 0 : i32
      %scan3A_547 = arith.constant 80 : i32
      %scan3A_548 = arith.addi %scan3A_546, %scan3A_547 : i32
      %scan3A_549 = arith.constant 1 : i32
      scf.for %scan3A_764 = %scan3A_546 to %scan3A_548 step %scan3A_549  : i32 {
        %mul3A_765 = arith.constant 1 : i32
        %mul3A_766 = arith.muli %scan3A_764, %mul3A_765 : i32
        %add3A_767 = arith.constant 0 : i32
        %add3A_768 = arith.addi %add3A_767, %mul3A_766 : i32
        %mul3A_769 = arith.constant 80 : i32
        %mul3A_770 = arith.muli %add3A_456, %mul3A_769 : i32
        %add3A_771 = arith.addi %mul3A_770, %add3A_768 : i32
        %broadcast_in_dim3A = vector.broadcast %add3A_771 : i32 to vector<16xi32>
        %gather3A = tpu.vector_load_idx %arg6[%broadcast_in_dim3A] : memref<1600xf32, #tpu.memory_space<vmem>>[vector<16xi32>], vector<16xf32>,
        %get3A = arith.index_cast %add3A_768 : i32 to index
        %get3A_772 = arith.constant 0 : index
        %get3A_773 = tpu.vector_load %arg8[%get3A, %get3A_772] {strides = array<i32>} : memref<80x128xf32, #tpu.memory_space<vmem>>, vector<16xf32>,
        %mul3A_774 = arith.mulf %get3A_773, %gather3A : vector<16xf32>
        %swap3A = arith.index_cast %add3A_768 : i32 to index
        %swap3A_775 = arith.constant 0 : index
        %swap3A_776 = tpu.vector_load %arg8[%swap3A, %swap3A_775] {strides = array<i32>} : memref<80x128xf32, #tpu.memory_space<vmem>>, vector<16xf32>,
        tpu.vector_store %arg8[%swap3A, %swap3A_775], %mul3A_774 {strides = array<i32>} : memref<80x128xf32, #tpu.memory_space<vmem>>, vector<16xf32>,
        %get3A_777 = arith.index_cast %add3A_768 : i32 to index
        %get3A_778 = arith.constant 16 : index
        %get3A_779 = tpu.vector_load %arg8[%get3A_777, %get3A_778] {strides = array<i32>} : memref<80x128xf32, #tpu.memory_space<vmem>>, vector<16xf32>,
        %mul3A_780 = arith.mulf %get3A_779, %gather3A : vector<16xf32>
        %swap3A_781 = arith.index_cast %add3A_768 : i32 to index
        %swap3A_782 = arith.constant 16 : index
        %swap3A_783 = tpu.vector_load %arg8[%swap3A_781, %swap3A_782] {strides = array<i32>} : memref<80x128xf32, #tpu.memory_space<vmem>>, vector<16xf32>,
        tpu.vector_store %arg8[%swap3A_781, %swap3A_782], %mul3A_780 {strides = array<i32>} : memref<80x128xf32, #tpu.memory_space<vmem>>, vector<16xf32>,
        %get3A_784 = arith.index_cast %add3A_768 : i32 to index
        %get3A_785 = arith.constant 32 : index
        %get3A_786 = tpu.vector_load %arg8[%get3A_784, %get3A_785] {strides = array<i32>} : memref<80x128xf32, #tpu.memory_space<vmem>>, vector<16xf32>,
        %mul3A_787 = arith.mulf %get3A_786, %gather3A : vector<16xf32>
        %swap3A_788 = arith.index_cast %add3A_768 : i32 to index
        %swap3A_789 = arith.constant 32 : index
        %swap3A_790 = tpu.vector_load %arg8[%swap3A_788, %swap3A_789] {strides = array<i32>} : memref<80x128xf32, #tpu.memory_space<vmem>>, vector<16xf32>,
        tpu.vector_store %arg8[%swap3A_788, %swap3A_789], %mul3A_787 {strides = array<i32>} : memref<80x128xf32, #tpu.memory_space<vmem>>, vector<16xf32>,
        %get3A_791 = arith.index_cast %add3A_768 : i32 to index
        %get3A_792 = arith.constant 48 : index
        %get3A_793 = tpu.vector_load %arg8[%get3A_791, %get3A_792] {strides = array<i32>} : memref<80x128xf32, #tpu.memory_space<vmem>>, vector<16xf32>,
        %mul3A_794 = arith.mulf %get3A_793, %gather3A : vector<16xf32>
        %swap3A_795 = arith.index_cast %add3A_768 : i32 to index
        %swap3A_796 = arith.constant 48 : index
        %swap3A_797 = tpu.vector_load %arg8[%swap3A_795, %swap3A_796] {strides = array<i32>} : memref<80x128xf32, #tpu.memory_space<vmem>>, vector<16xf32>,
        tpu.vector_store %arg8[%swap3A_795, %swap3A_796], %mul3A_794 {strides = array<i32>} : memref<80x128xf32, #tpu.memory_space<vmem>>, vector<16xf32>,
        %get3A_798 = arith.index_cast %add3A_768 : i32 to index
        %get3A_799 = arith.constant 64 : index
        %get3A_800 = tpu.vector_load %arg8[%get3A_798, %get3A_799] {strides = array<i32>} : memref<80x128xf32, #tpu.memory_space<vmem>>, vector<16xf32>,
        %mul3A_801 = arith.mulf %get3A_800, %gather3A : vector<16xf32>
        %swap3A_802 = arith.index_cast %add3A_768 : i32 to index
        %swap3A_803 = arith.constant 64 : index
        %swap3A_804 = tpu.vector_load %arg8[%swap3A_802, %swap3A_803] {strides = array<i32>} : memref<80x128xf32, #tpu.memory_space<vmem>>, vector<16xf32>,
        tpu.vector_store %arg8[%swap3A_802, %swap3A_803], %mul3A_801 {strides = array<i32>} : memref<80x128xf32, #tpu.memory_space<vmem>>, vector<16xf32>,
        %get3A_805 = arith.index_cast %add3A_768 : i32 to index
        %get3A_806 = arith.constant 80 : index
        %get3A_807 = tpu.vector_load %arg8[%get3A_805, %get3A_806] {strides = array<i32>} : memref<80x128xf32, #tpu.memory_space<vmem>>, vector<16xf32>,
        %mul3A_808 = arith.mulf %get3A_807, %gather3A : vector<16xf32>
        %swap3A_809 = arith.index_cast %add3A_768 : i32 to index
        %swap3A_810 = arith.constant 80 : index
        %swap3A_811 = tpu.vector_load %arg8[%swap3A_809, %swap3A_810] {strides = array<i32>} : memref<80x128xf32, #tpu.memory_space<vmem>>, vector<16xf32>,
        tpu.vector_store %arg8[%swap3A_809, %swap3A_810], %mul3A_808 {strides = array<i32>} : memref<80x128xf32, #tpu.memory_space<vmem>>, vector<16xf32>,
        %get3A_812 = arith.index_cast %add3A_768 : i32 to index
        %get3A_813 = arith.constant 96 : index
        %get3A_814 = tpu.vector_load %arg8[%get3A_812, %get3A_813] {strides = array<i32>} : memref<80x128xf32, #tpu.memory_space<vmem>>, vector<16xf32>,
        %mul3A_815 = arith.mulf %get3A_814, %gather3A : vector<16xf32>
        %swap3A_816 = arith.index_cast %add3A_768 : i32 to index
        %swap3A_817 = arith.constant 96 : index
        %swap3A_818 = tpu.vector_load %arg8[%swap3A_816, %swap3A_817] {strides = array<i32>} : memref<80x128xf32, #tpu.memory_space<vmem>>, vector<16xf32>,
        tpu.vector_store %arg8[%swap3A_816, %swap3A_817], %mul3A_815 {strides = array<i32>} : memref<80x128xf32, #tpu.memory_space<vmem>>, vector<16xf32>,
        %get3A_819 = arith.index_cast %add3A_768 : i32 to index
        %get3A_820 = arith.constant 112 : index
        %get3A_821 = tpu.vector_load %arg8[%get3A_819, %get3A_820] {strides = array<i32>} : memref<80x128xf32, #tpu.memory_space<vmem>>, vector<16xf32>,
        %mul3A_822 = arith.mulf %get3A_821, %gather3A : vector<16xf32>
        %swap3A_823 = arith.index_cast %add3A_768 : i32 to index
        %swap3A_824 = arith.constant 112 : index
        %swap3A_825 = tpu.vector_load %arg8[%swap3A_823, %swap3A_824] {strides = array<i32>} : memref<80x128xf32, #tpu.memory_space<vmem>>, vector<16xf32>,
        tpu.vector_store %arg8[%swap3A_823, %swap3A_824], %mul3A_822 {strides = array<i32>} : memref<80x128xf32, #tpu.memory_space<vmem>>, vector<16xf32>,
      }
      %scan3A_550 = arith.constant 80 : i32
      %mul3A_551 = arith.constant 80 : i32
      %mul3A_552 = arith.muli %add3A_456, %mul3A_551 : i32
      %add3A_553 = arith.addi %mul3A_2, %mul3A_552 : i32
      %dma_start3A_554 = arith.constant 0 : i32
      %dma_start3A_555 = tpu.memref_slice %arg4[%add3A_553, %dma_start3A_554] : memref<51200x128xf32, #tpu.memory_space<hbm>> -> memref<80x128xf32, #tpu.memory_space<hbm>>
      %dma_start3A_556 = arith.constant 0 : i32
      %dma_start3A_557 = tpu.memref_slice %arg4[%add3A_553, %dma_start3A_556] : memref<51200x128xf32, #tpu.memory_space<hbm>> -> memref<80x128xf32, #tpu.memory_space<hbm>>
      tpu.enqueue_dma source(%arg8 : memref<80x128xf32, #tpu.memory_space<vmem>>) target(%dma_start3A_557 : memref<80x128xf32, #tpu.memory_space<hbm>>) target_semaphore(%arg16 : memref<!tpu.dma_semaphore, #tpu.memory_space<semaphore_mem>>)
      %add3A_558 = arith.constant 2 : i32
      %add3A_559 = arith.addi %add3A_355, %add3A_558 : i32
      %add3A_560 = arith.constant 4 : i32
      %add3A_561 = arith.addi %add3A_559, %add3A_560 : i32
      %sub3A_562 = arith.constant 1 : i32
      %sub3A_563 = arith.subi %add3A_561, %sub3A_562 : i32
      %lt3A_564 = arith.constant 20 : i32
      %lt3A_565 = arith.cmpi slt, %sub3A_563, %lt3A_564 : i32
      %convert_element_type3A_566 = arith.extui %lt3A_565 : i1 to i32
      %cond3A_567 = arith.constant 0 : i32
      %cond3A_568 = arith.cmpi ne, %convert_element_type3A_566, %cond3A_567 : i32
      scf.if %cond3A_568 {
        %ge3A = arith.constant 1 : i32
        %ge3A_764 = arith.cmpi sge, %add3A_559, %ge3A : i32
        %convert_element_type3A_765 = arith.extui %ge3A_764 : i1 to i32
        %cond3A_766 = arith.constant 0 : i32
        %cond3A_767 = arith.cmpi ne, %convert_element_type3A_765, %cond3A_766 : i32
        scf.if %cond3A_767 {
          %dma_wait3A_857 = arith.constant 0 : i32
          %dma_wait3A_858 = tpu.memref_slice %arg4[%mul3A_2, %dma_wait3A_857] : memref<51200x128xf32, #tpu.memory_space<hbm>> -> memref<80x128xf32, #tpu.memory_space<hbm>>
          %dma_wait3A_859 = arith.constant 0 : i32
          %dma_wait3A_860 = tpu.memref_slice %arg4[%mul3A_2, %dma_wait3A_859] : memref<51200x128xf32, #tpu.memory_space<hbm>> -> memref<80x128xf32, #tpu.memory_space<hbm>>
          tpu.wait_dma2 semaphore(%arg16 : memref<!tpu.dma_semaphore, #tpu.memory_space<semaphore_mem>>) src(%arg8 : memref<80x128xf32, #tpu.memory_space<vmem>>) dst(%dma_wait3A_860 : memref<80x128xf32, #tpu.memory_space<hbm>>)
        } else {
        }
        %add3A_768 = arith.constant 4 : i32
        %add3A_769 = arith.addi %add3A_559, %add3A_768 : i32
        %sub3A_770 = arith.constant 1 : i32
        %sub3A_771 = arith.subi %add3A_769, %sub3A_770 : i32
        %scan3A_772 = arith.constant 0 : i32
        %scan3A_773 = arith.constant 80 : i32
        %scan3A_774 = arith.addi %scan3A_772, %scan3A_773 : i32
        %scan3A_775 = arith.constant 1 : i32
        scf.for %scan3A_857 = %scan3A_772 to %scan3A_774 step %scan3A_775  : i32 {
          %mul3A_858 = arith.constant 1 : i32
          %mul3A_859 = arith.muli %scan3A_857, %mul3A_858 : i32
          %add3A_860 = arith.constant 0 : i32
          %add3A_861 = arith.addi %add3A_860, %mul3A_859 : i32
          %broadcast_in_dim3A = arith.constant 0.000000e+00 : f32
          %broadcast_in_dim3A_862 = vector.broadcast %broadcast_in_dim3A : f32 to vector<16xf32>
          %swap3A = arith.index_cast %add3A_861 : i32 to index
          %swap3A_863 = arith.constant 0 : index
          %swap3A_864 = tpu.vector_load %arg8[%swap3A, %swap3A_863] {strides = array<i32>} : memref<80x128xf32, #tpu.memory_space<vmem>>, vector<16xf32>,
          tpu.vector_store %arg8[%swap3A, %swap3A_863], %broadcast_in_dim3A_862 {strides = array<i32>} : memref<80x128xf32, #tpu.memory_space<vmem>>, vector<16xf32>,
          %broadcast_in_dim3A_865 = arith.constant 0.000000e+00 : f32
          %broadcast_in_dim3A_866 = vector.broadcast %broadcast_in_dim3A_865 : f32 to vector<16xf32>
          %swap3A_867 = arith.index_cast %add3A_861 : i32 to index
          %swap3A_868 = arith.constant 16 : index
          %swap3A_869 = tpu.vector_load %arg8[%swap3A_867, %swap3A_868] {strides = array<i32>} : memref<80x128xf32, #tpu.memory_space<vmem>>, vector<16xf32>,
          tpu.vector_store %arg8[%swap3A_867, %swap3A_868], %broadcast_in_dim3A_866 {strides = array<i32>} : memref<80x128xf32, #tpu.memory_space<vmem>>, vector<16xf32>,
          %broadcast_in_dim3A_870 = arith.constant 0.000000e+00 : f32
          %broadcast_in_dim3A_871 = vector.broadcast %broadcast_in_dim3A_870 : f32 to vector<16xf32>
          %swap3A_872 = arith.index_cast %add3A_861 : i32 to index
          %swap3A_873 = arith.constant 32 : index
          %swap3A_874 = tpu.vector_load %arg8[%swap3A_872, %swap3A_873] {strides = array<i32>} : memref<80x128xf32, #tpu.memory_space<vmem>>, vector<16xf32>,
          tpu.vector_store %arg8[%swap3A_872, %swap3A_873], %broadcast_in_dim3A_871 {strides = array<i32>} : memref<80x128xf32, #tpu.memory_space<vmem>>, vector<16xf32>,
          %broadcast_in_dim3A_875 = arith.constant 0.000000e+00 : f32
          %broadcast_in_dim3A_876 = vector.broadcast %broadcast_in_dim3A_875 : f32 to vector<16xf32>
          %swap3A_877 = arith.index_cast %add3A_861 : i32 to index
          %swap3A_878 = arith.constant 48 : index
          %swap3A_879 = tpu.vector_load %arg8[%swap3A_877, %swap3A_878] {strides = array<i32>} : memref<80x128xf32, #tpu.memory_space<vmem>>, vector<16xf32>,
          tpu.vector_store %arg8[%swap3A_877, %swap3A_878], %broadcast_in_dim3A_876 {strides = array<i32>} : memref<80x128xf32, #tpu.memory_space<vmem>>, vector<16xf32>,
          %broadcast_in_dim3A_880 = arith.constant 0.000000e+00 : f32
          %broadcast_in_dim3A_881 = vector.broadcast %broadcast_in_dim3A_880 : f32 to vector<16xf32>
          %swap3A_882 = arith.index_cast %add3A_861 : i32 to index
          %swap3A_883 = arith.constant 64 : index
          %swap3A_884 = tpu.vector_load %arg8[%swap3A_882, %swap3A_883] {strides = array<i32>} : memref<80x128xf32, #tpu.memory_space<vmem>>, vector<16xf32>,
          tpu.vector_store %arg8[%swap3A_882, %swap3A_883], %broadcast_in_dim3A_881 {strides = array<i32>} : memref<80x128xf32, #tpu.memory_space<vmem>>, vector<16xf32>,
          %broadcast_in_dim3A_885 = arith.constant 0.000000e+00 : f32
          %broadcast_in_dim3A_886 = vector.broadcast %broadcast_in_dim3A_885 : f32 to vector<16xf32>
          %swap3A_887 = arith.index_cast %add3A_861 : i32 to index
          %swap3A_888 = arith.constant 80 : index
          %swap3A_889 = tpu.vector_load %arg8[%swap3A_887, %swap3A_888] {strides = array<i32>} : memref<80x128xf32, #tpu.memory_space<vmem>>, vector<16xf32>,
          tpu.vector_store %arg8[%swap3A_887, %swap3A_888], %broadcast_in_dim3A_886 {strides = array<i32>} : memref<80x128xf32, #tpu.memory_space<vmem>>, vector<16xf32>,
          %broadcast_in_dim3A_890 = arith.constant 0.000000e+00 : f32
          %broadcast_in_dim3A_891 = vector.broadcast %broadcast_in_dim3A_890 : f32 to vector<16xf32>
          %swap3A_892 = arith.index_cast %add3A_861 : i32 to index
          %swap3A_893 = arith.constant 96 : index
          %swap3A_894 = tpu.vector_load %arg8[%swap3A_892, %swap3A_893] {strides = array<i32>} : memref<80x128xf32, #tpu.memory_space<vmem>>, vector<16xf32>,
          tpu.vector_store %arg8[%swap3A_892, %swap3A_893], %broadcast_in_dim3A_891 {strides = array<i32>} : memref<80x128xf32, #tpu.memory_space<vmem>>, vector<16xf32>,
          %broadcast_in_dim3A_895 = arith.constant 0.000000e+00 : f32
          %broadcast_in_dim3A_896 = vector.broadcast %broadcast_in_dim3A_895 : f32 to vector<16xf32>
          %swap3A_897 = arith.index_cast %add3A_861 : i32 to index
          %swap3A_898 = arith.constant 112 : index
          %swap3A_899 = tpu.vector_load %arg8[%swap3A_897, %swap3A_898] {strides = array<i32>} : memref<80x128xf32, #tpu.memory_space<vmem>>, vector<16xf32>,
          tpu.vector_store %arg8[%swap3A_897, %swap3A_898], %broadcast_in_dim3A_896 {strides = array<i32>} : memref<80x128xf32, #tpu.memory_space<vmem>>, vector<16xf32>,
        }
        %scan3A_776 = arith.constant 80 : i32
        %mul3A_777 = arith.constant 80 : i32
        %mul3A_778 = arith.muli %sub3A_771, %mul3A_777 : i32
        %add3A_779 = arith.constant 0 : i32
        %add3A_780 = arith.addi %add3A_779, %mul3A_778 : i32
        %dma_start3A_781 = tpu.memref_slice %arg5[%add3A_780] : memref<16000xi32, #tpu.memory_space<vmem>> -> memref<80xi32, #tpu.memory_space<vmem>>
        %dma_start3A_782 = arith.constant 0 : i32
        %dma_start3A_783 = arith.constant 0 : i32
        %dma_start3A_784 = tpu.memref_slice %arg3[%dma_start3A_782, %dma_start3A_783] : memref<10000x128xf32, #tpu.memory_space<hbm>> -> memref<10000x128xf32, #tpu.memory_space<hbm>>
        tpu.enqueue_indirect_dma source(%dma_start3A_784 : memref<10000x128xf32, #tpu.memory_space<hbm>>) target(%arg8 : memref<80x128xf32, #tpu.memory_space<vmem>>) offsets(%dma_start3A_781 : memref<80xi32, #tpu.memory_space<vmem>>) semaphore(%arg12 : memref<!tpu.dma_semaphore, #tpu.memory_space<semaphore_mem>>) {add = true}
        %mul3A_785 = arith.constant 80 : i32
        %mul3A_786 = arith.muli %sub3A_771, %mul3A_785 : i32
        %add3A_787 = arith.constant 1600 : i32
        %add3A_788 = arith.addi %add3A_787, %mul3A_786 : i32
        %dma_start3A_789 = tpu.memref_slice %arg5[%add3A_788] : memref<16000xi32, #tpu.memory_space<vmem>> -> memref<80xi32, #tpu.memory_space<vmem>>
        %dma_start3A_790 = arith.constant 0 : i32
        %dma_start3A_791 = arith.constant 0 : i32
        %dma_start3A_792 = tpu.memref_slice %arg3[%dma_start3A_790, %dma_start3A_791] : memref<10000x128xf32, #tpu.memory_space<hbm>> -> memref<10000x128xf32, #tpu.memory_space<hbm>>
        tpu.enqueue_indirect_dma source(%dma_start3A_792 : memref<10000x128xf32, #tpu.memory_space<hbm>>) target(%arg8 : memref<80x128xf32, #tpu.memory_space<vmem>>) offsets(%dma_start3A_789 : memref<80xi32, #tpu.memory_space<vmem>>) semaphore(%arg12 : memref<!tpu.dma_semaphore, #tpu.memory_space<semaphore_mem>>) {add = true}
        %mul3A_793 = arith.constant 80 : i32
        %mul3A_794 = arith.muli %sub3A_771, %mul3A_793 : i32
        %add3A_795 = arith.constant 3200 : i32
        %add3A_796 = arith.addi %add3A_795, %mul3A_794 : i32
        %dma_start3A_797 = tpu.memref_slice %arg5[%add3A_796] : memref<16000xi32, #tpu.memory_space<vmem>> -> memref<80xi32, #tpu.memory_space<vmem>>
        %dma_start3A_798 = arith.constant 0 : i32
        %dma_start3A_799 = arith.constant 0 : i32
        %dma_start3A_800 = tpu.memref_slice %arg3[%dma_start3A_798, %dma_start3A_799] : memref<10000x128xf32, #tpu.memory_space<hbm>> -> memref<10000x128xf32, #tpu.memory_space<hbm>>
        tpu.enqueue_indirect_dma source(%dma_start3A_800 : memref<10000x128xf32, #tpu.memory_space<hbm>>) target(%arg8 : memref<80x128xf32, #tpu.memory_space<vmem>>) offsets(%dma_start3A_797 : memref<80xi32, #tpu.memory_space<vmem>>) semaphore(%arg12 : memref<!tpu.dma_semaphore, #tpu.memory_space<semaphore_mem>>) {add = true}
        %mul3A_801 = arith.constant 80 : i32
        %mul3A_802 = arith.muli %sub3A_771, %mul3A_801 : i32
        %add3A_803 = arith.constant 4800 : i32
        %add3A_804 = arith.addi %add3A_803, %mul3A_802 : i32
        %dma_start3A_805 = tpu.memref_slice %arg5[%add3A_804] : memref<16000xi32, #tpu.memory_space<vmem>> -> memref<80xi32, #tpu.memory_space<vmem>>
        %dma_start3A_806 = arith.constant 0 : i32
        %dma_start3A_807 = arith.constant 0 : i32
        %dma_start3A_808 = tpu.memref_slice %arg3[%dma_start3A_806, %dma_start3A_807] : memref<10000x128xf32, #tpu.memory_space<hbm>> -> memref<10000x128xf32, #tpu.memory_space<hbm>>
        tpu.enqueue_indirect_dma source(%dma_start3A_808 : memref<10000x128xf32, #tpu.memory_space<hbm>>) target(%arg8 : memref<80x128xf32, #tpu.memory_space<vmem>>) offsets(%dma_start3A_805 : memref<80xi32, #tpu.memory_space<vmem>>) semaphore(%arg12 : memref<!tpu.dma_semaphore, #tpu.memory_space<semaphore_mem>>) {add = true}
        %mul3A_809 = arith.constant 80 : i32
        %mul3A_810 = arith.muli %sub3A_771, %mul3A_809 : i32
        %add3A_811 = arith.constant 6400 : i32
        %add3A_812 = arith.addi %add3A_811, %mul3A_810 : i32
        %dma_start3A_813 = tpu.memref_slice %arg5[%add3A_812] : memref<16000xi32, #tpu.memory_space<vmem>> -> memref<80xi32, #tpu.memory_space<vmem>>
        %dma_start3A_814 = arith.constant 0 : i32
        %dma_start3A_815 = arith.constant 0 : i32
        %dma_start3A_816 = tpu.memref_slice %arg3[%dma_start3A_814, %dma_start3A_815] : memref<10000x128xf32, #tpu.memory_space<hbm>> -> memref<10000x128xf32, #tpu.memory_space<hbm>>
        tpu.enqueue_indirect_dma source(%dma_start3A_816 : memref<10000x128xf32, #tpu.memory_space<hbm>>) target(%arg8 : memref<80x128xf32, #tpu.memory_space<vmem>>) offsets(%dma_start3A_813 : memref<80xi32, #tpu.memory_space<vmem>>) semaphore(%arg12 : memref<!tpu.dma_semaphore, #tpu.memory_space<semaphore_mem>>) {add = true}
        %mul3A_817 = arith.constant 80 : i32
        %mul3A_818 = arith.muli %sub3A_771, %mul3A_817 : i32
        %add3A_819 = arith.constant 8000 : i32
        %add3A_820 = arith.addi %add3A_819, %mul3A_818 : i32
        %dma_start3A_821 = tpu.memref_slice %arg5[%add3A_820] : memref<16000xi32, #tpu.memory_space<vmem>> -> memref<80xi32, #tpu.memory_space<vmem>>
        %dma_start3A_822 = arith.constant 0 : i32
        %dma_start3A_823 = arith.constant 0 : i32
        %dma_start3A_824 = tpu.memref_slice %arg3[%dma_start3A_822, %dma_start3A_823] : memref<10000x128xf32, #tpu.memory_space<hbm>> -> memref<10000x128xf32, #tpu.memory_space<hbm>>
        tpu.enqueue_indirect_dma source(%dma_start3A_824 : memref<10000x128xf32, #tpu.memory_space<hbm>>) target(%arg8 : memref<80x128xf32, #tpu.memory_space<vmem>>) offsets(%dma_start3A_821 : memref<80xi32, #tpu.memory_space<vmem>>) semaphore(%arg12 : memref<!tpu.dma_semaphore, #tpu.memory_space<semaphore_mem>>) {add = true}
        %mul3A_825 = arith.constant 80 : i32
        %mul3A_826 = arith.muli %sub3A_771, %mul3A_825 : i32
        %add3A_827 = arith.constant 9600 : i32
        %add3A_828 = arith.addi %add3A_827, %mul3A_826 : i32
        %dma_start3A_829 = tpu.memref_slice %arg5[%add3A_828] : memref<16000xi32, #tpu.memory_space<vmem>> -> memref<80xi32, #tpu.memory_space<vmem>>
        %dma_start3A_830 = arith.constant 0 : i32
        %dma_start3A_831 = arith.constant 0 : i32
        %dma_start3A_832 = tpu.memref_slice %arg3[%dma_start3A_830, %dma_start3A_831] : memref<10000x128xf32, #tpu.memory_space<hbm>> -> memref<10000x128xf32, #tpu.memory_space<hbm>>
        tpu.enqueue_indirect_dma source(%dma_start3A_832 : memref<10000x128xf32, #tpu.memory_space<hbm>>) target(%arg8 : memref<80x128xf32, #tpu.memory_space<vmem>>) offsets(%dma_start3A_829 : memref<80xi32, #tpu.memory_space<vmem>>) semaphore(%arg12 : memref<!tpu.dma_semaphore, #tpu.memory_space<semaphore_mem>>) {add = true}
        %mul3A_833 = arith.constant 80 : i32
        %mul3A_834 = arith.muli %sub3A_771, %mul3A_833 : i32
        %add3A_835 = arith.constant 11200 : i32
        %add3A_836 = arith.addi %add3A_835, %mul3A_834 : i32
        %dma_start3A_837 = tpu.memref_slice %arg5[%add3A_836] : memref<16000xi32, #tpu.memory_space<vmem>> -> memref<80xi32, #tpu.memory_space<vmem>>
        %dma_start3A_838 = arith.constant 0 : i32
        %dma_start3A_839 = arith.constant 0 : i32
        %dma_start3A_840 = tpu.memref_slice %arg3[%dma_start3A_838, %dma_start3A_839] : memref<10000x128xf32, #tpu.memory_space<hbm>> -> memref<10000x128xf32, #tpu.memory_space<hbm>>
        tpu.enqueue_indirect_dma source(%dma_start3A_840 : memref<10000x128xf32, #tpu.memory_space<hbm>>) target(%arg8 : memref<80x128xf32, #tpu.memory_space<vmem>>) offsets(%dma_start3A_837 : memref<80xi32, #tpu.memory_space<vmem>>) semaphore(%arg12 : memref<!tpu.dma_semaphore, #tpu.memory_space<semaphore_mem>>) {add = true}
        %mul3A_841 = arith.constant 80 : i32
        %mul3A_842 = arith.muli %sub3A_771, %mul3A_841 : i32
        %add3A_843 = arith.constant 12800 : i32
        %add3A_844 = arith.addi %add3A_843, %mul3A_842 : i32
        %dma_start3A_845 = tpu.memref_slice %arg5[%add3A_844] : memref<16000xi32, #tpu.memory_space<vmem>> -> memref<80xi32, #tpu.memory_space<vmem>>
        %dma_start3A_846 = arith.constant 0 : i32
        %dma_start3A_847 = arith.constant 0 : i32
        %dma_start3A_848 = tpu.memref_slice %arg3[%dma_start3A_846, %dma_start3A_847] : memref<10000x128xf32, #tpu.memory_space<hbm>> -> memref<10000x128xf32, #tpu.memory_space<hbm>>
        tpu.enqueue_indirect_dma source(%dma_start3A_848 : memref<10000x128xf32, #tpu.memory_space<hbm>>) target(%arg8 : memref<80x128xf32, #tpu.memory_space<vmem>>) offsets(%dma_start3A_845 : memref<80xi32, #tpu.memory_space<vmem>>) semaphore(%arg12 : memref<!tpu.dma_semaphore, #tpu.memory_space<semaphore_mem>>) {add = true}
        %mul3A_849 = arith.constant 80 : i32
        %mul3A_850 = arith.muli %sub3A_771, %mul3A_849 : i32
        %add3A_851 = arith.constant 14400 : i32
        %add3A_852 = arith.addi %add3A_851, %mul3A_850 : i32
        %dma_start3A_853 = tpu.memref_slice %arg5[%add3A_852] : memref<16000xi32, #tpu.memory_space<vmem>> -> memref<80xi32, #tpu.memory_space<vmem>>
        %dma_start3A_854 = arith.constant 0 : i32
        %dma_start3A_855 = arith.constant 0 : i32
        %dma_start3A_856 = tpu.memref_slice %arg3[%dma_start3A_854, %dma_start3A_855] : memref<10000x128xf32, #tpu.memory_space<hbm>> -> memref<10000x128xf32, #tpu.memory_space<hbm>>
        tpu.enqueue_indirect_dma source(%dma_start3A_856 : memref<10000x128xf32, #tpu.memory_space<hbm>>) target(%arg8 : memref<80x128xf32, #tpu.memory_space<vmem>>) offsets(%dma_start3A_853 : memref<80xi32, #tpu.memory_space<vmem>>) semaphore(%arg12 : memref<!tpu.dma_semaphore, #tpu.memory_space<semaphore_mem>>) {add = true}
      } else {
      }
      %mul3A_569 = arith.constant 80 : i32
      %mul3A_570 = arith.muli %add3A_559, %mul3A_569 : i32
      %add3A_571 = arith.constant 0 : i32
      %add3A_572 = arith.addi %add3A_571, %mul3A_570 : i32
      %dma_wait3A_573 = tpu.memref_slice %arg5[%add3A_572] : memref<16000xi32, #tpu.memory_space<vmem>> -> memref<80xi32, #tpu.memory_space<vmem>>
      %dma_wait3A_574 = arith.constant 0 : i32
      %dma_wait3A_575 = arith.constant 0 : i32
      %dma_wait3A_576 = tpu.memref_slice %arg3[%dma_wait3A_574, %dma_wait3A_575] : memref<10000x128xf32, #tpu.memory_space<hbm>> -> memref<10000x128xf32, #tpu.memory_space<hbm>>
      tpu.wait_indirect_dma semaphore(%arg13 : memref<!tpu.dma_semaphore, #tpu.memory_space<semaphore_mem>>) src(%dma_wait3A_576 : memref<10000x128xf32, #tpu.memory_space<hbm>>) dst(%arg9 : memref<80x128xf32, #tpu.memory_space<vmem>>)
      %mul3A_577 = arith.constant 80 : i32
      %mul3A_578 = arith.muli %add3A_559, %mul3A_577 : i32
      %add3A_579 = arith.constant 1600 : i32
      %add3A_580 = arith.addi %add3A_579, %mul3A_578 : i32
      %dma_wait3A_581 = tpu.memref_slice %arg5[%add3A_580] : memref<16000xi32, #tpu.memory_space<vmem>> -> memref<80xi32, #tpu.memory_space<vmem>>
      %dma_wait3A_582 = arith.constant 0 : i32
      %dma_wait3A_583 = arith.constant 0 : i32
      %dma_wait3A_584 = tpu.memref_slice %arg3[%dma_wait3A_582, %dma_wait3A_583] : memref<10000x128xf32, #tpu.memory_space<hbm>> -> memref<10000x128xf32, #tpu.memory_space<hbm>>
      tpu.wait_indirect_dma semaphore(%arg13 : memref<!tpu.dma_semaphore, #tpu.memory_space<semaphore_mem>>) src(%dma_wait3A_584 : memref<10000x128xf32, #tpu.memory_space<hbm>>) dst(%arg9 : memref<80x128xf32, #tpu.memory_space<vmem>>)
      %mul3A_585 = arith.constant 80 : i32
      %mul3A_586 = arith.muli %add3A_559, %mul3A_585 : i32
      %add3A_587 = arith.constant 3200 : i32
      %add3A_588 = arith.addi %add3A_587, %mul3A_586 : i32
      %dma_wait3A_589 = tpu.memref_slice %arg5[%add3A_588] : memref<16000xi32, #tpu.memory_space<vmem>> -> memref<80xi32, #tpu.memory_space<vmem>>
      %dma_wait3A_590 = arith.constant 0 : i32
      %dma_wait3A_591 = arith.constant 0 : i32
      %dma_wait3A_592 = tpu.memref_slice %arg3[%dma_wait3A_590, %dma_wait3A_591] : memref<10000x128xf32, #tpu.memory_space<hbm>> -> memref<10000x128xf32, #tpu.memory_space<hbm>>
      tpu.wait_indirect_dma semaphore(%arg13 : memref<!tpu.dma_semaphore, #tpu.memory_space<semaphore_mem>>) src(%dma_wait3A_592 : memref<10000x128xf32, #tpu.memory_space<hbm>>) dst(%arg9 : memref<80x128xf32, #tpu.memory_space<vmem>>)
      %mul3A_593 = arith.constant 80 : i32
      %mul3A_594 = arith.muli %add3A_559, %mul3A_593 : i32
      %add3A_595 = arith.constant 4800 : i32
      %add3A_596 = arith.addi %add3A_595, %mul3A_594 : i32
      %dma_wait3A_597 = tpu.memref_slice %arg5[%add3A_596] : memref<16000xi32, #tpu.memory_space<vmem>> -> memref<80xi32, #tpu.memory_space<vmem>>
      %dma_wait3A_598 = arith.constant 0 : i32
      %dma_wait3A_599 = arith.constant 0 : i32
      %dma_wait3A_600 = tpu.memref_slice %arg3[%dma_wait3A_598, %dma_wait3A_599] : memref<10000x128xf32, #tpu.memory_space<hbm>> -> memref<10000x128xf32, #tpu.memory_space<hbm>>
      tpu.wait_indirect_dma semaphore(%arg13 : memref<!tpu.dma_semaphore, #tpu.memory_space<semaphore_mem>>) src(%dma_wait3A_600 : memref<10000x128xf32, #tpu.memory_space<hbm>>) dst(%arg9 : memref<80x128xf32, #tpu.memory_space<vmem>>)
      %mul3A_601 = arith.constant 80 : i32
      %mul3A_602 = arith.muli %add3A_559, %mul3A_601 : i32
      %add3A_603 = arith.constant 6400 : i32
      %add3A_604 = arith.addi %add3A_603, %mul3A_602 : i32
      %dma_wait3A_605 = tpu.memref_slice %arg5[%add3A_604] : memref<16000xi32, #tpu.memory_space<vmem>> -> memref<80xi32, #tpu.memory_space<vmem>>
      %dma_wait3A_606 = arith.constant 0 : i32
      %dma_wait3A_607 = arith.constant 0 : i32
      %dma_wait3A_608 = tpu.memref_slice %arg3[%dma_wait3A_606, %dma_wait3A_607] : memref<10000x128xf32, #tpu.memory_space<hbm>> -> memref<10000x128xf32, #tpu.memory_space<hbm>>
      tpu.wait_indirect_dma semaphore(%arg13 : memref<!tpu.dma_semaphore, #tpu.memory_space<semaphore_mem>>) src(%dma_wait3A_608 : memref<10000x128xf32, #tpu.memory_space<hbm>>) dst(%arg9 : memref<80x128xf32, #tpu.memory_space<vmem>>)
      %mul3A_609 = arith.constant 80 : i32
      %mul3A_610 = arith.muli %add3A_559, %mul3A_609 : i32
      %add3A_611 = arith.constant 8000 : i32
      %add3A_612 = arith.addi %add3A_611, %mul3A_610 : i32
      %dma_wait3A_613 = tpu.memref_slice %arg5[%add3A_612] : memref<16000xi32, #tpu.memory_space<vmem>> -> memref<80xi32, #tpu.memory_space<vmem>>
      %dma_wait3A_614 = arith.constant 0 : i32
      %dma_wait3A_615 = arith.constant 0 : i32
      %dma_wait3A_616 = tpu.memref_slice %arg3[%dma_wait3A_614, %dma_wait3A_615] : memref<10000x128xf32, #tpu.memory_space<hbm>> -> memref<10000x128xf32, #tpu.memory_space<hbm>>
      tpu.wait_indirect_dma semaphore(%arg13 : memref<!tpu.dma_semaphore, #tpu.memory_space<semaphore_mem>>) src(%dma_wait3A_616 : memref<10000x128xf32, #tpu.memory_space<hbm>>) dst(%arg9 : memref<80x128xf32, #tpu.memory_space<vmem>>)
      %mul3A_617 = arith.constant 80 : i32
      %mul3A_618 = arith.muli %add3A_559, %mul3A_617 : i32
      %add3A_619 = arith.constant 9600 : i32
      %add3A_620 = arith.addi %add3A_619, %mul3A_618 : i32
      %dma_wait3A_621 = tpu.memref_slice %arg5[%add3A_620] : memref<16000xi32, #tpu.memory_space<vmem>> -> memref<80xi32, #tpu.memory_space<vmem>>
      %dma_wait3A_622 = arith.constant 0 : i32
      %dma_wait3A_623 = arith.constant 0 : i32
      %dma_wait3A_624 = tpu.memref_slice %arg3[%dma_wait3A_622, %dma_wait3A_623] : memref<10000x128xf32, #tpu.memory_space<hbm>> -> memref<10000x128xf32, #tpu.memory_space<hbm>>
      tpu.wait_indirect_dma semaphore(%arg13 : memref<!tpu.dma_semaphore, #tpu.memory_space<semaphore_mem>>) src(%dma_wait3A_624 : memref<10000x128xf32, #tpu.memory_space<hbm>>) dst(%arg9 : memref<80x128xf32, #tpu.memory_space<vmem>>)
      %mul3A_625 = arith.constant 80 : i32
      %mul3A_626 = arith.muli %add3A_559, %mul3A_625 : i32
      %add3A_627 = arith.constant 11200 : i32
      %add3A_628 = arith.addi %add3A_627, %mul3A_626 : i32
      %dma_wait3A_629 = tpu.memref_slice %arg5[%add3A_628] : memref<16000xi32, #tpu.memory_space<vmem>> -> memref<80xi32, #tpu.memory_space<vmem>>
      %dma_wait3A_630 = arith.constant 0 : i32
      %dma_wait3A_631 = arith.constant 0 : i32
      %dma_wait3A_632 = tpu.memref_slice %arg3[%dma_wait3A_630, %dma_wait3A_631] : memref<10000x128xf32, #tpu.memory_space<hbm>> -> memref<10000x128xf32, #tpu.memory_space<hbm>>
      tpu.wait_indirect_dma semaphore(%arg13 : memref<!tpu.dma_semaphore, #tpu.memory_space<semaphore_mem>>) src(%dma_wait3A_632 : memref<10000x128xf32, #tpu.memory_space<hbm>>) dst(%arg9 : memref<80x128xf32, #tpu.memory_space<vmem>>)
      %mul3A_633 = arith.constant 80 : i32
      %mul3A_634 = arith.muli %add3A_559, %mul3A_633 : i32
      %add3A_635 = arith.constant 12800 : i32
      %add3A_636 = arith.addi %add3A_635, %mul3A_634 : i32
      %dma_wait3A_637 = tpu.memref_slice %arg5[%add3A_636] : memref<16000xi32, #tpu.memory_space<vmem>> -> memref<80xi32, #tpu.memory_space<vmem>>
      %dma_wait3A_638 = arith.constant 0 : i32
      %dma_wait3A_639 = arith.constant 0 : i32
      %dma_wait3A_640 = tpu.memref_slice %arg3[%dma_wait3A_638, %dma_wait3A_639] : memref<10000x128xf32, #tpu.memory_space<hbm>> -> memref<10000x128xf32, #tpu.memory_space<hbm>>
      tpu.wait_indirect_dma semaphore(%arg13 : memref<!tpu.dma_semaphore, #tpu.memory_space<semaphore_mem>>) src(%dma_wait3A_640 : memref<10000x128xf32, #tpu.memory_space<hbm>>) dst(%arg9 : memref<80x128xf32, #tpu.memory_space<vmem>>)
      %mul3A_641 = arith.constant 80 : i32
      %mul3A_642 = arith.muli %add3A_559, %mul3A_641 : i32
      %add3A_643 = arith.constant 14400 : i32
      %add3A_644 = arith.addi %add3A_643, %mul3A_642 : i32
      %dma_wait3A_645 = tpu.memref_slice %arg5[%add3A_644] : memref<16000xi32, #tpu.memory_space<vmem>> -> memref<80xi32, #tpu.memory_space<vmem>>
      %dma_wait3A_646 = arith.constant 0 : i32
      %dma_wait3A_647 = arith.constant 0 : i32
      %dma_wait3A_648 = tpu.memref_slice %arg3[%dma_wait3A_646, %dma_wait3A_647] : memref<10000x128xf32, #tpu.memory_space<hbm>> -> memref<10000x128xf32, #tpu.memory_space<hbm>>
      tpu.wait_indirect_dma semaphore(%arg13 : memref<!tpu.dma_semaphore, #tpu.memory_space<semaphore_mem>>) src(%dma_wait3A_648 : memref<10000x128xf32, #tpu.memory_space<hbm>>) dst(%arg9 : memref<80x128xf32, #tpu.memory_space<vmem>>)
      %scan3A_649 = arith.constant 0 : i32
      %scan3A_650 = arith.constant 80 : i32
      %scan3A_651 = arith.addi %scan3A_649, %scan3A_650 : i32
      %scan3A_652 = arith.constant 1 : i32
      scf.for %scan3A_764 = %scan3A_649 to %scan3A_651 step %scan3A_652  : i32 {
        %mul3A_765 = arith.constant 1 : i32
        %mul3A_766 = arith.muli %scan3A_764, %mul3A_765 : i32
        %add3A_767 = arith.constant 0 : i32
        %add3A_768 = arith.addi %add3A_767, %mul3A_766 : i32
        %mul3A_769 = arith.constant 80 : i32
        %mul3A_770 = arith.muli %add3A_559, %mul3A_769 : i32
        %add3A_771 = arith.addi %mul3A_770, %add3A_768 : i32
        %broadcast_in_dim3A = vector.broadcast %add3A_771 : i32 to vector<16xi32>
        %gather3A = tpu.vector_load_idx %arg6[%broadcast_in_dim3A] : memref<1600xf32, #tpu.memory_space<vmem>>[vector<16xi32>], vector<16xf32>,
        %get3A = arith.index_cast %add3A_768 : i32 to index
        %get3A_772 = arith.constant 0 : index
        %get3A_773 = tpu.vector_load %arg9[%get3A, %get3A_772] {strides = array<i32>} : memref<80x128xf32, #tpu.memory_space<vmem>>, vector<16xf32>,
        %mul3A_774 = arith.mulf %get3A_773, %gather3A : vector<16xf32>
        %swap3A = arith.index_cast %add3A_768 : i32 to index
        %swap3A_775 = arith.constant 0 : index
        %swap3A_776 = tpu.vector_load %arg9[%swap3A, %swap3A_775] {strides = array<i32>} : memref<80x128xf32, #tpu.memory_space<vmem>>, vector<16xf32>,
        tpu.vector_store %arg9[%swap3A, %swap3A_775], %mul3A_774 {strides = array<i32>} : memref<80x128xf32, #tpu.memory_space<vmem>>, vector<16xf32>,
        %get3A_777 = arith.index_cast %add3A_768 : i32 to index
        %get3A_778 = arith.constant 16 : index
        %get3A_779 = tpu.vector_load %arg9[%get3A_777, %get3A_778] {strides = array<i32>} : memref<80x128xf32, #tpu.memory_space<vmem>>, vector<16xf32>,
        %mul3A_780 = arith.mulf %get3A_779, %gather3A : vector<16xf32>
        %swap3A_781 = arith.index_cast %add3A_768 : i32 to index
        %swap3A_782 = arith.constant 16 : index
        %swap3A_783 = tpu.vector_load %arg9[%swap3A_781, %swap3A_782] {strides = array<i32>} : memref<80x128xf32, #tpu.memory_space<vmem>>, vector<16xf32>,
        tpu.vector_store %arg9[%swap3A_781, %swap3A_782], %mul3A_780 {strides = array<i32>} : memref<80x128xf32, #tpu.memory_space<vmem>>, vector<16xf32>,
        %get3A_784 = arith.index_cast %add3A_768 : i32 to index
        %get3A_785 = arith.constant 32 : index
        %get3A_786 = tpu.vector_load %arg9[%get3A_784, %get3A_785] {strides = array<i32>} : memref<80x128xf32, #tpu.memory_space<vmem>>, vector<16xf32>,
        %mul3A_787 = arith.mulf %get3A_786, %gather3A : vector<16xf32>
        %swap3A_788 = arith.index_cast %add3A_768 : i32 to index
        %swap3A_789 = arith.constant 32 : index
        %swap3A_790 = tpu.vector_load %arg9[%swap3A_788, %swap3A_789] {strides = array<i32>} : memref<80x128xf32, #tpu.memory_space<vmem>>, vector<16xf32>,
        tpu.vector_store %arg9[%swap3A_788, %swap3A_789], %mul3A_787 {strides = array<i32>} : memref<80x128xf32, #tpu.memory_space<vmem>>, vector<16xf32>,
        %get3A_791 = arith.index_cast %add3A_768 : i32 to index
        %get3A_792 = arith.constant 48 : index
        %get3A_793 = tpu.vector_load %arg9[%get3A_791, %get3A_792] {strides = array<i32>} : memref<80x128xf32, #tpu.memory_space<vmem>>, vector<16xf32>,
        %mul3A_794 = arith.mulf %get3A_793, %gather3A : vector<16xf32>
        %swap3A_795 = arith.index_cast %add3A_768 : i32 to index
        %swap3A_796 = arith.constant 48 : index
        %swap3A_797 = tpu.vector_load %arg9[%swap3A_795, %swap3A_796] {strides = array<i32>} : memref<80x128xf32, #tpu.memory_space<vmem>>, vector<16xf32>,
        tpu.vector_store %arg9[%swap3A_795, %swap3A_796], %mul3A_794 {strides = array<i32>} : memref<80x128xf32, #tpu.memory_space<vmem>>, vector<16xf32>,
        %get3A_798 = arith.index_cast %add3A_768 : i32 to index
        %get3A_799 = arith.constant 64 : index
        %get3A_800 = tpu.vector_load %arg9[%get3A_798, %get3A_799] {strides = array<i32>} : memref<80x128xf32, #tpu.memory_space<vmem>>, vector<16xf32>,
        %mul3A_801 = arith.mulf %get3A_800, %gather3A : vector<16xf32>
        %swap3A_802 = arith.index_cast %add3A_768 : i32 to index
        %swap3A_803 = arith.constant 64 : index
        %swap3A_804 = tpu.vector_load %arg9[%swap3A_802, %swap3A_803] {strides = array<i32>} : memref<80x128xf32, #tpu.memory_space<vmem>>, vector<16xf32>,
        tpu.vector_store %arg9[%swap3A_802, %swap3A_803], %mul3A_801 {strides = array<i32>} : memref<80x128xf32, #tpu.memory_space<vmem>>, vector<16xf32>,
        %get3A_805 = arith.index_cast %add3A_768 : i32 to index
        %get3A_806 = arith.constant 80 : index
        %get3A_807 = tpu.vector_load %arg9[%get3A_805, %get3A_806] {strides = array<i32>} : memref<80x128xf32, #tpu.memory_space<vmem>>, vector<16xf32>,
        %mul3A_808 = arith.mulf %get3A_807, %gather3A : vector<16xf32>
        %swap3A_809 = arith.index_cast %add3A_768 : i32 to index
        %swap3A_810 = arith.constant 80 : index
        %swap3A_811 = tpu.vector_load %arg9[%swap3A_809, %swap3A_810] {strides = array<i32>} : memref<80x128xf32, #tpu.memory_space<vmem>>, vector<16xf32>,
        tpu.vector_store %arg9[%swap3A_809, %swap3A_810], %mul3A_808 {strides = array<i32>} : memref<80x128xf32, #tpu.memory_space<vmem>>, vector<16xf32>,
        %get3A_812 = arith.index_cast %add3A_768 : i32 to index
        %get3A_813 = arith.constant 96 : index
        %get3A_814 = tpu.vector_load %arg9[%get3A_812, %get3A_813] {strides = array<i32>} : memref<80x128xf32, #tpu.memory_space<vmem>>, vector<16xf32>,
        %mul3A_815 = arith.mulf %get3A_814, %gather3A : vector<16xf32>
        %swap3A_816 = arith.index_cast %add3A_768 : i32 to index
        %swap3A_817 = arith.constant 96 : index
        %swap3A_818 = tpu.vector_load %arg9[%swap3A_816, %swap3A_817] {strides = array<i32>} : memref<80x128xf32, #tpu.memory_space<vmem>>, vector<16xf32>,
        tpu.vector_store %arg9[%swap3A_816, %swap3A_817], %mul3A_815 {strides = array<i32>} : memref<80x128xf32, #tpu.memory_space<vmem>>, vector<16xf32>,
        %get3A_819 = arith.index_cast %add3A_768 : i32 to index
        %get3A_820 = arith.constant 112 : index
        %get3A_821 = tpu.vector_load %arg9[%get3A_819, %get3A_820] {strides = array<i32>} : memref<80x128xf32, #tpu.memory_space<vmem>>, vector<16xf32>,
        %mul3A_822 = arith.mulf %get3A_821, %gather3A : vector<16xf32>
        %swap3A_823 = arith.index_cast %add3A_768 : i32 to index
        %swap3A_824 = arith.constant 112 : index
        %swap3A_825 = tpu.vector_load %arg9[%swap3A_823, %swap3A_824] {strides = array<i32>} : memref<80x128xf32, #tpu.memory_space<vmem>>, vector<16xf32>,
        tpu.vector_store %arg9[%swap3A_823, %swap3A_824], %mul3A_822 {strides = array<i32>} : memref<80x128xf32, #tpu.memory_space<vmem>>, vector<16xf32>,
      }
      %scan3A_653 = arith.constant 80 : i32
      %mul3A_654 = arith.constant 80 : i32
      %mul3A_655 = arith.muli %add3A_559, %mul3A_654 : i32
      %add3A_656 = arith.addi %mul3A_2, %mul3A_655 : i32
      %dma_start3A_657 = arith.constant 0 : i32
      %dma_start3A_658 = tpu.memref_slice %arg4[%add3A_656, %dma_start3A_657] : memref<51200x128xf32, #tpu.memory_space<hbm>> -> memref<80x128xf32, #tpu.memory_space<hbm>>
      %dma_start3A_659 = arith.constant 0 : i32
      %dma_start3A_660 = tpu.memref_slice %arg4[%add3A_656, %dma_start3A_659] : memref<51200x128xf32, #tpu.memory_space<hbm>> -> memref<80x128xf32, #tpu.memory_space<hbm>>
      tpu.enqueue_dma source(%arg9 : memref<80x128xf32, #tpu.memory_space<vmem>>) target(%dma_start3A_660 : memref<80x128xf32, #tpu.memory_space<hbm>>) target_semaphore(%arg17 : memref<!tpu.dma_semaphore, #tpu.memory_space<semaphore_mem>>)
      %add3A_661 = arith.constant 3 : i32
      %add3A_662 = arith.addi %add3A_355, %add3A_661 : i32
      %add3A_663 = arith.constant 4 : i32
      %add3A_664 = arith.addi %add3A_662, %add3A_663 : i32
      %sub3A_665 = arith.constant 1 : i32
      %sub3A_666 = arith.subi %add3A_664, %sub3A_665 : i32
      %lt3A_667 = arith.constant 20 : i32
      %lt3A_668 = arith.cmpi slt, %sub3A_666, %lt3A_667 : i32
      %convert_element_type3A_669 = arith.extui %lt3A_668 : i1 to i32
      %cond3A_670 = arith.constant 0 : i32
      %cond3A_671 = arith.cmpi ne, %convert_element_type3A_669, %cond3A_670 : i32
      scf.if %cond3A_671 {
        %ge3A = arith.constant 1 : i32
        %ge3A_764 = arith.cmpi sge, %add3A_662, %ge3A : i32
        %convert_element_type3A_765 = arith.extui %ge3A_764 : i1 to i32
        %cond3A_766 = arith.constant 0 : i32
        %cond3A_767 = arith.cmpi ne, %convert_element_type3A_765, %cond3A_766 : i32
        scf.if %cond3A_767 {
          %dma_wait3A_857 = arith.constant 0 : i32
          %dma_wait3A_858 = tpu.memref_slice %arg4[%mul3A_2, %dma_wait3A_857] : memref<51200x128xf32, #tpu.memory_space<hbm>> -> memref<80x128xf32, #tpu.memory_space<hbm>>
          %dma_wait3A_859 = arith.constant 0 : i32
          %dma_wait3A_860 = tpu.memref_slice %arg4[%mul3A_2, %dma_wait3A_859] : memref<51200x128xf32, #tpu.memory_space<hbm>> -> memref<80x128xf32, #tpu.memory_space<hbm>>
          tpu.wait_dma2 semaphore(%arg17 : memref<!tpu.dma_semaphore, #tpu.memory_space<semaphore_mem>>) src(%arg9 : memref<80x128xf32, #tpu.memory_space<vmem>>) dst(%dma_wait3A_860 : memref<80x128xf32, #tpu.memory_space<hbm>>)
        } else {
        }
        %add3A_768 = arith.constant 4 : i32
        %add3A_769 = arith.addi %add3A_662, %add3A_768 : i32
        %sub3A_770 = arith.constant 1 : i32
        %sub3A_771 = arith.subi %add3A_769, %sub3A_770 : i32
        %scan3A_772 = arith.constant 0 : i32
        %scan3A_773 = arith.constant 80 : i32
        %scan3A_774 = arith.addi %scan3A_772, %scan3A_773 : i32
        %scan3A_775 = arith.constant 1 : i32
        scf.for %scan3A_857 = %scan3A_772 to %scan3A_774 step %scan3A_775  : i32 {
          %mul3A_858 = arith.constant 1 : i32
          %mul3A_859 = arith.muli %scan3A_857, %mul3A_858 : i32
          %add3A_860 = arith.constant 0 : i32
          %add3A_861 = arith.addi %add3A_860, %mul3A_859 : i32
          %broadcast_in_dim3A = arith.constant 0.000000e+00 : f32
          %broadcast_in_dim3A_862 = vector.broadcast %broadcast_in_dim3A : f32 to vector<16xf32>
          %swap3A = arith.index_cast %add3A_861 : i32 to index
          %swap3A_863 = arith.constant 0 : index
          %swap3A_864 = tpu.vector_load %arg9[%swap3A, %swap3A_863] {strides = array<i32>} : memref<80x128xf32, #tpu.memory_space<vmem>>, vector<16xf32>,
          tpu.vector_store %arg9[%swap3A, %swap3A_863], %broadcast_in_dim3A_862 {strides = array<i32>} : memref<80x128xf32, #tpu.memory_space<vmem>>, vector<16xf32>,
          %broadcast_in_dim3A_865 = arith.constant 0.000000e+00 : f32
          %broadcast_in_dim3A_866 = vector.broadcast %broadcast_in_dim3A_865 : f32 to vector<16xf32>
          %swap3A_867 = arith.index_cast %add3A_861 : i32 to index
          %swap3A_868 = arith.constant 16 : index
          %swap3A_869 = tpu.vector_load %arg9[%swap3A_867, %swap3A_868] {strides = array<i32>} : memref<80x128xf32, #tpu.memory_space<vmem>>, vector<16xf32>,
          tpu.vector_store %arg9[%swap3A_867, %swap3A_868], %broadcast_in_dim3A_866 {strides = array<i32>} : memref<80x128xf32, #tpu.memory_space<vmem>>, vector<16xf32>,
          %broadcast_in_dim3A_870 = arith.constant 0.000000e+00 : f32
          %broadcast_in_dim3A_871 = vector.broadcast %broadcast_in_dim3A_870 : f32 to vector<16xf32>
          %swap3A_872 = arith.index_cast %add3A_861 : i32 to index
          %swap3A_873 = arith.constant 32 : index
          %swap3A_874 = tpu.vector_load %arg9[%swap3A_872, %swap3A_873] {strides = array<i32>} : memref<80x128xf32, #tpu.memory_space<vmem>>, vector<16xf32>,
          tpu.vector_store %arg9[%swap3A_872, %swap3A_873], %broadcast_in_dim3A_871 {strides = array<i32>} : memref<80x128xf32, #tpu.memory_space<vmem>>, vector<16xf32>,
          %broadcast_in_dim3A_875 = arith.constant 0.000000e+00 : f32
          %broadcast_in_dim3A_876 = vector.broadcast %broadcast_in_dim3A_875 : f32 to vector<16xf32>
          %swap3A_877 = arith.index_cast %add3A_861 : i32 to index
          %swap3A_878 = arith.constant 48 : index
          %swap3A_879 = tpu.vector_load %arg9[%swap3A_877, %swap3A_878] {strides = array<i32>} : memref<80x128xf32, #tpu.memory_space<vmem>>, vector<16xf32>,
          tpu.vector_store %arg9[%swap3A_877, %swap3A_878], %broadcast_in_dim3A_876 {strides = array<i32>} : memref<80x128xf32, #tpu.memory_space<vmem>>, vector<16xf32>,
          %broadcast_in_dim3A_880 = arith.constant 0.000000e+00 : f32
          %broadcast_in_dim3A_881 = vector.broadcast %broadcast_in_dim3A_880 : f32 to vector<16xf32>
          %swap3A_882 = arith.index_cast %add3A_861 : i32 to index
          %swap3A_883 = arith.constant 64 : index
          %swap3A_884 = tpu.vector_load %arg9[%swap3A_882, %swap3A_883] {strides = array<i32>} : memref<80x128xf32, #tpu.memory_space<vmem>>, vector<16xf32>,
          tpu.vector_store %arg9[%swap3A_882, %swap3A_883], %broadcast_in_dim3A_881 {strides = array<i32>} : memref<80x128xf32, #tpu.memory_space<vmem>>, vector<16xf32>,
          %broadcast_in_dim3A_885 = arith.constant 0.000000e+00 : f32
          %broadcast_in_dim3A_886 = vector.broadcast %broadcast_in_dim3A_885 : f32 to vector<16xf32>
          %swap3A_887 = arith.index_cast %add3A_861 : i32 to index
          %swap3A_888 = arith.constant 80 : index
          %swap3A_889 = tpu.vector_load %arg9[%swap3A_887, %swap3A_888] {strides = array<i32>} : memref<80x128xf32, #tpu.memory_space<vmem>>, vector<16xf32>,
          tpu.vector_store %arg9[%swap3A_887, %swap3A_888], %broadcast_in_dim3A_886 {strides = array<i32>} : memref<80x128xf32, #tpu.memory_space<vmem>>, vector<16xf32>,
          %broadcast_in_dim3A_890 = arith.constant 0.000000e+00 : f32
          %broadcast_in_dim3A_891 = vector.broadcast %broadcast_in_dim3A_890 : f32 to vector<16xf32>
          %swap3A_892 = arith.index_cast %add3A_861 : i32 to index
          %swap3A_893 = arith.constant 96 : index
          %swap3A_894 = tpu.vector_load %arg9[%swap3A_892, %swap3A_893] {strides = array<i32>} : memref<80x128xf32, #tpu.memory_space<vmem>>, vector<16xf32>,
          tpu.vector_store %arg9[%swap3A_892, %swap3A_893], %broadcast_in_dim3A_891 {strides = array<i32>} : memref<80x128xf32, #tpu.memory_space<vmem>>, vector<16xf32>,
          %broadcast_in_dim3A_895 = arith.constant 0.000000e+00 : f32
          %broadcast_in_dim3A_896 = vector.broadcast %broadcast_in_dim3A_895 : f32 to vector<16xf32>
          %swap3A_897 = arith.index_cast %add3A_861 : i32 to index
          %swap3A_898 = arith.constant 112 : index
          %swap3A_899 = tpu.vector_load %arg9[%swap3A_897, %swap3A_898] {strides = array<i32>} : memref<80x128xf32, #tpu.memory_space<vmem>>, vector<16xf32>,
          tpu.vector_store %arg9[%swap3A_897, %swap3A_898], %broadcast_in_dim3A_896 {strides = array<i32>} : memref<80x128xf32, #tpu.memory_space<vmem>>, vector<16xf32>,
        }
        %scan3A_776 = arith.constant 80 : i32
        %mul3A_777 = arith.constant 80 : i32
        %mul3A_778 = arith.muli %sub3A_771, %mul3A_777 : i32
        %add3A_779 = arith.constant 0 : i32
        %add3A_780 = arith.addi %add3A_779, %mul3A_778 : i32
        %dma_start3A_781 = tpu.memref_slice %arg5[%add3A_780] : memref<16000xi32, #tpu.memory_space<vmem>> -> memref<80xi32, #tpu.memory_space<vmem>>
        %dma_start3A_782 = arith.constant 0 : i32
        %dma_start3A_783 = arith.constant 0 : i32
        %dma_start3A_784 = tpu.memref_slice %arg3[%dma_start3A_782, %dma_start3A_783] : memref<10000x128xf32, #tpu.memory_space<hbm>> -> memref<10000x128xf32, #tpu.memory_space<hbm>>
        tpu.enqueue_indirect_dma source(%dma_start3A_784 : memref<10000x128xf32, #tpu.memory_space<hbm>>) target(%arg9 : memref<80x128xf32, #tpu.memory_space<vmem>>) offsets(%dma_start3A_781 : memref<80xi32, #tpu.memory_space<vmem>>) semaphore(%arg13 : memref<!tpu.dma_semaphore, #tpu.memory_space<semaphore_mem>>) {add = true}
        %mul3A_785 = arith.constant 80 : i32
        %mul3A_786 = arith.muli %sub3A_771, %mul3A_785 : i32
        %add3A_787 = arith.constant 1600 : i32
        %add3A_788 = arith.addi %add3A_787, %mul3A_786 : i32
        %dma_start3A_789 = tpu.memref_slice %arg5[%add3A_788] : memref<16000xi32, #tpu.memory_space<vmem>> -> memref<80xi32, #tpu.memory_space<vmem>>
        %dma_start3A_790 = arith.constant 0 : i32
        %dma_start3A_791 = arith.constant 0 : i32
        %dma_start3A_792 = tpu.memref_slice %arg3[%dma_start3A_790, %dma_start3A_791] : memref<10000x128xf32, #tpu.memory_space<hbm>> -> memref<10000x128xf32, #tpu.memory_space<hbm>>
        tpu.enqueue_indirect_dma source(%dma_start3A_792 : memref<10000x128xf32, #tpu.memory_space<hbm>>) target(%arg9 : memref<80x128xf32, #tpu.memory_space<vmem>>) offsets(%dma_start3A_789 : memref<80xi32, #tpu.memory_space<vmem>>) semaphore(%arg13 : memref<!tpu.dma_semaphore, #tpu.memory_space<semaphore_mem>>) {add = true}
        %mul3A_793 = arith.constant 80 : i32
        %mul3A_794 = arith.muli %sub3A_771, %mul3A_793 : i32
        %add3A_795 = arith.constant 3200 : i32
        %add3A_796 = arith.addi %add3A_795, %mul3A_794 : i32
        %dma_start3A_797 = tpu.memref_slice %arg5[%add3A_796] : memref<16000xi32, #tpu.memory_space<vmem>> -> memref<80xi32, #tpu.memory_space<vmem>>
        %dma_start3A_798 = arith.constant 0 : i32
        %dma_start3A_799 = arith.constant 0 : i32
        %dma_start3A_800 = tpu.memref_slice %arg3[%dma_start3A_798, %dma_start3A_799] : memref<10000x128xf32, #tpu.memory_space<hbm>> -> memref<10000x128xf32, #tpu.memory_space<hbm>>
        tpu.enqueue_indirect_dma source(%dma_start3A_800 : memref<10000x128xf32, #tpu.memory_space<hbm>>) target(%arg9 : memref<80x128xf32, #tpu.memory_space<vmem>>) offsets(%dma_start3A_797 : memref<80xi32, #tpu.memory_space<vmem>>) semaphore(%arg13 : memref<!tpu.dma_semaphore, #tpu.memory_space<semaphore_mem>>) {add = true}
        %mul3A_801 = arith.constant 80 : i32
        %mul3A_802 = arith.muli %sub3A_771, %mul3A_801 : i32
        %add3A_803 = arith.constant 4800 : i32
        %add3A_804 = arith.addi %add3A_803, %mul3A_802 : i32
        %dma_start3A_805 = tpu.memref_slice %arg5[%add3A_804] : memref<16000xi32, #tpu.memory_space<vmem>> -> memref<80xi32, #tpu.memory_space<vmem>>
        %dma_start3A_806 = arith.constant 0 : i32
        %dma_start3A_807 = arith.constant 0 : i32
        %dma_start3A_808 = tpu.memref_slice %arg3[%dma_start3A_806, %dma_start3A_807] : memref<10000x128xf32, #tpu.memory_space<hbm>> -> memref<10000x128xf32, #tpu.memory_space<hbm>>
        tpu.enqueue_indirect_dma source(%dma_start3A_808 : memref<10000x128xf32, #tpu.memory_space<hbm>>) target(%arg9 : memref<80x128xf32, #tpu.memory_space<vmem>>) offsets(%dma_start3A_805 : memref<80xi32, #tpu.memory_space<vmem>>) semaphore(%arg13 : memref<!tpu.dma_semaphore, #tpu.memory_space<semaphore_mem>>) {add = true}
        %mul3A_809 = arith.constant 80 : i32
        %mul3A_810 = arith.muli %sub3A_771, %mul3A_809 : i32
        %add3A_811 = arith.constant 6400 : i32
        %add3A_812 = arith.addi %add3A_811, %mul3A_810 : i32
        %dma_start3A_813 = tpu.memref_slice %arg5[%add3A_812] : memref<16000xi32, #tpu.memory_space<vmem>> -> memref<80xi32, #tpu.memory_space<vmem>>
        %dma_start3A_814 = arith.constant 0 : i32
        %dma_start3A_815 = arith.constant 0 : i32
        %dma_start3A_816 = tpu.memref_slice %arg3[%dma_start3A_814, %dma_start3A_815] : memref<10000x128xf32, #tpu.memory_space<hbm>> -> memref<10000x128xf32, #tpu.memory_space<hbm>>
        tpu.enqueue_indirect_dma source(%dma_start3A_816 : memref<10000x128xf32, #tpu.memory_space<hbm>>) target(%arg9 : memref<80x128xf32, #tpu.memory_space<vmem>>) offsets(%dma_start3A_813 : memref<80xi32, #tpu.memory_space<vmem>>) semaphore(%arg13 : memref<!tpu.dma_semaphore, #tpu.memory_space<semaphore_mem>>) {add = true}
        %mul3A_817 = arith.constant 80 : i32
        %mul3A_818 = arith.muli %sub3A_771, %mul3A_817 : i32
        %add3A_819 = arith.constant 8000 : i32
        %add3A_820 = arith.addi %add3A_819, %mul3A_818 : i32
        %dma_start3A_821 = tpu.memref_slice %arg5[%add3A_820] : memref<16000xi32, #tpu.memory_space<vmem>> -> memref<80xi32, #tpu.memory_space<vmem>>
        %dma_start3A_822 = arith.constant 0 : i32
        %dma_start3A_823 = arith.constant 0 : i32
        %dma_start3A_824 = tpu.memref_slice %arg3[%dma_start3A_822, %dma_start3A_823] : memref<10000x128xf32, #tpu.memory_space<hbm>> -> memref<10000x128xf32, #tpu.memory_space<hbm>>
        tpu.enqueue_indirect_dma source(%dma_start3A_824 : memref<10000x128xf32, #tpu.memory_space<hbm>>) target(%arg9 : memref<80x128xf32, #tpu.memory_space<vmem>>) offsets(%dma_start3A_821 : memref<80xi32, #tpu.memory_space<vmem>>) semaphore(%arg13 : memref<!tpu.dma_semaphore, #tpu.memory_space<semaphore_mem>>) {add = true}
        %mul3A_825 = arith.constant 80 : i32
        %mul3A_826 = arith.muli %sub3A_771, %mul3A_825 : i32
        %add3A_827 = arith.constant 9600 : i32
        %add3A_828 = arith.addi %add3A_827, %mul3A_826 : i32
        %dma_start3A_829 = tpu.memref_slice %arg5[%add3A_828] : memref<16000xi32, #tpu.memory_space<vmem>> -> memref<80xi32, #tpu.memory_space<vmem>>
        %dma_start3A_830 = arith.constant 0 : i32
        %dma_start3A_831 = arith.constant 0 : i32
        %dma_start3A_832 = tpu.memref_slice %arg3[%dma_start3A_830, %dma_start3A_831] : memref<10000x128xf32, #tpu.memory_space<hbm>> -> memref<10000x128xf32, #tpu.memory_space<hbm>>
        tpu.enqueue_indirect_dma source(%dma_start3A_832 : memref<10000x128xf32, #tpu.memory_space<hbm>>) target(%arg9 : memref<80x128xf32, #tpu.memory_space<vmem>>) offsets(%dma_start3A_829 : memref<80xi32, #tpu.memory_space<vmem>>) semaphore(%arg13 : memref<!tpu.dma_semaphore, #tpu.memory_space<semaphore_mem>>) {add = true}
        %mul3A_833 = arith.constant 80 : i32
        %mul3A_834 = arith.muli %sub3A_771, %mul3A_833 : i32
        %add3A_835 = arith.constant 11200 : i32
        %add3A_836 = arith.addi %add3A_835, %mul3A_834 : i32
        %dma_start3A_837 = tpu.memref_slice %arg5[%add3A_836] : memref<16000xi32, #tpu.memory_space<vmem>> -> memref<80xi32, #tpu.memory_space<vmem>>
        %dma_start3A_838 = arith.constant 0 : i32
        %dma_start3A_839 = arith.constant 0 : i32
        %dma_start3A_840 = tpu.memref_slice %arg3[%dma_start3A_838, %dma_start3A_839] : memref<10000x128xf32, #tpu.memory_space<hbm>> -> memref<10000x128xf32, #tpu.memory_space<hbm>>
        tpu.enqueue_indirect_dma source(%dma_start3A_840 : memref<10000x128xf32, #tpu.memory_space<hbm>>) target(%arg9 : memref<80x128xf32, #tpu.memory_space<vmem>>) offsets(%dma_start3A_837 : memref<80xi32, #tpu.memory_space<vmem>>) semaphore(%arg13 : memref<!tpu.dma_semaphore, #tpu.memory_space<semaphore_mem>>) {add = true}
        %mul3A_841 = arith.constant 80 : i32
        %mul3A_842 = arith.muli %sub3A_771, %mul3A_841 : i32
        %add3A_843 = arith.constant 12800 : i32
        %add3A_844 = arith.addi %add3A_843, %mul3A_842 : i32
        %dma_start3A_845 = tpu.memref_slice %arg5[%add3A_844] : memref<16000xi32, #tpu.memory_space<vmem>> -> memref<80xi32, #tpu.memory_space<vmem>>
        %dma_start3A_846 = arith.constant 0 : i32
        %dma_start3A_847 = arith.constant 0 : i32
        %dma_start3A_848 = tpu.memref_slice %arg3[%dma_start3A_846, %dma_start3A_847] : memref<10000x128xf32, #tpu.memory_space<hbm>> -> memref<10000x128xf32, #tpu.memory_space<hbm>>
        tpu.enqueue_indirect_dma source(%dma_start3A_848 : memref<10000x128xf32, #tpu.memory_space<hbm>>) target(%arg9 : memref<80x128xf32, #tpu.memory_space<vmem>>) offsets(%dma_start3A_845 : memref<80xi32, #tpu.memory_space<vmem>>) semaphore(%arg13 : memref<!tpu.dma_semaphore, #tpu.memory_space<semaphore_mem>>) {add = true}
        %mul3A_849 = arith.constant 80 : i32
        %mul3A_850 = arith.muli %sub3A_771, %mul3A_849 : i32
        %add3A_851 = arith.constant 14400 : i32
        %add3A_852 = arith.addi %add3A_851, %mul3A_850 : i32
        %dma_start3A_853 = tpu.memref_slice %arg5[%add3A_852] : memref<16000xi32, #tpu.memory_space<vmem>> -> memref<80xi32, #tpu.memory_space<vmem>>
        %dma_start3A_854 = arith.constant 0 : i32
        %dma_start3A_855 = arith.constant 0 : i32
        %dma_start3A_856 = tpu.memref_slice %arg3[%dma_start3A_854, %dma_start3A_855] : memref<10000x128xf32, #tpu.memory_space<hbm>> -> memref<10000x128xf32, #tpu.memory_space<hbm>>
        tpu.enqueue_indirect_dma source(%dma_start3A_856 : memref<10000x128xf32, #tpu.memory_space<hbm>>) target(%arg9 : memref<80x128xf32, #tpu.memory_space<vmem>>) offsets(%dma_start3A_853 : memref<80xi32, #tpu.memory_space<vmem>>) semaphore(%arg13 : memref<!tpu.dma_semaphore, #tpu.memory_space<semaphore_mem>>) {add = true}
      } else {
      }
      %mul3A_672 = arith.constant 80 : i32
      %mul3A_673 = arith.muli %add3A_662, %mul3A_672 : i32
      %add3A_674 = arith.constant 0 : i32
      %add3A_675 = arith.addi %add3A_674, %mul3A_673 : i32
      %dma_wait3A_676 = tpu.memref_slice %arg5[%add3A_675] : memref<16000xi32, #tpu.memory_space<vmem>> -> memref<80xi32, #tpu.memory_space<vmem>>
      %dma_wait3A_677 = arith.constant 0 : i32
      %dma_wait3A_678 = arith.constant 0 : i32
      %dma_wait3A_679 = tpu.memref_slice %arg3[%dma_wait3A_677, %dma_wait3A_678] : memref<10000x128xf32, #tpu.memory_space<hbm>> -> memref<10000x128xf32, #tpu.memory_space<hbm>>
      tpu.wait_indirect_dma semaphore(%arg14 : memref<!tpu.dma_semaphore, #tpu.memory_space<semaphore_mem>>) src(%dma_wait3A_679 : memref<10000x128xf32, #tpu.memory_space<hbm>>) dst(%arg10 : memref<80x128xf32, #tpu.memory_space<vmem>>)
      %mul3A_680 = arith.constant 80 : i32
      %mul3A_681 = arith.muli %add3A_662, %mul3A_680 : i32
      %add3A_682 = arith.constant 1600 : i32
      %add3A_683 = arith.addi %add3A_682, %mul3A_681 : i32
      %dma_wait3A_684 = tpu.memref_slice %arg5[%add3A_683] : memref<16000xi32, #tpu.memory_space<vmem>> -> memref<80xi32, #tpu.memory_space<vmem>>
      %dma_wait3A_685 = arith.constant 0 : i32
      %dma_wait3A_686 = arith.constant 0 : i32
      %dma_wait3A_687 = tpu.memref_slice %arg3[%dma_wait3A_685, %dma_wait3A_686] : memref<10000x128xf32, #tpu.memory_space<hbm>> -> memref<10000x128xf32, #tpu.memory_space<hbm>>
      tpu.wait_indirect_dma semaphore(%arg14 : memref<!tpu.dma_semaphore, #tpu.memory_space<semaphore_mem>>) src(%dma_wait3A_687 : memref<10000x128xf32, #tpu.memory_space<hbm>>) dst(%arg10 : memref<80x128xf32, #tpu.memory_space<vmem>>)
      %mul3A_688 = arith.constant 80 : i32
      %mul3A_689 = arith.muli %add3A_662, %mul3A_688 : i32
      %add3A_690 = arith.constant 3200 : i32
      %add3A_691 = arith.addi %add3A_690, %mul3A_689 : i32
      %dma_wait3A_692 = tpu.memref_slice %arg5[%add3A_691] : memref<16000xi32, #tpu.memory_space<vmem>> -> memref<80xi32, #tpu.memory_space<vmem>>
      %dma_wait3A_693 = arith.constant 0 : i32
      %dma_wait3A_694 = arith.constant 0 : i32
      %dma_wait3A_695 = tpu.memref_slice %arg3[%dma_wait3A_693, %dma_wait3A_694] : memref<10000x128xf32, #tpu.memory_space<hbm>> -> memref<10000x128xf32, #tpu.memory_space<hbm>>
      tpu.wait_indirect_dma semaphore(%arg14 : memref<!tpu.dma_semaphore, #tpu.memory_space<semaphore_mem>>) src(%dma_wait3A_695 : memref<10000x128xf32, #tpu.memory_space<hbm>>) dst(%arg10 : memref<80x128xf32, #tpu.memory_space<vmem>>)
      %mul3A_696 = arith.constant 80 : i32
      %mul3A_697 = arith.muli %add3A_662, %mul3A_696 : i32
      %add3A_698 = arith.constant 4800 : i32
      %add3A_699 = arith.addi %add3A_698, %mul3A_697 : i32
      %dma_wait3A_700 = tpu.memref_slice %arg5[%add3A_699] : memref<16000xi32, #tpu.memory_space<vmem>> -> memref<80xi32, #tpu.memory_space<vmem>>
      %dma_wait3A_701 = arith.constant 0 : i32
      %dma_wait3A_702 = arith.constant 0 : i32
      %dma_wait3A_703 = tpu.memref_slice %arg3[%dma_wait3A_701, %dma_wait3A_702] : memref<10000x128xf32, #tpu.memory_space<hbm>> -> memref<10000x128xf32, #tpu.memory_space<hbm>>
      tpu.wait_indirect_dma semaphore(%arg14 : memref<!tpu.dma_semaphore, #tpu.memory_space<semaphore_mem>>) src(%dma_wait3A_703 : memref<10000x128xf32, #tpu.memory_space<hbm>>) dst(%arg10 : memref<80x128xf32, #tpu.memory_space<vmem>>)
      %mul3A_704 = arith.constant 80 : i32
      %mul3A_705 = arith.muli %add3A_662, %mul3A_704 : i32
      %add3A_706 = arith.constant 6400 : i32
      %add3A_707 = arith.addi %add3A_706, %mul3A_705 : i32
      %dma_wait3A_708 = tpu.memref_slice %arg5[%add3A_707] : memref<16000xi32, #tpu.memory_space<vmem>> -> memref<80xi32, #tpu.memory_space<vmem>>
      %dma_wait3A_709 = arith.constant 0 : i32
      %dma_wait3A_710 = arith.constant 0 : i32
      %dma_wait3A_711 = tpu.memref_slice %arg3[%dma_wait3A_709, %dma_wait3A_710] : memref<10000x128xf32, #tpu.memory_space<hbm>> -> memref<10000x128xf32, #tpu.memory_space<hbm>>
      tpu.wait_indirect_dma semaphore(%arg14 : memref<!tpu.dma_semaphore, #tpu.memory_space<semaphore_mem>>) src(%dma_wait3A_711 : memref<10000x128xf32, #tpu.memory_space<hbm>>) dst(%arg10 : memref<80x128xf32, #tpu.memory_space<vmem>>)
      %mul3A_712 = arith.constant 80 : i32
      %mul3A_713 = arith.muli %add3A_662, %mul3A_712 : i32
      %add3A_714 = arith.constant 8000 : i32
      %add3A_715 = arith.addi %add3A_714, %mul3A_713 : i32
      %dma_wait3A_716 = tpu.memref_slice %arg5[%add3A_715] : memref<16000xi32, #tpu.memory_space<vmem>> -> memref<80xi32, #tpu.memory_space<vmem>>
      %dma_wait3A_717 = arith.constant 0 : i32
      %dma_wait3A_718 = arith.constant 0 : i32
      %dma_wait3A_719 = tpu.memref_slice %arg3[%dma_wait3A_717, %dma_wait3A_718] : memref<10000x128xf32, #tpu.memory_space<hbm>> -> memref<10000x128xf32, #tpu.memory_space<hbm>>
      tpu.wait_indirect_dma semaphore(%arg14 : memref<!tpu.dma_semaphore, #tpu.memory_space<semaphore_mem>>) src(%dma_wait3A_719 : memref<10000x128xf32, #tpu.memory_space<hbm>>) dst(%arg10 : memref<80x128xf32, #tpu.memory_space<vmem>>)
      %mul3A_720 = arith.constant 80 : i32
      %mul3A_721 = arith.muli %add3A_662, %mul3A_720 : i32
      %add3A_722 = arith.constant 9600 : i32
      %add3A_723 = arith.addi %add3A_722, %mul3A_721 : i32
      %dma_wait3A_724 = tpu.memref_slice %arg5[%add3A_723] : memref<16000xi32, #tpu.memory_space<vmem>> -> memref<80xi32, #tpu.memory_space<vmem>>
      %dma_wait3A_725 = arith.constant 0 : i32
      %dma_wait3A_726 = arith.constant 0 : i32
      %dma_wait3A_727 = tpu.memref_slice %arg3[%dma_wait3A_725, %dma_wait3A_726] : memref<10000x128xf32, #tpu.memory_space<hbm>> -> memref<10000x128xf32, #tpu.memory_space<hbm>>
      tpu.wait_indirect_dma semaphore(%arg14 : memref<!tpu.dma_semaphore, #tpu.memory_space<semaphore_mem>>) src(%dma_wait3A_727 : memref<10000x128xf32, #tpu.memory_space<hbm>>) dst(%arg10 : memref<80x128xf32, #tpu.memory_space<vmem>>)
      %mul3A_728 = arith.constant 80 : i32
      %mul3A_729 = arith.muli %add3A_662, %mul3A_728 : i32
      %add3A_730 = arith.constant 11200 : i32
      %add3A_731 = arith.addi %add3A_730, %mul3A_729 : i32
      %dma_wait3A_732 = tpu.memref_slice %arg5[%add3A_731] : memref<16000xi32, #tpu.memory_space<vmem>> -> memref<80xi32, #tpu.memory_space<vmem>>
      %dma_wait3A_733 = arith.constant 0 : i32
      %dma_wait3A_734 = arith.constant 0 : i32
      %dma_wait3A_735 = tpu.memref_slice %arg3[%dma_wait3A_733, %dma_wait3A_734] : memref<10000x128xf32, #tpu.memory_space<hbm>> -> memref<10000x128xf32, #tpu.memory_space<hbm>>
      tpu.wait_indirect_dma semaphore(%arg14 : memref<!tpu.dma_semaphore, #tpu.memory_space<semaphore_mem>>) src(%dma_wait3A_735 : memref<10000x128xf32, #tpu.memory_space<hbm>>) dst(%arg10 : memref<80x128xf32, #tpu.memory_space<vmem>>)
      %mul3A_736 = arith.constant 80 : i32
      %mul3A_737 = arith.muli %add3A_662, %mul3A_736 : i32
      %add3A_738 = arith.constant 12800 : i32
      %add3A_739 = arith.addi %add3A_738, %mul3A_737 : i32
      %dma_wait3A_740 = tpu.memref_slice %arg5[%add3A_739] : memref<16000xi32, #tpu.memory_space<vmem>> -> memref<80xi32, #tpu.memory_space<vmem>>
      %dma_wait3A_741 = arith.constant 0 : i32
      %dma_wait3A_742 = arith.constant 0 : i32
      %dma_wait3A_743 = tpu.memref_slice %arg3[%dma_wait3A_741, %dma_wait3A_742] : memref<10000x128xf32, #tpu.memory_space<hbm>> -> memref<10000x128xf32, #tpu.memory_space<hbm>>
      tpu.wait_indirect_dma semaphore(%arg14 : memref<!tpu.dma_semaphore, #tpu.memory_space<semaphore_mem>>) src(%dma_wait3A_743 : memref<10000x128xf32, #tpu.memory_space<hbm>>) dst(%arg10 : memref<80x128xf32, #tpu.memory_space<vmem>>)
      %mul3A_744 = arith.constant 80 : i32
      %mul3A_745 = arith.muli %add3A_662, %mul3A_744 : i32
      %add3A_746 = arith.constant 14400 : i32
      %add3A_747 = arith.addi %add3A_746, %mul3A_745 : i32
      %dma_wait3A_748 = tpu.memref_slice %arg5[%add3A_747] : memref<16000xi32, #tpu.memory_space<vmem>> -> memref<80xi32, #tpu.memory_space<vmem>>
      %dma_wait3A_749 = arith.constant 0 : i32
      %dma_wait3A_750 = arith.constant 0 : i32
      %dma_wait3A_751 = tpu.memref_slice %arg3[%dma_wait3A_749, %dma_wait3A_750] : memref<10000x128xf32, #tpu.memory_space<hbm>> -> memref<10000x128xf32, #tpu.memory_space<hbm>>
      tpu.wait_indirect_dma semaphore(%arg14 : memref<!tpu.dma_semaphore, #tpu.memory_space<semaphore_mem>>) src(%dma_wait3A_751 : memref<10000x128xf32, #tpu.memory_space<hbm>>) dst(%arg10 : memref<80x128xf32, #tpu.memory_space<vmem>>)
      %scan3A_752 = arith.constant 0 : i32
      %scan3A_753 = arith.constant 80 : i32
      %scan3A_754 = arith.addi %scan3A_752, %scan3A_753 : i32
      %scan3A_755 = arith.constant 1 : i32
      scf.for %scan3A_764 = %scan3A_752 to %scan3A_754 step %scan3A_755  : i32 {
        %mul3A_765 = arith.constant 1 : i32
        %mul3A_766 = arith.muli %scan3A_764, %mul3A_765 : i32
        %add3A_767 = arith.constant 0 : i32
        %add3A_768 = arith.addi %add3A_767, %mul3A_766 : i32
        %mul3A_769 = arith.constant 80 : i32
        %mul3A_770 = arith.muli %add3A_662, %mul3A_769 : i32
        %add3A_771 = arith.addi %mul3A_770, %add3A_768 : i32
        %broadcast_in_dim3A = vector.broadcast %add3A_771 : i32 to vector<16xi32>
        %gather3A = tpu.vector_load_idx %arg6[%broadcast_in_dim3A] : memref<1600xf32, #tpu.memory_space<vmem>>[vector<16xi32>], vector<16xf32>,
        %get3A = arith.index_cast %add3A_768 : i32 to index
        %get3A_772 = arith.constant 0 : index
        %get3A_773 = tpu.vector_load %arg10[%get3A, %get3A_772] {strides = array<i32>} : memref<80x128xf32, #tpu.memory_space<vmem>>, vector<16xf32>,
        %mul3A_774 = arith.mulf %get3A_773, %gather3A : vector<16xf32>
        %swap3A = arith.index_cast %add3A_768 : i32 to index
        %swap3A_775 = arith.constant 0 : index
        %swap3A_776 = tpu.vector_load %arg10[%swap3A, %swap3A_775] {strides = array<i32>} : memref<80x128xf32, #tpu.memory_space<vmem>>, vector<16xf32>,
        tpu.vector_store %arg10[%swap3A, %swap3A_775], %mul3A_774 {strides = array<i32>} : memref<80x128xf32, #tpu.memory_space<vmem>>, vector<16xf32>,
        %get3A_777 = arith.index_cast %add3A_768 : i32 to index
        %get3A_778 = arith.constant 16 : index
        %get3A_779 = tpu.vector_load %arg10[%get3A_777, %get3A_778] {strides = array<i32>} : memref<80x128xf32, #tpu.memory_space<vmem>>, vector<16xf32>,
        %mul3A_780 = arith.mulf %get3A_779, %gather3A : vector<16xf32>
        %swap3A_781 = arith.index_cast %add3A_768 : i32 to index
        %swap3A_782 = arith.constant 16 : index
        %swap3A_783 = tpu.vector_load %arg10[%swap3A_781, %swap3A_782] {strides = array<i32>} : memref<80x128xf32, #tpu.memory_space<vmem>>, vector<16xf32>,
        tpu.vector_store %arg10[%swap3A_781, %swap3A_782], %mul3A_780 {strides = array<i32>} : memref<80x128xf32, #tpu.memory_space<vmem>>, vector<16xf32>,
        %get3A_784 = arith.index_cast %add3A_768 : i32 to index
        %get3A_785 = arith.constant 32 : index
        %get3A_786 = tpu.vector_load %arg10[%get3A_784, %get3A_785] {strides = array<i32>} : memref<80x128xf32, #tpu.memory_space<vmem>>, vector<16xf32>,
        %mul3A_787 = arith.mulf %get3A_786, %gather3A : vector<16xf32>
        %swap3A_788 = arith.index_cast %add3A_768 : i32 to index
        %swap3A_789 = arith.constant 32 : index
        %swap3A_790 = tpu.vector_load %arg10[%swap3A_788, %swap3A_789] {strides = array<i32>} : memref<80x128xf32, #tpu.memory_space<vmem>>, vector<16xf32>,
        tpu.vector_store %arg10[%swap3A_788, %swap3A_789], %mul3A_787 {strides = array<i32>} : memref<80x128xf32, #tpu.memory_space<vmem>>, vector<16xf32>,
        %get3A_791 = arith.index_cast %add3A_768 : i32 to index
        %get3A_792 = arith.constant 48 : index
        %get3A_793 = tpu.vector_load %arg10[%get3A_791, %get3A_792] {strides = array<i32>} : memref<80x128xf32, #tpu.memory_space<vmem>>, vector<16xf32>,
        %mul3A_794 = arith.mulf %get3A_793, %gather3A : vector<16xf32>
        %swap3A_795 = arith.index_cast %add3A_768 : i32 to index
        %swap3A_796 = arith.constant 48 : index
        %swap3A_797 = tpu.vector_load %arg10[%swap3A_795, %swap3A_796] {strides = array<i32>} : memref<80x128xf32, #tpu.memory_space<vmem>>, vector<16xf32>,
        tpu.vector_store %arg10[%swap3A_795, %swap3A_796], %mul3A_794 {strides = array<i32>} : memref<80x128xf32, #tpu.memory_space<vmem>>, vector<16xf32>,
        %get3A_798 = arith.index_cast %add3A_768 : i32 to index
        %get3A_799 = arith.constant 64 : index
        %get3A_800 = tpu.vector_load %arg10[%get3A_798, %get3A_799] {strides = array<i32>} : memref<80x128xf32, #tpu.memory_space<vmem>>, vector<16xf32>,
        %mul3A_801 = arith.mulf %get3A_800, %gather3A : vector<16xf32>
        %swap3A_802 = arith.index_cast %add3A_768 : i32 to index
        %swap3A_803 = arith.constant 64 : index
        %swap3A_804 = tpu.vector_load %arg10[%swap3A_802, %swap3A_803] {strides = array<i32>} : memref<80x128xf32, #tpu.memory_space<vmem>>, vector<16xf32>,
        tpu.vector_store %arg10[%swap3A_802, %swap3A_803], %mul3A_801 {strides = array<i32>} : memref<80x128xf32, #tpu.memory_space<vmem>>, vector<16xf32>,
        %get3A_805 = arith.index_cast %add3A_768 : i32 to index
        %get3A_806 = arith.constant 80 : index
        %get3A_807 = tpu.vector_load %arg10[%get3A_805, %get3A_806] {strides = array<i32>} : memref<80x128xf32, #tpu.memory_space<vmem>>, vector<16xf32>,
        %mul3A_808 = arith.mulf %get3A_807, %gather3A : vector<16xf32>
        %swap3A_809 = arith.index_cast %add3A_768 : i32 to index
        %swap3A_810 = arith.constant 80 : index
        %swap3A_811 = tpu.vector_load %arg10[%swap3A_809, %swap3A_810] {strides = array<i32>} : memref<80x128xf32, #tpu.memory_space<vmem>>, vector<16xf32>,
        tpu.vector_store %arg10[%swap3A_809, %swap3A_810], %mul3A_808 {strides = array<i32>} : memref<80x128xf32, #tpu.memory_space<vmem>>, vector<16xf32>,
        %get3A_812 = arith.index_cast %add3A_768 : i32 to index
        %get3A_813 = arith.constant 96 : index
        %get3A_814 = tpu.vector_load %arg10[%get3A_812, %get3A_813] {strides = array<i32>} : memref<80x128xf32, #tpu.memory_space<vmem>>, vector<16xf32>,
        %mul3A_815 = arith.mulf %get3A_814, %gather3A : vector<16xf32>
        %swap3A_816 = arith.index_cast %add3A_768 : i32 to index
        %swap3A_817 = arith.constant 96 : index
        %swap3A_818 = tpu.vector_load %arg10[%swap3A_816, %swap3A_817] {strides = array<i32>} : memref<80x128xf32, #tpu.memory_space<vmem>>, vector<16xf32>,
        tpu.vector_store %arg10[%swap3A_816, %swap3A_817], %mul3A_815 {strides = array<i32>} : memref<80x128xf32, #tpu.memory_space<vmem>>, vector<16xf32>,
        %get3A_819 = arith.index_cast %add3A_768 : i32 to index
        %get3A_820 = arith.constant 112 : index
        %get3A_821 = tpu.vector_load %arg10[%get3A_819, %get3A_820] {strides = array<i32>} : memref<80x128xf32, #tpu.memory_space<vmem>>, vector<16xf32>,
        %mul3A_822 = arith.mulf %get3A_821, %gather3A : vector<16xf32>
        %swap3A_823 = arith.index_cast %add3A_768 : i32 to index
        %swap3A_824 = arith.constant 112 : index
        %swap3A_825 = tpu.vector_load %arg10[%swap3A_823, %swap3A_824] {strides = array<i32>} : memref<80x128xf32, #tpu.memory_space<vmem>>, vector<16xf32>,
        tpu.vector_store %arg10[%swap3A_823, %swap3A_824], %mul3A_822 {strides = array<i32>} : memref<80x128xf32, #tpu.memory_space<vmem>>, vector<16xf32>,
      }
      %scan3A_756 = arith.constant 80 : i32
      %mul3A_757 = arith.constant 80 : i32
      %mul3A_758 = arith.muli %add3A_662, %mul3A_757 : i32
      %add3A_759 = arith.addi %mul3A_2, %mul3A_758 : i32
      %dma_start3A_760 = arith.constant 0 : i32
      %dma_start3A_761 = tpu.memref_slice %arg4[%add3A_759, %dma_start3A_760] : memref<51200x128xf32, #tpu.memory_space<hbm>> -> memref<80x128xf32, #tpu.memory_space<hbm>>
      %dma_start3A_762 = arith.constant 0 : i32
      %dma_start3A_763 = tpu.memref_slice %arg4[%add3A_759, %dma_start3A_762] : memref<51200x128xf32, #tpu.memory_space<hbm>> -> memref<80x128xf32, #tpu.memory_space<hbm>>
      tpu.enqueue_dma source(%arg10 : memref<80x128xf32, #tpu.memory_space<vmem>>) target(%dma_start3A_763 : memref<80x128xf32, #tpu.memory_space<hbm>>) target_semaphore(%arg18 : memref<!tpu.dma_semaphore, #tpu.memory_space<semaphore_mem>>)
    }
    %scan3A_334 = arith.constant 5 : i32
    %dma_wait3A_335 = arith.constant 0 : i32
    %dma_wait3A_336 = tpu.memref_slice %arg4[%mul3A_2, %dma_wait3A_335] : memref<51200x128xf32, #tpu.memory_space<hbm>> -> memref<80x128xf32, #tpu.memory_space<hbm>>
    %dma_wait3A_337 = arith.constant 0 : i32
    %dma_wait3A_338 = tpu.memref_slice %arg4[%mul3A_2, %dma_wait3A_337] : memref<51200x128xf32, #tpu.memory_space<hbm>> -> memref<80x128xf32, #tpu.memory_space<hbm>>
    tpu.wait_dma2 semaphore(%arg15 : memref<!tpu.dma_semaphore, #tpu.memory_space<semaphore_mem>>) src(%arg7 : memref<80x128xf32, #tpu.memory_space<vmem>>) dst(%dma_wait3A_338 : memref<80x128xf32, #tpu.memory_space<hbm>>)
    %dma_wait3A_339 = arith.constant 0 : i32
    %dma_wait3A_340 = tpu.memref_slice %arg4[%mul3A_2, %dma_wait3A_339] : memref<51200x128xf32, #tpu.memory_space<hbm>> -> memref<80x128xf32, #tpu.memory_space<hbm>>
    %dma_wait3A_341 = arith.constant 0 : i32
    %dma_wait3A_342 = tpu.memref_slice %arg4[%mul3A_2, %dma_wait3A_341] : memref<51200x128xf32, #tpu.memory_space<hbm>> -> memref<80x128xf32, #tpu.memory_space<hbm>>
    tpu.wait_dma2 semaphore(%arg16 : memref<!tpu.dma_semaphore, #tpu.memory_space<semaphore_mem>>) src(%arg8 : memref<80x128xf32, #tpu.memory_space<vmem>>) dst(%dma_wait3A_342 : memref<80x128xf32, #tpu.memory_space<hbm>>)
    %dma_wait3A_343 = arith.constant 0 : i32
    %dma_wait3A_344 = tpu.memref_slice %arg4[%mul3A_2, %dma_wait3A_343] : memref<51200x128xf32, #tpu.memory_space<hbm>> -> memref<80x128xf32, #tpu.memory_space<hbm>>
    %dma_wait3A_345 = arith.constant 0 : i32
    %dma_wait3A_346 = tpu.memref_slice %arg4[%mul3A_2, %dma_wait3A_345] : memref<51200x128xf32, #tpu.memory_space<hbm>> -> memref<80x128xf32, #tpu.memory_space<hbm>>
    tpu.wait_dma2 semaphore(%arg17 : memref<!tpu.dma_semaphore, #tpu.memory_space<semaphore_mem>>) src(%arg9 : memref<80x128xf32, #tpu.memory_space<vmem>>) dst(%dma_wait3A_346 : memref<80x128xf32, #tpu.memory_space<hbm>>)
    %dma_wait3A_347 = arith.constant 0 : i32
    %dma_wait3A_348 = tpu.memref_slice %arg4[%mul3A_2, %dma_wait3A_347] : memref<51200x128xf32, #tpu.memory_space<hbm>> -> memref<80x128xf32, #tpu.memory_space<hbm>>
    %dma_wait3A_349 = arith.constant 0 : i32
    %dma_wait3A_350 = tpu.memref_slice %arg4[%mul3A_2, %dma_wait3A_349] : memref<51200x128xf32, #tpu.memory_space<hbm>> -> memref<80x128xf32, #tpu.memory_space<hbm>>
    tpu.wait_dma2 semaphore(%arg18 : memref<!tpu.dma_semaphore, #tpu.memory_space<semaphore_mem>>) src(%arg10 : memref<80x128xf32, #tpu.memory_space<vmem>>) dst(%dma_wait3A_350 : memref<80x128xf32, #tpu.memory_space<hbm>>)
    return
  }
}

module attributes {stable_mosaic.version = 14 : i64} {
  func.func @_tc_combine(%arg0: memref<1000x128xf32, #tpu.memory_space<vmem>>, %arg1: memref<10x128xf32, #tpu.memory_space<vmem>>, %arg2: memref<1000x10x128xf32, #tpu.memory_space<vmem>>) attributes {dimension_semantics = [], scalar_prefetch = 0 : i64, scratch_operands = 0 : i64, tpu.core_type = #tpu.core_type<tc>} {
    %get3A = arith.constant 0 : index
    %get3A_0 = arith.constant 0 : index
    %get3A_1 = vector.load %arg0[%get3A, %get3A_0] : memref<1000x128xf32, #tpu.memory_space<vmem>>, vector<1000x128xf32>
    %get3A_2 = arith.constant 0 : index
    %get3A_3 = arith.constant 0 : index
    %get3A_4 = vector.load %arg1[%get3A_2, %get3A_3] : memref<10x128xf32, #tpu.memory_space<vmem>>, vector<10x128xf32>
    %broadcast_in_dim3A = vector.shape_cast %get3A_1 : vector<1000x128xf32> to vector<1000x1x128xf32>
    %broadcast_in_dim3A_5 = vector.shape_cast %get3A_4 : vector<10x128xf32> to vector<1x10x128xf32>
    %add3A = vector.broadcast %broadcast_in_dim3A : vector<1000x1x128xf32> to vector<1000x10x128xf32>
    %add3A_6 = vector.broadcast %broadcast_in_dim3A_5 : vector<1x10x128xf32> to vector<1000x10x128xf32>
    %add3A_7 = arith.addf %add3A, %add3A_6 : vector<1000x10x128xf32>
    %swap3A = arith.constant 0 : index
    %swap3A_8 = arith.constant 0 : index
    %swap3A_9 = arith.constant 0 : index
    %swap3A_10 = vector.load %arg2[%swap3A, %swap3A_8, %swap3A_9] : memref<1000x10x128xf32, #tpu.memory_space<vmem>>, vector<1000x10x128xf32>
    tpu.vector_store %arg2[%swap3A, %swap3A_8, %swap3A_9], %add3A_7 {strides = array<i32>} : memref<1000x10x128xf32, #tpu.memory_space<vmem>>, vector<1000x10x128xf32>,
    return
  }
}

</mosaic_0001>

<sc_bundles>
// kernel: kernel.4.cloned.1.call-start
scs
__scs_entry_jumppad:
0x0: {  	(pc) =	sbr.rel $0x88, $3  }
0x1: {  	(tag) =	ssettag $0x0;
	lr =	simm.s32 $0x1  }
0x2: {  	[smem:$0x3F9D] =	sst lr;
	_ =	strace $0xD0000000  }
0x3: {  	_ = 	snop  }
0x4: {  	_ = 	snop  }
0x5: {  	_ = 	snop  }
0x6: {  	_ = 	snop  }
0x7: {  	_ = 	snop  }
__scs_overlays_trampoline_lowered:
0x8: {  	[smem:$0x3FAC] =	sst s0  }
0x9: {  	[smem:$0x3FAD] =	sst s1  }
0xa: {  	[smem:$0x3FAE] =	sst s2  }
0xb: {  	[smem:$0x3FAF] =	sst s3  }
0xc: {  	[smem:$0x3FB0] =	sst s4  }
0xd: {  	[smem:$0x3FB1] =	sst s5  }
0xe: {  	[smem:$0x3FB2] =	sst s6  }
0xf: {  	[smem:$0x3FB3] =	sst s7  }
0x10: {  	[smem:$0x3FB4] =	sst s8  }
0x11: {  	[smem:$0x3FB5] =	sst s9;
	s0 =	simm.s32 @!p0 $0x0  }
0x12: {  	s1 =	sld [smem:$0x3F9B];
	s0 =	simm.s32 @p0 $0x1  }
0x13: {  	[smem:$0x3FB6] =	sst s0;
	s0 =	simm.s32 @!p1 $0x0  }
0x14: {  	s2 =	sld [smem:$0x3F9A];
	s0 =	simm.s32 @p1 $0x1  }
0x15: {  	[smem:$0x3FB7] =	sst s0;
	s0 =	simm.s32 @!p2 $0x0  }
0x16: {  	s3 =	sld [smem:$0x3FDB];
	s0 =	simm.s32 @p2 $0x1  }
0x17: {  	s4 =	simm.s32 $0x1BF5;
	[smem:$0x3FB9] =	sst s0  }
0x18: {  	s0 =	sld [smem:$0x3F9C];
	_ =	swait.ge [sflag:s4], $0x0  }
0x19: {  	s7 =	sld [smem:$0x3F9D]  }
0x1a: {  	s8 =	sadd.s32 $0xFFFFE003, lr  }
0x1b: {  	s9 =	sadd.s32 $0xFFFFFEF7, lr;
	s5 =	simm.s32 $0xFFFFFFFF;
	p2 =	slt.u32 s8, $0xFFFFF086  }
0x1c: {  	p1 =	slt.u32 s9, $0xF7A;
	s5 =	simm.s32 @!p2 $0x0  }
0x1d: {  	s5 =	simm.s32 @p1 $0x1;
	p0 =	seq.s32 s7, s2  }
0x1e: {  	s7 =	smul.u32 @!p0 $0xF7A, s2;
	p2 =	seq.s32 @!p0 s5, $0x0  }
0x1f: {  	s9 =	smul.u32 $0xF7A, s1;
	s8 =	simm.s32 @!p0 $0x1BF5;
	p2 =	por !p2, p0  }
0x20: {  	[sflag:s8] =	ssyncset.s32 @!p0 $0xFFFFF086;
	s6 =	sadd.s32 @!p0 s3, s7;
	s7 =	simm.s32 @!p0 $0x108  }
0x21: {  	s3 =	sadd.s32 s3, s9;
	s6 =	sadd.s32 @!p0 $0x88, s6;
	s7 =	simm.s32 @p2 $0x1082  }
0x22: {  	[simem:s7], [sflag:s8] =	dma.local @!p0 [hbm:s6], $0xF7A  }
0x23: {  	s9 =	sor.u32 $0xD0000000, s2;
	s6 =	simm.s32 $0x108;
	_ =	swait.ge @!p0 [sflag:s8], $0x0  }
0x24: {  	s3 =	sadd.s32 $0x88, s3;
	s6 =	simm.s32 @!p1 $0x1082;
	[sflag:s4] =	ssyncset.s32 $0xFFFFF086  }
0x25: {  	[simem:s6], [sflag:s4] =	dma.local [hbm:s3], $0xF7A  }
0x26: {  	[smem:$0x3F9D] =	sst s1;
	(tag) =	ssettag s2;
	_ =	strace s9  }
0x27: {  	s1 =	sld [smem:$0x3FAD]  }
0x28: {  	s2 =	sld [smem:$0x3FAE]  }
0x29: {  	s4 =	sld [smem:$0x3FB0]  }
0x2a: {  	p0 =	seq.s32 s5, $0x0;
	s5 =	sld [smem:$0x3FB1]  }
0x2b: {  	s6 =	sld [smem:$0x3FB2]  }
0x2c: {  	s7 =	sld [smem:$0x3FB3]  }
0x2d: {  	s3 =	simm.s32 $0x108;
	s8 =	sld [smem:$0x3FB4]  }
0x2e: {  	s3 =	simm.s32 @!p0 $0x1082;
	s9 =	sld [smem:$0x3FB5]  }
0x2f: {  	lr =	sadd.s32 s0, s3;
	s0 =	sld [smem:$0x3FAC]  }
0x30: {  	s3 =	sld [smem:$0x3FAF]  }
0x31: {  	[smem:$0x3FB8] =	sst s10  }
0x32: {  	s10 =	sld [smem:$0x3FB6];
	_ =	sdelay $0x3  }
0x33: {  	p0 =	seq.s32 s10, $0x1;
	s10 =	sld [smem:$0x3FB8];
	_ =	sdelay $0x3  }
0x34: {  	[smem:$0x3FB8] =	sst s10  }
0x35: {  	s10 =	sld [smem:$0x3FB7];
	_ =	sdelay $0x3  }
0x36: {  	p1 =	seq.s32 s10, $0x1;
	s10 =	sld [smem:$0x3FB8];
	_ =	sdelay $0x3  }
0x37: {  	[smem:$0x3FB8] =	sst s10  }
0x38: {  	s10 =	sld [smem:$0x3FB9]  }
0x39: {  	_ = 	snop;
	(pc) =	sbr.ind lr, $3  }
0x3a: {  	_ = 	snop  }
0x3b: {  	_ = 	snop  }
0x3c: {  	p2 =	seq.s32 s10, $0x1;
	s10 =	sld [smem:$0x3FB8]  }
0x3d: {  	_ =	shalt  }
0x3e: {  	_ =	shalt  }
0x3f: {  	_ =	shalt  }
0x40: {  	_ =	shalt  }
0x41: {  	_ =	shalt  }
0x42: {  	_ =	shalt  }
0x43: {  	_ =	shalt  }
0x44: {  	_ =	shalt  }
0x45: {  	_ =	shalt  }
0x46: {  	_ =	shalt  }
0x47: {  	_ =	shalt  }
0x48: {  	_ =	shalt  }
0x49: {  	_ =	shalt  }
0x4a: {  	_ =	shalt  }
0x4b: {  	_ =	shalt  }
0x4c: {  	_ =	shalt  }
0x4d: {  	_ =	shalt  }
0x4e: {  	_ =	shalt  }
0x4f: {  	_ =	shalt  }
0x50: {  	_ =	shalt  }
0x51: {  	_ =	shalt  }
0x52: {  	_ =	shalt  }
0x53: {  	_ =	shalt  }
0x54: {  	_ =	shalt  }
0x55: {  	_ =	shalt  }
0x56: {  	_ =	shalt  }
0x57: {  	_ =	shalt  }
0x58: {  	_ =	shalt  }
0x59: {  	_ =	shalt  }
0x5a: {  	_ =	shalt  }
0x5b: {  	_ =	shalt  }
0x5c: {  	_ =	shalt  }
0x5d: {  	_ =	shalt  }
0x5e: {  	_ =	shalt  }
0x5f: {  	_ =	shalt  }
0x60: {  	_ =	shalt  }
0x61: {  	_ =	shalt  }
0x62: {  	_ =	shalt  }
0x63: {  	_ =	shalt  }
0x64: {  	_ =	shalt  }
0x65: {  	_ =	shalt  }
0x66: {  	_ =	shalt  }
0x67: {  	_ =	shalt  }
0x68: {  	_ =	shalt  }
0x69: {  	_ =	shalt  }
0x6a: {  	_ =	shalt  }
0x6b: {  	_ =	shalt  }
0x6c: {  	_ =	shalt  }
0x6d: {  	_ =	shalt  }
0x6e: {  	_ =	shalt  }
0x6f: {  	_ =	shalt  }
0x70: {  	_ =	shalt  }
0x71: {  	_ =	shalt  }
0x72: {  	_ =	shalt  }
0x73: {  	_ =	shalt  }
0x74: {  	_ =	shalt  }
0x75: {  	_ =	shalt  }
0x76: {  	_ =	shalt  }
0x77: {  	_ =	shalt  }
0x78: {  	_ =	shalt  }
0x79: {  	_ =	shalt  }
0x7a: {  	_ =	shalt  }
0x7b: {  	_ =	shalt  }
0x7c: {  	_ =	shalt  }
0x7d: {  	_ =	shalt  }
0x7e: {  	_ =	shalt  }
0x7f: {  	_ =	shalt  }
0x80: {  	_ =	shalt  }
0x81: {  	_ =	shalt  }
0x82: {  	_ =	shalt  }
0x83: {  	_ =	shalt  }
0x84: {  	_ =	shalt  }
0x85: {  	_ =	shalt  }
0x86: {  	_ =	shalt  }
0x87: {  	_ =	shalt  }
.Lfunc_end0:
.L_simem_size_0:
called_computation_lowered:
.L_overlay_start_0:
0x88: {  	s2 =	sld [smem:$0x3FD9]  }
0x89: {  	s3 =	sld [smem:$0x3FFE];
	_ =	sdelay $0x1  }
0x8a: {  	s1 =	srdreg.scid  }
0x8b: {  	s0 =	sand.u32 $0x1, s1  }
0x8c: {  	s17 =	sshll.u32 s0, $0xA;
	s2 =	sadd.s32 s3, s2  }
0x8d: {  	s2 =	sadd.s32 s2, s17  }
0x8e: {  	[smem:$0x3FC4] =	sst s2  }
0x8f: {  	_ = 	snop  }
0x90: {  	s2 =	sld [smem:$0x3FD0];
	(tm) =	ssettm $0x1  }
0x91: {  	s18 =	sld [smem:$0x3FFB];
	_ =	sdelay $0x3  }
0x92: {  	_ =	strace s18  }
0x93: {  	s3 =	sld [smem:$0x3FFC];
	_ =	sdelay $0x3  }
0x94: {  	_ =	strace s3  }
0x95: {  	s3 =	sld [smem:$0x3FFD];
	_ =	sdelay $0x3  }
0x96: {  	_ =	strace s3  }
0x97: {  	_ =	strace $0x8FFFFFFF  }
0x98: {  	s19 =	sld [smem:$0x3FDB];
	_ =	sdelay $0x1  }
0x99: {  	s4 =	simm.s32 $_scs_section_size  }
0x9a: {  	s5 =	simm.s32 $_size__tile_overlayer_lowered;
	s6 =	simm.s32 $_tile_overlayer_lowered  }
0x9b: {  	s22 =	simm.s32 $0x1BFF;
	s21 =	sshll.u32 s6, $0x1;
	s3 =	sadd.s32 s4, s19  }
0x9c: {  	s7 =	simm.s32 $0x0;
	s20 =	sshll.u32 s5, $0x1;
	s5 =	sadd.s32 s21, s3  }
0x9d: {  	[timem:s7], [sflag:s22] =	dma.local [hbm:s5], s20  }
0x9e: {  	_ =	swait.ge [sflag:s22], s20  }
0x9f: {  	s4 =	ssub.s32 $0x0, s20;
	[sflag:s22] =	ssyncset.done $0x0  }
0xa0: {  	[sflag:s22] =	ssyncadd.s32 s4;
	_ =	sdelay $0x1  }
0xa1: {  	s23 =	simm.s32 $0x1B8B  }
0xa2: {  	_ =	swait.ge [sflag:s23], $0x1  }
0xa3: {  	[sflag:s23] =	ssyncset.done $0x0  }
0xa4: {  	s25 =	simm.s32 $0x1B8E;
	s24 =	sld [smem:$0x3FFE];
	[sflag:s23] =	ssyncadd.s32 $0xFFFFFFFF  }
0xa5: {  	s26 =	simm.s32 $execute0_lowered;
	[smem:$0x3FD2] =	sst s25  }
0xa6: {  	s5 =	sshll.u32 s26, $0x1;
	_ =	strace $0x80000046;
	[dreg:$0x1] =	wrdreg $0xFFFFFFFF  }
0xa7: {  	s28 =	simm.s32 $_size_execute0_lowered;
	s3 =	sadd.s32 s3, s5;
	[dreg:$0x0] =	wrdreg $0x0  }
0xa8: {  	s5 =	sshll.u32 s28, $0x1;
	[dreg:$0x2] =	wrdreg s3  }
0xa9: {  	[dreg:$0x3] =	wrdreg s5  }
0xaa: {  	[dreg:$0x4] =	wrdreg $0xC0  }
0xab: {  	_ =	task [dreg:s7], $0x5FFFF  }
0xac: {  	[dreg:$0x1] =	wrdreg $0xFFFFFFFF  }
0xad: {  	[dreg:$0x0] =	wrdreg $0x60  }
0xae: {  	[dreg:$0x2] =	wrdreg s24  }
0xaf: {  	[dreg:$0x3] =	wrdreg s2  }
0xb0: {  	[dreg:$0x4] =	wrdreg $0x9  }
0xb1: {  	_ =	task.clear_ibuf [dreg:s7], $0x5FFFF;
	_ =	strace $0x90000046  }
0xb2: {  	s29 =	simm.s32 $0x9;
	_ =	strace $0x80000048  }
0xb3: {  	_ =	swait.ge [sflag:s29], $0x1  }
0xb4: {  	[sflag:s29] =	ssyncadd.s32 $0xFFFFFFFF  }
0xb5: {  	_ =	strace $0x90000048  }
0xb6: {  	_ =	sfence  }
0xb7: {  	s30 =	sld [smem:$0x0];
	_ =	sdelay $0x2  }
0xb8: {  	s31 =	sshll.u32 s1, $0xD;
	s1 =	sshrl.u32 s1, $0x2  }
0xb9: {  	s3 =	sand.u32 $0x4000, s31;
	s1 =	sadd.s32 s1, s30  }
0xba: {  	s0 =	sor.u32 s3, s0;
	s1 =	sshll.u32 s1, $0x11  }
0xbb: {  	s0 =	sor.u32 s1, s0  }
0xbc: {  	s0 =	sadd.s32 $0x8F2B, s0  }
0xbd: {  	[sflag:s0] =	ssyncadd.remote.s32 $0x1  }
0xbe: {  	_ =	sfence.sel $0xFFFF  }
0xbf: {  	[dreg:$0x0] =	wrdreg $0xFFFFFFFF;
	(pc) =	sbr.abs _section_cstart, $3  }
0xc0: {  	[dreg:$0x1] =	wrdreg $0xFFFFFFFF  }
0xc1: {  	_ =	task.clear_ibuf [dreg:s7], $0x2FFFF;
	_ =	strace $0x9FFFFFFF  }
0xc2: {  	(tm) =	ssettm $0x7FFFFFFF  }
0xc3: {  	_ =	shalt  }
tec
execute0_lowered:
.L_overlay_start_1:
0x0: {  	(tag) =	ssettag $0x1  }
0x1: {  	s0 =	srdreg.scid;
	s1 =	stileid.u32  }
0x2: {  	s5 =	rddreg [dreg:$0x0];
	s0 =	sand.u32 $0x1, s0;
	s1 =	sshll.u32 s1, $0x1  }
0x3: {  	s2 =	rddreg [dreg:$0x1];
	s4 =	simm.s32 $0x0;
	s1 =	sor.u32 s0, s1  }
0x4: {  	s9 =	simm.s32 $0x640;
	s0 =	ssub.s32 $0x2, s0;
	s3 =	smul.u32 $0x640, s1  }
0x5: {  	s10 =	simm.s32 $0xC80;
	s11 =	simm.s32 $0x12C0;
	s6 =	sshrl.u32 s0, $0x1  }
0x6: {  	s12 =	simm.s32 $0x1900;
	s0 =	ssub.s32 s0, s6;
	s1 =	sshrl.u32 s3, $0x3  }
0x7: {  	[smem:$0x7FF] =	sst s4;
	s0 =	smax.u32 s0, $0x1;
	s1 =	sadd.s32 s1, s5  }
0x8: {  	_ =	strace $0x80000047;
	[dreg:$0xd] =	wrdreg s0;
	s18 =	sadd.s32 $0x800, s1  }
0x9: {  	s13 =	simm.s32 $0x2580;
	s19 =	sadd.s32 $0x2100, s1;
	[dreg:$0x3] =	wrdreg s18  }
0xa: {  	s14 =	simm.s32 $0x2BC0;
	s20 =	sadd.s32 $0x3A00, s1;
	[dreg:$0x4] =	wrdreg s19  }
0xb: {  	s15 =	simm.s32 $0x3200;
	s21 =	sadd.s32 $0x5300, s1;
	[dreg:$0x5] =	wrdreg s20  }
0xc: {  	s16 =	simm.s32 $0x3840;
	s22 =	sadd.s32 $0x6C00, s1;
	[dreg:$0x6] =	wrdreg s21  }
0xd: {  	s28 =	simm.s32 $0x50;
	s23 =	sadd.s32 $0x8500, s1;
	[dreg:$0x7] =	wrdreg s22  }
0xe: {  	s29 =	simm.s32 $0x4500;
	s24 =	sadd.s32 $0x9E00, s1;
	[dreg:$0x8] =	wrdreg s23  }
0xf: {  	s30 =	simm.s32 $0x6D00;
	s25 =	sadd.s32 $0xB700, s1;
	[dreg:$0x9] =	wrdreg s24  }
0x10: {  	s31 =	simm.s32 $0x1;
	s26 =	sadd.s32 $0xD000, s1;
	[dreg:$0xa] =	wrdreg s25  }
0x11: {  	s17 =	simm.s32 $0x2;
	s1 =	sadd.s32 $0xE900, s1;
	[dreg:$0xb] =	wrdreg s26  }
0x12: {  	s5 =	sadd.s32 $0x10200, s5;
	s0 =	simm.s32 $0x9500;
	[dreg:$0xc] =	wrdreg s1  }
0x13: {  	s26 =	simm.s32 $0x9;
	s21 =	simm.s32 $0xBD00;
	s1 =	simm.s32 $0x3E80  }
0x14: {  	s18 =	simm.s32 $0x3;
	s19 =	simm.s32 $0x4;
	s20 =	simm.s32 $0x5  }
0x15: {  	v0 =	vimm.f32 $0.0e+00;
	s22 =	simm.s32 $0x6;
	s23 =	simm.s32 $0x7;
	s24 =	simm.s32 $0x0  }
.LBB2_1:
0x16: {  	s6 =	rddreg [dreg:$0x3]  }
0x17: {  	[tilespmem:s4], [sflag:$0x9] =	stream.linear.gather [hbm4b:s6+s4], $0x640, $0x38;
	[tilespmem:$0xE500] =	vst v63  }
0x18: {  	s7 =	rddreg [dreg:$0x4]  }
0x19: {  	[tilespmem:s9], [sflag:$0x9] =	stream.linear.gather [hbm4b:s7+s4], $0x640, $0x38;
	[tilespmem:$0xE500] =	vst v63  }
0x1a: {  	s8 =	rddreg [dreg:$0x5]  }
0x1b: {  	[tilespmem:s10], [sflag:$0x9] =	stream.linear.gather [hbm4b:s8+s4], $0x640, $0x38;
	[tilespmem:$0xE500] =	vst v63  }
0x1c: {  	s25 =	rddreg [dreg:$0x6]  }
0x1d: {  	[tilespmem:s11], [sflag:$0x9] =	stream.linear.gather [hbm4b:s25+s4], $0x640, $0x38;
	[tilespmem:$0xE500] =	vst v63  }
0x1e: {  	s7 =	rddreg [dreg:$0x7]  }
0x1f: {  	[tilespmem:s12], [sflag:$0x9] =	stream.linear.gather [hbm4b:s7+s4], $0x640, $0x38;
	[tilespmem:$0xE500] =	vst v63  }
0x20: {  	s8 =	rddreg [dreg:$0x8];
	s7 =	simm.s32 $0x1F40  }
0x21: {  	[tilespmem:s7], [sflag:$0x9] =	stream.linear.gather [hbm4b:s8+s4], $0x640, $0x38;
	[tilespmem:$0xE500] =	vst v63  }
0x22: {  	s25 =	rddreg [dreg:$0x9]  }
0x23: {  	[tilespmem:s13], [sflag:$0x9] =	stream.linear.gather [hbm4b:s25+s4], $0x640, $0x38;
	[tilespmem:$0xE500] =	vst v63  }
0x24: {  	s7 =	rddreg [dreg:$0xa]  }
0x25: {  	[tilespmem:s14], [sflag:$0x9] =	stream.linear.gather [hbm4b:s7+s4], $0x640, $0x38;
	[tilespmem:$0xE500] =	vst v63  }
0x26: {  	s8 =	rddreg [dreg:$0xb]  }
0x27: {  	[tilespmem:s15], [sflag:$0x9] =	stream.linear.gather [hbm4b:s8+s4], $0x640, $0x38;
	[tilespmem:$0xE500] =	vst v63  }
0x28: {  	s25 =	rddreg [dreg:$0xc];
	s7 =	simm.s32 $0x0;
	s8 =	simm.s32 $0x200  }
0x29: {  	[tilespmem:s16], [sflag:$0x9] =	stream.linear.gather [hbm4b:s25+s4], $0x640, $0x38;
	[tilespmem:$0xE500] =	vst v63  }
.LBB2_2:
0x2a: {  	p0 =	sne.s32 s8, $0x9E00;
	[tilespmem:s7+$0x4570] =	vst v0  }
0x2b: {  	[tilespmem:s7+$0x4500] =	vst v0  }
0x2c: {  	[tilespmem:s7+$0x4510] =	vst v0  }
.Ltmp0:
0x2d: {  	[tilespmem:s7+$0x4520] =	vst v0;
	(pc) =	sbr.rel @p0 .LBB2_2-.Ltmp0, $4  }
0x2e: {  	[tilespmem:s7+$0x4530] =	vst v0  }
0x2f: {  	[tilespmem:s7+$0x4540] =	vst v0  }
0x30: {  	[tilespmem:s7+$0x4550] =	vst v0  }
0x31: {  	[tilespmem:s7+$0x4560] =	vst v0;
	s7 =	sshra.s32 s8, $0x2;
	s8 =	sadd.s32 $0x200, s8  }
0x32: {  	[tilespmem:s7+$0x4570] =	vst v0  }
0x33: {  	[tilespmem:s7+$0x4500] =	vst v0  }
0x34: {  	[tilespmem:s7+$0x4510] =	vst v0  }
0x35: {  	[tilespmem:s7+$0x4520] =	vst v0  }
0x36: {  	[tilespmem:s7+$0x4530] =	vst v0  }
0x37: {  	[tilespmem:s7+$0x4540] =	vst v0  }
0x38: {  	[tilespmem:s7+$0x4550] =	vst v0  }
0x39: {  	[tilespmem:s7+$0x4560] =	vst v0;
	s7 =	simm.s32 $0x0;
	s8 =	simm.s32 $0x200  }
.LBB2_4:
0x3a: {  	p0 =	sne.s32 s8, $0x9E00;
	[tilespmem:s7+$0x6D70] =	vst v0  }
0x3b: {  	[tilespmem:s7+$0x6D00] =	vst v0  }
0x3c: {  	[tilespmem:s7+$0x6D10] =	vst v0  }
.Ltmp1:
0x3d: {  	[tilespmem:s7+$0x6D20] =	vst v0;
	(pc) =	sbr.rel @p0 .LBB2_4-.Ltmp1, $4  }
0x3e: {  	[tilespmem:s7+$0x6D30] =	vst v0  }
0x3f: {  	[tilespmem:s7+$0x6D40] =	vst v0  }
0x40: {  	[tilespmem:s7+$0x6D50] =	vst v0  }
0x41: {  	[tilespmem:s7+$0x6D60] =	vst v0;
	s7 =	sshra.s32 s8, $0x2;
	s8 =	sadd.s32 $0x200, s8  }
0x42: {  	[tilespmem:s7+$0x6D70] =	vst v0  }
0x43: {  	[tilespmem:s7+$0x6D00] =	vst v0  }
0x44: {  	[tilespmem:s7+$0x6D10] =	vst v0  }
0x45: {  	[tilespmem:s7+$0x6D20] =	vst v0  }
0x46: {  	[tilespmem:s7+$0x6D30] =	vst v0  }
0x47: {  	[tilespmem:s7+$0x6D40] =	vst v0  }
0x48: {  	[tilespmem:s7+$0x6D50] =	vst v0  }
0x49: {  	[tilespmem:s7+$0x6D60] =	vst v0;
	s7 =	simm.s32 $0x0;
	s8 =	simm.s32 $0x200  }
.LBB2_6:
0x4a: {  	p0 =	sne.s32 s8, $0x9E00;
	[tilespmem:s7+$0x9570] =	vst v0  }
0x4b: {  	[tilespmem:s7+$0x9500] =	vst v0  }
0x4c: {  	[tilespmem:s7+$0x9510] =	vst v0  }
.Ltmp2:
0x4d: {  	[tilespmem:s7+$0x9520] =	vst v0;
	(pc) =	sbr.rel @p0 .LBB2_6-.Ltmp2, $4  }
0x4e: {  	[tilespmem:s7+$0x9530] =	vst v0  }
0x4f: {  	[tilespmem:s7+$0x9540] =	vst v0  }
0x50: {  	[tilespmem:s7+$0x9550] =	vst v0  }
0x51: {  	[tilespmem:s7+$0x9560] =	vst v0;
	s7 =	sshra.s32 s8, $0x2;
	s8 =	sadd.s32 $0x200, s8  }
0x52: {  	[tilespmem:s7+$0x9570] =	vst v0  }
0x53: {  	[tilespmem:s7+$0x9500] =	vst v0  }
0x54: {  	[tilespmem:s7+$0x9510] =	vst v0  }
0x55: {  	[tilespmem:s7+$0x9520] =	vst v0  }
0x56: {  	[tilespmem:s7+$0x9530] =	vst v0  }
0x57: {  	[tilespmem:s7+$0x9540] =	vst v0  }
0x58: {  	[tilespmem:s7+$0x9550] =	vst v0  }
0x59: {  	[tilespmem:s7+$0x9560] =	vst v0  }
0x5a: {  	_ =	swait.ge [sflag:s26], $0x640  }
0x5b: {  	[sflag:s26] =	ssyncset.done $0x0  }
0x5c: {  	[sflag:s26] =	ssyncadd.s32 $0xFFFFF9C0  }
0x5d: {  	_ =	swait.ge [sflag:s26], $0x640  }
0x5e: {  	[sflag:s26] =	ssyncset.done $0x0  }
0x5f: {  	[sflag:s26] =	ssyncadd.s32 $0xFFFFF9C0  }
0x60: {  	_ =	swait.ge [sflag:s26], $0x640  }
0x61: {  	[sflag:s26] =	ssyncset.done $0x0  }
0x62: {  	[sflag:s26] =	ssyncadd.s32 $0xFFFFF9C0  }
0x63: {  	_ =	swait.ge [sflag:s26], $0x640  }
0x64: {  	[sflag:s26] =	ssyncset.done $0x0  }
0x65: {  	[sflag:s26] =	ssyncadd.s32 $0xFFFFF9C0  }
0x66: {  	_ =	swait.ge [sflag:s26], $0x640  }
0x67: {  	[sflag:s26] =	ssyncset.done $0x0  }
0x68: {  	[sflag:s26] =	ssyncadd.s32 $0xFFFFF9C0  }
0x69: {  	_ =	swait.ge [sflag:s26], $0x640  }
0x6a: {  	[sflag:s26] =	ssyncset.done $0x0  }
0x6b: {  	[sflag:s26] =	ssyncadd.s32 $0xFFFFF9C0  }
0x6c: {  	_ =	swait.ge [sflag:s26], $0x640  }
0x6d: {  	[sflag:s26] =	ssyncset.done $0x0  }
0x6e: {  	[sflag:s26] =	ssyncadd.s32 $0xFFFFF9C0  }
0x6f: {  	_ =	swait.ge [sflag:s26], $0x640  }
0x70: {  	[sflag:s26] =	ssyncset.done $0x0  }
0x71: {  	[sflag:s26] =	ssyncadd.s32 $0xFFFFF9C0  }
0x72: {  	_ =	swait.ge [sflag:s26], $0x640  }
0x73: {  	[sflag:s26] =	ssyncset.done $0x0  }
0x74: {  	[sflag:s26] =	ssyncadd.s32 $0xFFFFF9C0  }
0x75: {  	_ =	swait.ge [sflag:s26], $0x640  }
0x76: {  	[sflag:s26] =	ssyncset.done $0x0  }
0x77: {  	s7 =	simm.s32 $0x0;
	[sflag:s26] =	ssyncadd.s32 $0xFFFFF9C0  }
0x78: {  	[tilespmem:s29], [sflag:$0x1] =	stream.indirect.gather.add.f32 [hbm:s5], $0x80, s7, s28, $0xb8;
	[tilespmem:$0xE500] =	vst v63  }
0x79: {  	_ = 	snop  }
0x7a: {  	[tilespmem:s29], [sflag:$0x1] =	stream.indirect.gather.add.f32 [hbm:s5], $0x80, s9, s28, $0xb8;
	[tilespmem:$0xE500] =	vst v63  }
0x7b: {  	_ = 	snop  }
0x7c: {  	[tilespmem:s29], [sflag:$0x1] =	stream.indirect.gather.add.f32 [hbm:s5], $0x80, s10, s28, $0xb8;
	[tilespmem:$0xE500] =	vst v63  }
0x7d: {  	_ = 	snop  }
0x7e: {  	[tilespmem:s29], [sflag:$0x1] =	stream.indirect.gather.add.f32 [hbm:s5], $0x80, s11, s28, $0xb8;
	[tilespmem:$0xE500] =	vst v63  }
0x7f: {  	_ = 	snop  }
0x80: {  	[tilespmem:s29], [sflag:$0x1] =	stream.indirect.gather.add.f32 [hbm:s5], $0x80, s12, s28, $0xb8;
	[tilespmem:$0xE500] =	vst v63  }
0x81: {  	s8 =	simm.s32 $0x1F40  }
0x82: {  	[tilespmem:s29], [sflag:$0x1] =	stream.indirect.gather.add.f32 [hbm:s5], $0x80, s8, s28, $0xb8;
	[tilespmem:$0xE500] =	vst v63  }
0x83: {  	_ = 	snop  }
0x84: {  	[tilespmem:s29], [sflag:$0x1] =	stream.indirect.gather.add.f32 [hbm:s5], $0x80, s13, s28, $0xb8;
	[tilespmem:$0xE500] =	vst v63  }
0x85: {  	_ = 	snop  }
0x86: {  	[tilespmem:s29], [sflag:$0x1] =	stream.indirect.gather.add.f32 [hbm:s5], $0x80, s14, s28, $0xb8;
	[tilespmem:$0xE500] =	vst v63  }
0x87: {  	_ = 	snop  }
0x88: {  	[tilespmem:s29], [sflag:$0x1] =	stream.indirect.gather.add.f32 [hbm:s5], $0x80, s15, s28, $0xb8;
	[tilespmem:$0xE500] =	vst v63  }
0x89: {  	_ = 	snop  }
0x8a: {  	[tilespmem:s29], [sflag:$0x1] =	stream.indirect.gather.add.f32 [hbm:s5], $0x80, s16, s28, $0xb8;
	[tilespmem:$0xE500] =	vst v63  }
0x8b: {  	_ = 	snop  }
0x8c: {  	[tilespmem:s30], [sflag:$0x2] =	stream.indirect.gather.add.f32 [hbm:s5], $0x80, s28, s28, $0xb8;
	[tilespmem:$0xE500] =	vst v63  }
0x8d: {  	s6 =	simm.s32 $0x690  }
0x8e: {  	[tilespmem:s30], [sflag:$0x2] =	stream.indirect.gather.add.f32 [hbm:s5], $0x80, s6, s28, $0xb8;
	[tilespmem:$0xE500] =	vst v63  }
0x8f: {  	s25 =	simm.s32 $0xCD0  }
0x90: {  	[tilespmem:s30], [sflag:$0x2] =	stream.indirect.gather.add.f32 [hbm:s5], $0x80, s25, s28, $0xb8;
	[tilespmem:$0xE500] =	vst v63  }
0x91: {  	s9 =	simm.s32 $0x1310  }
0x92: {  	[tilespmem:s30], [sflag:$0x2] =	stream.indirect.gather.add.f32 [hbm:s5], $0x80, s9, s28, $0xb8;
	[tilespmem:$0xE500] =	vst v63  }
0x93: {  	s10 =	simm.s32 $0x1950  }
0x94: {  	[tilespmem:s30], [sflag:$0x2] =	stream.indirect.gather.add.f32 [hbm:s5], $0x80, s10, s28, $0xb8;
	[tilespmem:$0xE500] =	vst v63  }
0x95: {  	s11 =	simm.s32 $0x1F90  }
0x96: {  	[tilespmem:s30], [sflag:$0x2] =	stream.indirect.gather.add.f32 [hbm:s5], $0x80, s11, s28, $0xb8;
	[tilespmem:$0xE500] =	vst v63  }
0x97: {  	s12 =	simm.s32 $0x25D0  }
0x98: {  	[tilespmem:s30], [sflag:$0x2] =	stream.indirect.gather.add.f32 [hbm:s5], $0x80, s12, s28, $0xb8;
	[tilespmem:$0xE500] =	vst v63  }
0x99: {  	s13 =	simm.s32 $0x2C10  }
0x9a: {  	[tilespmem:s30], [sflag:$0x2] =	stream.indirect.gather.add.f32 [hbm:s5], $0x80, s13, s28, $0xb8;
	[tilespmem:$0xE500] =	vst v63  }
0x9b: {  	s14 =	simm.s32 $0x3250  }
0x9c: {  	[tilespmem:s30], [sflag:$0x2] =	stream.indirect.gather.add.f32 [hbm:s5], $0x80, s14, s28, $0xb8;
	[tilespmem:$0xE500] =	vst v63  }
0x9d: {  	s15 =	simm.s32 $0x3890  }
0x9e: {  	[tilespmem:s30], [sflag:$0x2] =	stream.indirect.gather.add.f32 [hbm:s5], $0x80, s15, s28, $0xb8;
	[tilespmem:$0xE500] =	vst v63  }
0x9f: {  	s16 =	simm.s32 $0xA0  }
0xa0: {  	[tilespmem:s0], [sflag:$0x3] =	stream.indirect.gather.add.f32 [hbm:s5], $0x80, s16, s28, $0xb8;
	[tilespmem:$0xE500] =	vst v63  }
0xa1: {  	s25 =	simm.s32 $0x6E0  }
0xa2: {  	[tilespmem:s0], [sflag:$0x3] =	stream.indirect.gather.add.f32 [hbm:s5], $0x80, s25, s28, $0xb8;
	[tilespmem:$0xE500] =	vst v63  }
0xa3: {  	s9 =	simm.s32 $0xD20  }
0xa4: {  	[tilespmem:s0], [sflag:$0x3] =	stream.indirect.gather.add.f32 [hbm:s5], $0x80, s9, s28, $0xb8;
	[tilespmem:$0xE500] =	vst v63  }
0xa5: {  	s10 =	simm.s32 $0x1360  }
0xa6: {  	[tilespmem:s0], [sflag:$0x3] =	stream.indirect.gather.add.f32 [hbm:s5], $0x80, s10, s28, $0xb8;
	[tilespmem:$0xE500] =	vst v63  }
0xa7: {  	s11 =	simm.s32 $0x19A0  }
0xa8: {  	[tilespmem:s0], [sflag:$0x3] =	stream.indirect.gather.add.f32 [hbm:s5], $0x80, s11, s28, $0xb8;
	[tilespmem:$0xE500] =	vst v63  }
0xa9: {  	s12 =	simm.s32 $0x1FE0  }
0xaa: {  	[tilespmem:s0], [sflag:$0x3] =	stream.indirect.gather.add.f32 [hbm:s5], $0x80, s12, s28, $0xb8;
	[tilespmem:$0xE500] =	vst v63  }
0xab: {  	s13 =	simm.s32 $0x2620  }
0xac: {  	[tilespmem:s0], [sflag:$0x3] =	stream.indirect.gather.add.f32 [hbm:s5], $0x80, s13, s28, $0xb8;
	[tilespmem:$0xE500] =	vst v63  }
0xad: {  	s14 =	simm.s32 $0x2C60  }
0xae: {  	[tilespmem:s0], [sflag:$0x3] =	stream.indirect.gather.add.f32 [hbm:s5], $0x80, s14, s28, $0xb8;
	[tilespmem:$0xE500] =	vst v63  }
0xaf: {  	s15 =	simm.s32 $0x32A0  }
0xb0: {  	[tilespmem:s0], [sflag:$0x3] =	stream.indirect.gather.add.f32 [hbm:s5], $0x80, s15, s28, $0xb8;
	[tilespmem:$0xE500] =	vst v63  }
0xb1: {  	s16 =	simm.s32 $0x38E0  }
0xb2: {  	[tilespmem:s0], [sflag:$0x3] =	stream.indirect.gather.add.f32 [hbm:s5], $0x80, s16, s28, $0xb8;
	[tilespmem:$0xE500] =	vst v63  }
0xb3: {  	v1 =	vld [tilespmem:s8+$0xFFFFE0C0]  }
0xb4: {  	v2 =	vld [tilespmem:s8+$0xFFFFE700]  }
0xb5: {  	s25 =	sand.u32 $0x7F0, s7  }
0xb6: {  	v3 =	vld [tilespmem:s25+$0xC80];
	_ =	sdelay $0x1  }
0xb7: {  	v4 =	vld [tilespmem:s8+$0xFFFFF380]  }
0xb8: {  	vm0 =	vgt.s32 v1, $0x9;
	vm1 =	vgt.s32 v2, $0x9  }
0xb9: {  	v5 =	vld [tilespmem:s25+$0x1900];
	v1 =	vsel vm0, $0x3F800000, v0;
	v2 =	vsel vm1, $0x3F800000, v0  }
0xba: {  	vm8 =	vgt.s32 v3, $0x9;
	v1 =	vadd.f32 v2, v1  }
0xbb: {  	v3 =	vld [tilespmem:s8+$0x0];
	v2 =	vsel vm8, $0x3F800000, v0  }
0xbc: {  	vm9 =	vgt.s32 v4, $0x9;
	v1 =	vadd.f32 v2, v1  }
0xbd: {  	v61 =	vld [tilespmem:s25+$0x2580];
	v2 =	vsel vm9, $0x3F800000, v0  }
0xbe: {  	vm10 =	vgt.s32 v5, $0x9;
	v1 =	vadd.f32 v2, v1  }
0xbf: {  	v62 =	vld [tilespmem:s8+$0xC80];
	v2 =	vsel vm10, $0x3F800000, v0  }
0xc0: {  	vm11 =	vgt.s32 v3, $0x9;
	v1 =	vadd.f32 v2, v1  }
0xc1: {  	v3 =	vld [tilespmem:s25+$0x3200];
	v2 =	vsel vm11, $0x3F800000, v0  }
0xc2: {  	vm12 =	vgt.s32 v61, $0x9;
	v1 =	vadd.f32 v2, v1  }
0xc3: {  	v63 =	vld [tilespmem:s8+$0x1900];
	v2 =	vsel vm12, $0x3F800000, v0  }
0xc4: {  	vm13 =	vgt.s32 v62, $0x9;
	v1 =	vadd.f32 v2, v1  }
0xc5: {  	v2 =	vsel vm13, $0x3F800000, v0  }
0xc6: {  	vm14 =	vgt.s32 v3, $0x9;
	v1 =	vadd.f32 v2, v1  }
0xc7: {  	v2 =	vsel vm14, $0x3F800000, v0  }
0xc8: {  	vm15 =	vgt.s32 v63, $0x9;
	v1 =	vadd.f32 v2, v1  }
0xc9: {  	v2 =	vsel vm15, $0x3F800000, v0  }
0xca: {  	v1 =	vadd.f32 v2, v1;
	_ =	sdelay $0x1  }
0xcb: {  	(erf) = vrcp.f32 v1;
	_ =	sdelay $0x8  }
0xcc: {  	s8 =	simm.s32 $0x3E80;
	v1 =	vpop (erf)  }
0xcd: {  	s9 =	simm.s32 $0x1F50;
	[tilespmem:s8+$0x0] =	vst v1  }
0xce: {  	v1 =	vld [tilespmem:s9+$0xFFFFE0C0]  }
0xcf: {  	s10 =	simm.s32 $0x10;
	s11 =	simm.s32 $0x20;
	v2 =	vld [tilespmem:s9+$0xFFFFE700]  }
.LBB2_8:
0xd0: {  	p0 =	sne.s32 s11, $0x630;
	s12 =	sand.u32 $0x7F0, s10;
	s10 =	smov.u32 s11  }
0xd1: {  	v3 =	vld [tilespmem:s12+$0xC80];
	_ =	sdelay $0x1  }
0xd2: {  	v4 =	vld [tilespmem:s9+$0xFFFFF380]  }
0xd3: {  	vm0 =	vgt.s32 v1, $0x9;
	vm1 =	vgt.s32 v2, $0x9  }
0xd4: {  	v1 =	vsel vm0, $0x3F800000, v0;
	v2 =	vsel vm1, $0x3F800000, v0;
	v5 =	vld [tilespmem:s12+$0x1900]  }
0xd5: {  	v1 =	vadd.f32 v2, v1;
	vm0 =	vgt.s32 v3, $0x9  }
0xd6: {  	v2 =	vsel vm0, $0x3F800000, v0;
	v3 =	vld [tilespmem:s9+$0x0]  }
0xd7: {  	v1 =	vadd.f32 v2, v1;
	vm0 =	vgt.s32 v4, $0x9  }
0xd8: {  	v2 =	vsel vm0, $0x3F800000, v0;
	v4 =	vld [tilespmem:s12+$0x2580]  }
0xd9: {  	v1 =	vadd.f32 v2, v1;
	vm0 =	vgt.s32 v5, $0x9  }
0xda: {  	v2 =	vsel vm0, $0x3F800000, v0;
	v5 =	vld [tilespmem:s9+$0xC80]  }
0xdb: {  	v1 =	vadd.f32 v2, v1;
	vm0 =	vgt.s32 v3, $0x9  }
0xdc: {  	v2 =	vsel vm0, $0x3F800000, v0;
	v3 =	vld [tilespmem:s12+$0x3200]  }
0xdd: {  	v1 =	vadd.f32 v2, v1;
	vm0 =	vgt.s32 v4, $0x9  }
0xde: {  	v2 =	vsel vm0, $0x3F800000, v0;
	v4 =	vld [tilespmem:s9+$0x1900]  }
0xdf: {  	v1 =	vadd.f32 v2, v1;
	vm0 =	vgt.s32 v5, $0x9  }
0xe0: {  	v2 =	vsel vm0, $0x3F800000, v0  }
0xe1: {  	v1 =	vadd.f32 v2, v1;
	vm0 =	vgt.s32 v3, $0x9  }
0xe2: {  	v2 =	vsel vm0, $0x3F800000, v0  }
0xe3: {  	v1 =	vadd.f32 v2, v1;
	vm0 =	vgt.s32 v4, $0x9  }
0xe4: {  	v2 =	vsel vm0, $0x3F800000, v0  }
0xe5: {  	v1 =	vadd.f32 v2, v1;
	_ =	sdelay $0x1  }
0xe6: {  	(erf) = vrcp.f32 v1;
	_ =	sdelay $0x7  }
.Ltmp3:
0xe7: {  	(pc) =	sbr.rel @p0 .LBB2_8-.Ltmp3, $4  }
0xe8: {  	s8 =	sadd.s32 $0x10, s8;
	v1 =	vpop (erf)  }
0xe9: {  	s9 =	sadd.s32 $0x10, s9;
	[tilespmem:s8+$0x0] =	vst v1  }
0xea: {  	v1 =	vld [tilespmem:s9+$0xFFFFE0C0]  }
0xeb: {  	s11 =	sadd.s32 $0x10, s11;
	v2 =	vld [tilespmem:s9+$0xFFFFE700]  }
0xec: {  	s10 =	sand.u32 $0x7F0, s10  }
0xed: {  	v3 =	vld [tilespmem:s10+$0xC80];
	_ =	sdelay $0x1  }
0xee: {  	v4 =	vld [tilespmem:s9+$0xFFFFF380]  }
0xef: {  	vm0 =	vgt.s32 v1, $0x9;
	vm1 =	vgt.s32 v2, $0x9  }
0xf0: {  	v5 =	vld [tilespmem:s10+$0x1900];
	v1 =	vsel vm0, $0x3F800000, v0;
	v2 =	vsel vm1, $0x3F800000, v0  }
0xf1: {  	v1 =	vadd.f32 v2, v1;
	vm8 =	vgt.s32 v3, $0x9  }
0xf2: {  	v3 =	vld [tilespmem:s9+$0x0];
	v2 =	vsel vm8, $0x3F800000, v0  }
0xf3: {  	vm9 =	vgt.s32 v4, $0x9;
	v1 =	vadd.f32 v2, v1  }
0xf4: {  	v61 =	vld [tilespmem:s10+$0x2580];
	v2 =	vsel vm9, $0x3F800000, v0  }
0xf5: {  	vm10 =	vgt.s32 v5, $0x9;
	v1 =	vadd.f32 v2, v1  }
0xf6: {  	v62 =	vld [tilespmem:s9+$0xC80];
	v2 =	vsel vm10, $0x3F800000, v0  }
0xf7: {  	vm11 =	vgt.s32 v3, $0x9;
	v1 =	vadd.f32 v2, v1  }
0xf8: {  	v3 =	vld [tilespmem:s10+$0x3200];
	v2 =	vsel vm11, $0x3F800000, v0  }
0xf9: {  	vm12 =	vgt.s32 v61, $0x9;
	v1 =	vadd.f32 v2, v1  }
0xfa: {  	v63 =	vld [tilespmem:s9+$0x1900];
	v2 =	vsel vm12, $0x3F800000, v0  }
0xfb: {  	vm13 =	vgt.s32 v62, $0x9;
	v1 =	vadd.f32 v2, v1  }
0xfc: {  	v2 =	vsel vm13, $0x3F800000, v0  }
0xfd: {  	vm14 =	vgt.s32 v3, $0x9;
	v1 =	vadd.f32 v2, v1  }
0xfe: {  	v2 =	vsel vm14, $0x3F800000, v0  }
0xff: {  	vm15 =	vgt.s32 v63, $0x9;
	v1 =	vadd.f32 v2, v1  }
0x100: {  	v2 =	vsel vm15, $0x3F800000, v0  }
0x101: {  	v1 =	vadd.f32 v2, v1;
	_ =	sdelay $0x1  }
0x102: {  	(erf) = vrcp.f32 v1;
	_ =	sdelay $0x8  }
0x103: {  	s8 =	sadd.s32 $0x10, s8;
	s25 =	simm.s32 $0x50;
	v1 =	vpop (erf)  }
0x104: {  	s9 =	simm.s32 $0xF0;
	s10 =	simm.s32 $0x0;
	[tilespmem:s8+$0x0] =	vst v1;
	s8 =	simm.s32 $0xA0  }
.LBB2_10:
0x105: {  	p0 =	seq.s32 s10, $0x0  }
0x106: {  	s11 =	simm.s32 @!p0 $0x8  }
0x107: {  	_ =	swait.ge @!p0 [sflag:s11], $0x2800  }
0x108: {  	[sflag:s11] =	ssyncset.done @!p0 $0x0  }
0x109: {  	s12 =	simm.s32 $0x200;
	[sflag:s11] =	ssyncadd.s32 @!p0 $0xFFFFD800;
	s11 =	simm.s32 $0x0  }
.LBB2_11:
0x10a: {  	p0 =	sne.s32 s12, $0x9E00;
	[tilespmem:s11+$0xBD70] =	vst v0  }
0x10b: {  	[tilespmem:s11+$0xBD00] =	vst v0  }
0x10c: {  	[tilespmem:s11+$0xBD10] =	vst v0  }
.Ltmp4:
0x10d: {  	[tilespmem:s11+$0xBD20] =	vst v0;
	(pc) =	sbr.rel @p0 .LBB2_11-.Ltmp4, $4  }
0x10e: {  	[tilespmem:s11+$0xBD30] =	vst v0  }
0x10f: {  	[tilespmem:s11+$0xBD40] =	vst v0  }
0x110: {  	[tilespmem:s11+$0xBD50] =	vst v0  }
0x111: {  	[tilespmem:s11+$0xBD60] =	vst v0;
	s11 =	sshra.s32 s12, $0x2;
	s12 =	sadd.s32 $0x200, s12  }
0x112: {  	[tilespmem:s11+$0xBD70] =	vst v0  }
0x113: {  	[tilespmem:s11+$0xBD00] =	vst v0  }
0x114: {  	[tilespmem:s11+$0xBD10] =	vst v0  }
0x115: {  	[tilespmem:s11+$0xBD20] =	vst v0  }
0x116: {  	[tilespmem:s11+$0xBD30] =	vst v0  }
0x117: {  	[tilespmem:s11+$0xBD40] =	vst v0;
	s12 =	smul.u32 $0x140, s10  }
0x118: {  	[tilespmem:s11+$0xBD50] =	vst v0  }
0x119: {  	[tilespmem:s11+$0xBD60] =	vst v0;
	s11 =	sadd.s32 $0xF0, s12  }
0x11a: {  	[tilespmem:s21], [sflag:$0x4] =	stream.indirect.gather.add.f32 [hbm:s5], $0x80, s11, s28, $0xb8;
	[tilespmem:$0xE500] =	vst v63  }
0x11b: {  	s13 =	sadd.s32 $0x730, s12  }
0x11c: {  	[tilespmem:s21], [sflag:$0x4] =	stream.indirect.gather.add.f32 [hbm:s5], $0x80, s13, s28, $0xb8;
	[tilespmem:$0xE500] =	vst v63  }
0x11d: {  	s16 =	sadd.s32 $0xD70, s12  }
0x11e: {  	[tilespmem:s21], [sflag:$0x4] =	stream.indirect.gather.add.f32 [hbm:s5], $0x80, s16, s28, $0xb8;
	[tilespmem:$0xE500] =	vst v63  }
0x11f: {  	s6 =	sadd.s32 $0x13B0, s12  }
0x120: {  	[tilespmem:s21], [sflag:$0x4] =	stream.indirect.gather.add.f32 [hbm:s5], $0x80, s6, s28, $0xb8;
	[tilespmem:$0xE500] =	vst v63  }
0x121: {  	s14 =	sadd.s32 $0x19F0, s12  }
0x122: {  	[tilespmem:s21], [sflag:$0x4] =	stream.indirect.gather.add.f32 [hbm:s5], $0x80, s14, s28, $0xb8;
	[tilespmem:$0xE500] =	vst v63  }
0x123: {  	s15 =	sadd.s32 $0x2030, s12  }
0x124: {  	[tilespmem:s21], [sflag:$0x4] =	stream.indirect.gather.add.f32 [hbm:s5], $0x80, s15, s28, $0xb8;
	[tilespmem:$0xE500] =	vst v63  }
0x125: {  	s16 =	sadd.s32 $0x2670, s12  }
0x126: {  	[tilespmem:s21], [sflag:$0x4] =	stream.indirect.gather.add.f32 [hbm:s5], $0x80, s16, s28, $0xb8;
	[tilespmem:$0xE500] =	vst v63  }
0x127: {  	s6 =	sadd.s32 $0x2CB0, s12  }
0x128: {  	[tilespmem:s21], [sflag:$0x4] =	stream.indirect.gather.add.f32 [hbm:s5], $0x80, s6, s28, $0xb8;
	[tilespmem:$0xE500] =	vst v63  }
0x129: {  	s14 =	sadd.s32 $0x32F0, s12  }
0x12a: {  	[tilespmem:s21], [sflag:$0x4] =	stream.indirect.gather.add.f32 [hbm:s5], $0x80, s14, s28, $0xb8;
	[tilespmem:$0xE500] =	vst v63  }
0x12b: {  	s15 =	sadd.s32 $0x3930, s12  }
0x12c: {  	[tilespmem:s21], [sflag:$0x4] =	stream.indirect.gather.add.f32 [hbm:s5], $0x80, s15, s28, $0xb8;
	[tilespmem:$0xE500] =	vst v63  }
0x12d: {  	_ =	swait.ge [sflag:s31], $0x2800  }
0x12e: {  	[sflag:s31] =	ssyncset.done $0x0  }
0x12f: {  	[sflag:s31] =	ssyncadd.s32 $0xFFFFD800  }
0x130: {  	_ =	swait.ge [sflag:s31], $0x2800  }
0x131: {  	[sflag:s31] =	ssyncset.done $0x0  }
0x132: {  	[sflag:s31] =	ssyncadd.s32 $0xFFFFD800  }
0x133: {  	_ =	swait.ge [sflag:s31], $0x2800  }
0x134: {  	[sflag:s31] =	ssyncset.done $0x0  }
0x135: {  	[sflag:s31] =	ssyncadd.s32 $0xFFFFD800  }
0x136: {  	_ =	swait.ge [sflag:s31], $0x2800  }
0x137: {  	[sflag:s31] =	ssyncset.done $0x0  }
0x138: {  	[sflag:s31] =	ssyncadd.s32 $0xFFFFD800  }
0x139: {  	_ =	swait.ge [sflag:s31], $0x2800  }
0x13a: {  	[sflag:s31] =	ssyncset.done $0x0  }
0x13b: {  	[sflag:s31] =	ssyncadd.s32 $0xFFFFD800  }
0x13c: {  	_ =	swait.ge [sflag:s31], $0x2800  }
0x13d: {  	[sflag:s31] =	ssyncset.done $0x0  }
0x13e: {  	[sflag:s31] =	ssyncadd.s32 $0xFFFFD800  }
0x13f: {  	_ =	swait.ge [sflag:s31], $0x2800  }
0x140: {  	[sflag:s31] =	ssyncset.done $0x0  }
0x141: {  	[sflag:s31] =	ssyncadd.s32 $0xFFFFD800  }
0x142: {  	_ =	swait.ge [sflag:s31], $0x2800  }
0x143: {  	[sflag:s31] =	ssyncset.done $0x0  }
0x144: {  	[sflag:s31] =	ssyncadd.s32 $0xFFFFD800  }
0x145: {  	_ =	swait.ge [sflag:s31], $0x2800  }
0x146: {  	[sflag:s31] =	ssyncset.done $0x0  }
0x147: {  	[sflag:s31] =	ssyncadd.s32 $0xFFFFD800  }
0x148: {  	s16 =	sadd.s32 $0x0, s7;
	_ =	swait.ge [sflag:s31], $0x2800  }
0x149: {  	v1 =	vmov s16;
	[sflag:s31] =	ssyncset.done $0x0  }
0x14a: {  	s13 =	simm.s32 $0x4540;
	[sflag:s31] =	ssyncadd.s32 $0xFFFFD800  }
0x14b: {  	v5 =	vld [tilespmem:s13+$0x30]  }
0x14c: {  	v8 =	vld [tilespmem:s13+$0x10]  }
0x14d: {  	v6 =	vld [tilespmem:s13+$0xFFFFFFC0]  }
0x14e: {  	v2 =	vld.idx.msk [tilespmem:v1+s1+$0x0], $0xffff  }
0x14f: {  	v10 =	vld [tilespmem:s13+$0xFFFFFFE0]  }
0x150: {  	v1 =	vld [tilespmem:s13+$0xFFFFFFF0]  }
0x151: {  	v3 =	vld [tilespmem:s13+$0x20]  }
0x152: {  	v4 =	vld [tilespmem:s13+$0xFFFFFFD0]  }
0x153: {  	v9 =	vmul.f32 v5, v2;
	v5 =	vld [tilespmem:s13+$0x0]  }
0x154: {  	v7 =	vmul.f32 v6, v2  }
0x155: {  	s14 =	simm.s32 $0x1;
	s15 =	simm.s32 $0x4540;
	v6 =	vmul.f32 v10, v2;
	v8 =	vmul.f32 v8, v2  }
.LBB2_13:
0x156: {  	p0 =	sne.s32 s14, $0x4F  }
0x157: {  	v4 =	vmul.f32 v4, v2;
	v3 =	vmul.f32 v3, v2;
	[tilespmem:s13+$0x30] =	vst v9;
	s15 =	sadd.s32 $0x80, s15;
	s16 =	smov.u32 s14;
	s14 =	sadd.s32 $0x1, s14  }
0x158: {  	[tilespmem:s13+$0xFFFFFFC0] =	vst v7;
	v7 =	vmul.f32 v1, v2;
	v2 =	vmul.f32 v5, v2  }
0x159: {  	s16 =	sadd.s32 s16, s7;
	[tilespmem:s13+$0x10] =	vst v8  }
0x15a: {  	v5 =	vmov s16;
	[tilespmem:s13+$0xFFFFFFE0] =	vst v6  }
0x15b: {  	v1 =	vld [tilespmem:s15+$0xFFFFFFF0];
	[tilespmem:s13+$0xFFFFFFF0] =	vst v7  }
0x15c: {  	v6 =	vld [tilespmem:s15+$0x30];
	[tilespmem:s13+$0x0] =	vst v2  }
0x15d: {  	v8 =	vld [tilespmem:s15+$0x10];
	[tilespmem:s13+$0x20] =	vst v3  }
0x15e: {  	v7 =	vld [tilespmem:s15+$0xFFFFFFC0];
	[tilespmem:s13+$0xFFFFFFD0] =	vst v4;
	s13 =	smov.u32 s15  }
0x15f: {  	v2 =	vld.idx.msk [tilespmem:v5+s1+$0x0], $0xffff  }
0x160: {  	v10 =	vld [tilespmem:s15+$0xFFFFFFE0]  }
0x161: {  	v3 =	vld [tilespmem:s15+$0x20]  }
.Ltmp5:
0x162: {  	v4 =	vld [tilespmem:s15+$0xFFFFFFD0];
	(pc) =	sbr.rel @p0 .LBB2_13-.Ltmp5, $3  }
0x163: {  	v5 =	vld [tilespmem:s15+$0x0];
	_ =	sdelay $0x1  }
0x164: {  	v7 =	vmul.f32 v7, v2;
	v9 =	vmul.f32 v6, v2  }
0x165: {  	v8 =	vmul.f32 v8, v2;
	v6 =	vmul.f32 v10, v2  }
0x166: {  	[tilespmem:s13+$0x30] =	vst v9  }
0x167: {  	[tilespmem:s13+$0xFFFFFFC0] =	vst v7  }
0x168: {  	v1 =	vmul.f32 v1, v2;
	[tilespmem:s13+$0x10] =	vst v8  }
0x169: {  	v3 =	vmul.f32 v3, v2;
	p0 =	seq.s32 s10, $0x4;
	[tilespmem:s13+$0xFFFFFFE0] =	vst v6  }
.Ltmp6:
0x16a: {  	v5 =	vmul.f32 v5, v2;
	[tilespmem:s13+$0xFFFFFFF0] =	vst v1;
	(pc) =	sbr.rel @p0 .LBB2_18-.Ltmp6, $4  }
0x16b: {  	s14 =	sadd.s32 s3, s12;
	v1 =	vmul.f32 v4, v2;
	[tilespmem:s13+$0x20] =	vst v3  }
0x16c: {  	s14 =	sshll.u32 s14, $0x4;
	[tilespmem:s13+$0x0] =	vst v5  }
0x16d: {  	s16 =	sadd.s32 s2, s14;
	[tilespmem:s13+$0xFFFFFFD0] =	vst v1  }
0x16e: {  	[hbm4b:s16+s4] =	stream.linear.scatter [tilespmem:s29], [sflag:$0x5], $0x2800, $0x38;
	[tilespmem:$0xE500] =	vst v63  }
0x16f: {  	_ =	swait.ge [sflag:s20], $0x2800  }
0x170: {  	[sflag:s20] =	ssyncset.done $0x0  }
0x171: {  	s13 =	simm.s32 $0x0;
	s14 =	simm.s32 $0x200;
	[sflag:s20] =	ssyncadd.s32 $0xFFFFD800  }
.LBB2_16:
0x172: {  	p1 =	sne.s32 s14, $0x9E00;
	[tilespmem:s13+$0x4570] =	vst v0  }
0x173: {  	[tilespmem:s13+$0x4500] =	vst v0  }
0x174: {  	[tilespmem:s13+$0x4510] =	vst v0  }
.Ltmp7:
0x175: {  	[tilespmem:s13+$0x4520] =	vst v0;
	(pc) =	sbr.rel @p1 .LBB2_16-.Ltmp7, $4  }
0x176: {  	[tilespmem:s13+$0x4530] =	vst v0  }
0x177: {  	[tilespmem:s13+$0x4540] =	vst v0  }
0x178: {  	[tilespmem:s13+$0x4550] =	vst v0  }
0x179: {  	[tilespmem:s13+$0x4560] =	vst v0;
	s13 =	sshra.s32 s14, $0x2;
	s14 =	sadd.s32 $0x200, s14  }
0x17a: {  	[tilespmem:s13+$0x4570] =	vst v0  }
0x17b: {  	[tilespmem:s13+$0x4500] =	vst v0  }
0x17c: {  	[tilespmem:s13+$0x4510] =	vst v0  }
0x17d: {  	[tilespmem:s13+$0x4520] =	vst v0  }
0x17e: {  	[tilespmem:s13+$0x4530] =	vst v0  }
0x17f: {  	[tilespmem:s13+$0x4540] =	vst v0  }
0x180: {  	[tilespmem:s13+$0x4550] =	vst v0  }
0x181: {  	[tilespmem:s13+$0x4560] =	vst v0;
	s15 =	sadd.s32 $0x140, s12  }
0x182: {  	[tilespmem:s29], [sflag:$0x1] =	stream.indirect.gather.add.f32 [hbm:s5], $0x80, s15, s28, $0xb8;
	[tilespmem:$0xE500] =	vst v63  }
0x183: {  	s16 =	sadd.s32 $0x780, s12  }
0x184: {  	[tilespmem:s29], [sflag:$0x1] =	stream.indirect.gather.add.f32 [hbm:s5], $0x80, s16, s28, $0xb8;
	[tilespmem:$0xE500] =	vst v63  }
0x185: {  	s6 =	sadd.s32 $0xDC0, s12  }
0x186: {  	[tilespmem:s29], [sflag:$0x1] =	stream.indirect.gather.add.f32 [hbm:s5], $0x80, s6, s28, $0xb8;
	[tilespmem:$0xE500] =	vst v63  }
0x187: {  	s14 =	sadd.s32 $0x1400, s12  }
0x188: {  	[tilespmem:s29], [sflag:$0x1] =	stream.indirect.gather.add.f32 [hbm:s5], $0x80, s14, s28, $0xb8;
	[tilespmem:$0xE500] =	vst v63  }
0x189: {  	s15 =	sadd.s32 $0x1A40, s12  }
0x18a: {  	[tilespmem:s29], [sflag:$0x1] =	stream.indirect.gather.add.f32 [hbm:s5], $0x80, s15, s28, $0xb8;
	[tilespmem:$0xE500] =	vst v63  }
0x18b: {  	s16 =	sadd.s32 $0x2080, s12  }
0x18c: {  	[tilespmem:s29], [sflag:$0x1] =	stream.indirect.gather.add.f32 [hbm:s5], $0x80, s16, s28, $0xb8;
	[tilespmem:$0xE500] =	vst v63  }
0x18d: {  	s6 =	sadd.s32 $0x26C0, s12  }
0x18e: {  	[tilespmem:s29], [sflag:$0x1] =	stream.indirect.gather.add.f32 [hbm:s5], $0x80, s6, s28, $0xb8;
	[tilespmem:$0xE500] =	vst v63  }
0x18f: {  	s14 =	sadd.s32 $0x2D00, s12  }
0x190: {  	[tilespmem:s29], [sflag:$0x1] =	stream.indirect.gather.add.f32 [hbm:s5], $0x80, s14, s28, $0xb8;
	[tilespmem:$0xE500] =	vst v63  }
0x191: {  	s15 =	sadd.s32 $0x3340, s12  }
0x192: {  	[tilespmem:s29], [sflag:$0x1] =	stream.indirect.gather.add.f32 [hbm:s5], $0x80, s15, s28, $0xb8;
	[tilespmem:$0xE500] =	vst v63  }
0x193: {  	s16 =	sadd.s32 $0x3980, s12  }
0x194: {  	[tilespmem:s29], [sflag:$0x1] =	stream.indirect.gather.add.f32 [hbm:s5], $0x80, s16, s28, $0xb8;
	[tilespmem:$0xE500] =	vst v63  }
.LBB2_18:
0x195: {  	_ =	swait.ge [sflag:s17], $0x2800  }
0x196: {  	[sflag:s17] =	ssyncset.done $0x0  }
0x197: {  	[sflag:s17] =	ssyncadd.s32 $0xFFFFD800  }
0x198: {  	_ =	swait.ge [sflag:s17], $0x2800  }
0x199: {  	[sflag:s17] =	ssyncset.done $0x0  }
0x19a: {  	[sflag:s17] =	ssyncadd.s32 $0xFFFFD800  }
0x19b: {  	_ =	swait.ge [sflag:s17], $0x2800  }
0x19c: {  	[sflag:s17] =	ssyncset.done $0x0  }
0x19d: {  	[sflag:s17] =	ssyncadd.s32 $0xFFFFD800  }
0x19e: {  	_ =	swait.ge [sflag:s17], $0x2800  }
0x19f: {  	[sflag:s17] =	ssyncset.done $0x0  }
0x1a0: {  	[sflag:s17] =	ssyncadd.s32 $0xFFFFD800  }
0x1a1: {  	_ =	swait.ge [sflag:s17], $0x2800  }
0x1a2: {  	[sflag:s17] =	ssyncset.done $0x0  }
0x1a3: {  	[sflag:s17] =	ssyncadd.s32 $0xFFFFD800  }
0x1a4: {  	_ =	swait.ge [sflag:s17], $0x2800  }
0x1a5: {  	[sflag:s17] =	ssyncset.done $0x0  }
0x1a6: {  	[sflag:s17] =	ssyncadd.s32 $0xFFFFD800  }
0x1a7: {  	_ =	swait.ge [sflag:s17], $0x2800  }
0x1a8: {  	[sflag:s17] =	ssyncset.done $0x0  }
0x1a9: {  	[sflag:s17] =	ssyncadd.s32 $0xFFFFD800  }
0x1aa: {  	_ =	swait.ge [sflag:s17], $0x2800  }
0x1ab: {  	[sflag:s17] =	ssyncset.done $0x0  }
0x1ac: {  	[sflag:s17] =	ssyncadd.s32 $0xFFFFD800  }
0x1ad: {  	_ =	swait.ge [sflag:s17], $0x2800  }
0x1ae: {  	[sflag:s17] =	ssyncset.done $0x0  }
0x1af: {  	[sflag:s17] =	ssyncadd.s32 $0xFFFFD800  }
0x1b0: {  	s13 =	sadd.s32 $0x0, s25;
	_ =	swait.ge [sflag:s17], $0x2800  }
0x1b1: {  	v1 =	vmov s13;
	[sflag:s17] =	ssyncset.done $0x0  }
0x1b2: {  	s13 =	simm.s32 $0x6D40;
	[sflag:s17] =	ssyncadd.s32 $0xFFFFD800  }
0x1b3: {  	v5 =	vld [tilespmem:s13+$0x30]  }
0x1b4: {  	v8 =	vld [tilespmem:s13+$0x10]  }
0x1b5: {  	v6 =	vld [tilespmem:s13+$0xFFFFFFC0]  }
0x1b6: {  	v2 =	vld.idx.msk [tilespmem:v1+s1+$0x0], $0xffff  }
0x1b7: {  	v10 =	vld [tilespmem:s13+$0xFFFFFFE0]  }
0x1b8: {  	v1 =	vld [tilespmem:s13+$0xFFFFFFF0]  }
0x1b9: {  	v3 =	vld [tilespmem:s13+$0x20]  }
0x1ba: {  	v4 =	vld [tilespmem:s13+$0xFFFFFFD0]  }
0x1bb: {  	v9 =	vmul.f32 v5, v2;
	v5 =	vld [tilespmem:s13+$0x0]  }
0x1bc: {  	v7 =	vmul.f32 v6, v2  }
0x1bd: {  	s14 =	sadd.s32 $0x50, s12;
	s15 =	simm.s32 $0x1;
	s16 =	simm.s32 $0x6D40;
	v6 =	vmul.f32 v10, v2;
	v8 =	vmul.f32 v8, v2  }
.LBB2_19:
0x1be: {  	p1 =	sne.s32 s15, $0x4F  }
0x1bf: {  	v4 =	vmul.f32 v4, v2;
	v3 =	vmul.f32 v3, v2;
	[tilespmem:s13+$0x30] =	vst v9;
	s16 =	sadd.s32 $0x80, s16;
	s6 =	smov.u32 s15;
	s15 =	sadd.s32 $0x1, s15  }
0x1c0: {  	[tilespmem:s13+$0xFFFFFFC0] =	vst v7;
	v7 =	vmul.f32 v1, v2;
	v2 =	vmul.f32 v5, v2  }
0x1c1: {  	s6 =	sadd.s32 s6, s25;
	[tilespmem:s13+$0x10] =	vst v8  }
0x1c2: {  	v5 =	vmov s6;
	[tilespmem:s13+$0xFFFFFFE0] =	vst v6  }
0x1c3: {  	v1 =	vld [tilespmem:s16+$0xFFFFFFF0];
	[tilespmem:s13+$0xFFFFFFF0] =	vst v7  }
0x1c4: {  	v6 =	vld [tilespmem:s16+$0x30];
	[tilespmem:s13+$0x0] =	vst v2  }
0x1c5: {  	v8 =	vld [tilespmem:s16+$0x10];
	[tilespmem:s13+$0x20] =	vst v3  }
0x1c6: {  	v7 =	vld [tilespmem:s16+$0xFFFFFFC0];
	[tilespmem:s13+$0xFFFFFFD0] =	vst v4;
	s13 =	smov.u32 s16  }
0x1c7: {  	v2 =	vld.idx.msk [tilespmem:v5+s1+$0x0], $0xffff  }
0x1c8: {  	v10 =	vld [tilespmem:s16+$0xFFFFFFE0]  }
0x1c9: {  	v3 =	vld [tilespmem:s16+$0x20]  }
.Ltmp8:
0x1ca: {  	v4 =	vld [tilespmem:s16+$0xFFFFFFD0];
	(pc) =	sbr.rel @p1 .LBB2_19-.Ltmp8, $3  }
0x1cb: {  	v5 =	vld [tilespmem:s16+$0x0];
	_ =	sdelay $0x1  }
0x1cc: {  	v7 =	vmul.f32 v7, v2;
	v9 =	vmul.f32 v6, v2  }
0x1cd: {  	v8 =	vmul.f32 v8, v2;
	v6 =	vmul.f32 v10, v2  }
0x1ce: {  	[tilespmem:s13+$0x30] =	vst v9  }
0x1cf: {  	[tilespmem:s13+$0xFFFFFFC0] =	vst v7  }
0x1d0: {  	v1 =	vmul.f32 v1, v2;
	[tilespmem:s13+$0x10] =	vst v8  }
0x1d1: {  	v3 =	vmul.f32 v3, v2;
	[tilespmem:s13+$0xFFFFFFE0] =	vst v6  }
.Ltmp9:
0x1d2: {  	v5 =	vmul.f32 v5, v2;
	[tilespmem:s13+$0xFFFFFFF0] =	vst v1;
	(pc) =	sbr.rel @p0 .LBB2_24-.Ltmp9, $4  }
0x1d3: {  	s6 =	sadd.s32 s3, s14;
	v1 =	vmul.f32 v4, v2;
	[tilespmem:s13+$0x20] =	vst v3  }
0x1d4: {  	s6 =	sshll.u32 s6, $0x4;
	[tilespmem:s13+$0x0] =	vst v5  }
0x1d5: {  	s6 =	sadd.s32 s2, s6;
	[tilespmem:s13+$0xFFFFFFD0] =	vst v1  }
0x1d6: {  	[hbm4b:s6+s4] =	stream.linear.scatter [tilespmem:s30], [sflag:$0x6], $0x2800, $0x38;
	[tilespmem:$0xE500] =	vst v63  }
0x1d7: {  	_ =	swait.ge [sflag:s22], $0x2800  }
0x1d8: {  	[sflag:s22] =	ssyncset.done $0x0  }
0x1d9: {  	s13 =	simm.s32 $0x0;
	s14 =	simm.s32 $0x200;
	[sflag:s22] =	ssyncadd.s32 $0xFFFFD800  }
.LBB2_22:
0x1da: {  	p1 =	sne.s32 s14, $0x9E00;
	[tilespmem:s13+$0x6D70] =	vst v0  }
0x1db: {  	[tilespmem:s13+$0x6D00] =	vst v0  }
0x1dc: {  	[tilespmem:s13+$0x6D10] =	vst v0  }
.Ltmp10:
0x1dd: {  	[tilespmem:s13+$0x6D20] =	vst v0;
	(pc) =	sbr.rel @p1 .LBB2_22-.Ltmp10, $4  }
0x1de: {  	[tilespmem:s13+$0x6D30] =	vst v0  }
0x1df: {  	[tilespmem:s13+$0x6D40] =	vst v0  }
0x1e0: {  	[tilespmem:s13+$0x6D50] =	vst v0  }
0x1e1: {  	[tilespmem:s13+$0x6D60] =	vst v0;
	s13 =	sshra.s32 s14, $0x2;
	s14 =	sadd.s32 $0x200, s14  }
0x1e2: {  	[tilespmem:s13+$0x6D70] =	vst v0  }
0x1e3: {  	[tilespmem:s13+$0x6D00] =	vst v0  }
0x1e4: {  	[tilespmem:s13+$0x6D10] =	vst v0  }
0x1e5: {  	[tilespmem:s13+$0x6D20] =	vst v0  }
0x1e6: {  	[tilespmem:s13+$0x6D30] =	vst v0  }
0x1e7: {  	[tilespmem:s13+$0x6D40] =	vst v0  }
0x1e8: {  	[tilespmem:s13+$0x6D50] =	vst v0  }
0x1e9: {  	[tilespmem:s13+$0x6D60] =	vst v0;
	s6 =	sadd.s32 $0x190, s12  }
0x1ea: {  	[tilespmem:s30], [sflag:$0x2] =	stream.indirect.gather.add.f32 [hbm:s5], $0x80, s6, s28, $0xb8;
	[tilespmem:$0xE500] =	vst v63  }
0x1eb: {  	s16 =	sadd.s32 $0x7D0, s12  }
0x1ec: {  	[tilespmem:s30], [sflag:$0x2] =	stream.indirect.gather.add.f32 [hbm:s5], $0x80, s16, s28, $0xb8;
	[tilespmem:$0xE500] =	vst v63  }
0x1ed: {  	s13 =	sadd.s32 $0xE10, s12  }
0x1ee: {  	[tilespmem:s30], [sflag:$0x2] =	stream.indirect.gather.add.f32 [hbm:s5], $0x80, s13, s28, $0xb8;
	[tilespmem:$0xE500] =	vst v63  }
0x1ef: {  	s14 =	sadd.s32 $0x1450, s12  }
0x1f0: {  	[tilespmem:s30], [sflag:$0x2] =	stream.indirect.gather.add.f32 [hbm:s5], $0x80, s14, s28, $0xb8;
	[tilespmem:$0xE500] =	vst v63  }
0x1f1: {  	s15 =	sadd.s32 $0x1A90, s12  }
0x1f2: {  	[tilespmem:s30], [sflag:$0x2] =	stream.indirect.gather.add.f32 [hbm:s5], $0x80, s15, s28, $0xb8;
	[tilespmem:$0xE500] =	vst v63  }
0x1f3: {  	s16 =	sadd.s32 $0x20D0, s12  }
0x1f4: {  	[tilespmem:s30], [sflag:$0x2] =	stream.indirect.gather.add.f32 [hbm:s5], $0x80, s16, s28, $0xb8;
	[tilespmem:$0xE500] =	vst v63  }
0x1f5: {  	s13 =	sadd.s32 $0x2710, s12  }
0x1f6: {  	[tilespmem:s30], [sflag:$0x2] =	stream.indirect.gather.add.f32 [hbm:s5], $0x80, s13, s28, $0xb8;
	[tilespmem:$0xE500] =	vst v63  }
0x1f7: {  	s14 =	sadd.s32 $0x2D50, s12  }
0x1f8: {  	[tilespmem:s30], [sflag:$0x2] =	stream.indirect.gather.add.f32 [hbm:s5], $0x80, s14, s28, $0xb8;
	[tilespmem:$0xE500] =	vst v63  }
0x1f9: {  	s15 =	sadd.s32 $0x3390, s12  }
0x1fa: {  	[tilespmem:s30], [sflag:$0x2] =	stream.indirect.gather.add.f32 [hbm:s5], $0x80, s15, s28, $0xb8;
	[tilespmem:$0xE500] =	vst v63  }
0x1fb: {  	s16 =	sadd.s32 $0x39D0, s12  }
0x1fc: {  	[tilespmem:s30], [sflag:$0x2] =	stream.indirect.gather.add.f32 [hbm:s5], $0x80, s16, s28, $0xb8;
	[tilespmem:$0xE500] =	vst v63  }
.LBB2_24:
0x1fd: {  	_ =	swait.ge [sflag:s18], $0x2800  }
0x1fe: {  	[sflag:s18] =	ssyncset.done $0x0  }
0x1ff: {  	[sflag:s18] =	ssyncadd.s32 $0xFFFFD800  }
0x200: {  	_ =	swait.ge [sflag:s18], $0x2800  }
0x201: {  	[sflag:s18] =	ssyncset.done $0x0  }
0x202: {  	[sflag:s18] =	ssyncadd.s32 $0xFFFFD800  }
0x203: {  	_ =	swait.ge [sflag:s18], $0x2800  }
0x204: {  	[sflag:s18] =	ssyncset.done $0x0  }
0x205: {  	[sflag:s18] =	ssyncadd.s32 $0xFFFFD800  }
0x206: {  	_ =	swait.ge [sflag:s18], $0x2800  }
0x207: {  	[sflag:s18] =	ssyncset.done $0x0  }
0x208: {  	[sflag:s18] =	ssyncadd.s32 $0xFFFFD800  }
0x209: {  	_ =	swait.ge [sflag:s18], $0x2800  }
0x20a: {  	[sflag:s18] =	ssyncset.done $0x0  }
0x20b: {  	[sflag:s18] =	ssyncadd.s32 $0xFFFFD800  }
0x20c: {  	_ =	swait.ge [sflag:s18], $0x2800  }
0x20d: {  	[sflag:s18] =	ssyncset.done $0x0  }
0x20e: {  	[sflag:s18] =	ssyncadd.s32 $0xFFFFD800  }
0x20f: {  	_ =	swait.ge [sflag:s18], $0x2800  }
0x210: {  	[sflag:s18] =	ssyncset.done $0x0  }
0x211: {  	[sflag:s18] =	ssyncadd.s32 $0xFFFFD800  }
0x212: {  	_ =	swait.ge [sflag:s18], $0x2800  }
0x213: {  	[sflag:s18] =	ssyncset.done $0x0  }
0x214: {  	[sflag:s18] =	ssyncadd.s32 $0xFFFFD800  }
0x215: {  	_ =	swait.ge [sflag:s18], $0x2800  }
0x216: {  	[sflag:s18] =	ssyncset.done $0x0  }
0x217: {  	[sflag:s18] =	ssyncadd.s32 $0xFFFFD800  }
0x218: {  	s6 =	sadd.s32 $0x0, s8;
	_ =	swait.ge [sflag:s18], $0x2800  }
0x219: {  	v1 =	vmov s6;
	[sflag:s18] =	ssyncset.done $0x0  }
0x21a: {  	s13 =	simm.s32 $0x9540;
	[sflag:s18] =	ssyncadd.s32 $0xFFFFD800  }
0x21b: {  	v5 =	vld [tilespmem:s13+$0x30]  }
0x21c: {  	v8 =	vld [tilespmem:s13+$0x10]  }
0x21d: {  	v6 =	vld [tilespmem:s13+$0xFFFFFFC0]  }
0x21e: {  	v2 =	vld.idx.msk [tilespmem:v1+s1+$0x0], $0xffff  }
0x21f: {  	v10 =	vld [tilespmem:s13+$0xFFFFFFE0]  }
0x220: {  	v1 =	vld [tilespmem:s13+$0xFFFFFFF0]  }
0x221: {  	v3 =	vld [tilespmem:s13+$0x20]  }
0x222: {  	v4 =	vld [tilespmem:s13+$0xFFFFFFD0]  }
0x223: {  	v9 =	vmul.f32 v5, v2;
	v5 =	vld [tilespmem:s13+$0x0]  }
0x224: {  	v7 =	vmul.f32 v6, v2  }
0x225: {  	s14 =	sadd.s32 $0xA0, s12;
	s15 =	simm.s32 $0x1;
	s16 =	simm.s32 $0x9540;
	v6 =	vmul.f32 v10, v2;
	v8 =	vmul.f32 v8, v2  }
.LBB2_25:
0x226: {  	p1 =	sne.s32 s15, $0x4F  }
0x227: {  	v4 =	vmul.f32 v4, v2;
	v3 =	vmul.f32 v3, v2;
	[tilespmem:s13+$0x30] =	vst v9;
	s16 =	sadd.s32 $0x80, s16;
	s6 =	smov.u32 s15;
	s15 =	sadd.s32 $0x1, s15  }
0x228: {  	[tilespmem:s13+$0xFFFFFFC0] =	vst v7;
	v7 =	vmul.f32 v1, v2;
	v2 =	vmul.f32 v5, v2  }
0x229: {  	s6 =	sadd.s32 s6, s8;
	[tilespmem:s13+$0x10] =	vst v8  }
0x22a: {  	v5 =	vmov s6;
	[tilespmem:s13+$0xFFFFFFE0] =	vst v6  }
0x22b: {  	v1 =	vld [tilespmem:s16+$0xFFFFFFF0];
	[tilespmem:s13+$0xFFFFFFF0] =	vst v7  }
0x22c: {  	v6 =	vld [tilespmem:s16+$0x30];
	[tilespmem:s13+$0x0] =	vst v2  }
0x22d: {  	v8 =	vld [tilespmem:s16+$0x10];
	[tilespmem:s13+$0x20] =	vst v3  }
0x22e: {  	v7 =	vld [tilespmem:s16+$0xFFFFFFC0];
	[tilespmem:s13+$0xFFFFFFD0] =	vst v4;
	s13 =	smov.u32 s16  }
0x22f: {  	v2 =	vld.idx.msk [tilespmem:v5+s1+$0x0], $0xffff  }
0x230: {  	v10 =	vld [tilespmem:s16+$0xFFFFFFE0]  }
0x231: {  	v3 =	vld [tilespmem:s16+$0x20]  }
.Ltmp11:
0x232: {  	v4 =	vld [tilespmem:s16+$0xFFFFFFD0];
	(pc) =	sbr.rel @p1 .LBB2_25-.Ltmp11, $3  }
0x233: {  	v5 =	vld [tilespmem:s16+$0x0];
	_ =	sdelay $0x1  }
0x234: {  	v7 =	vmul.f32 v7, v2;
	v9 =	vmul.f32 v6, v2  }
0x235: {  	v8 =	vmul.f32 v8, v2;
	v6 =	vmul.f32 v10, v2  }
0x236: {  	[tilespmem:s13+$0x30] =	vst v9  }
0x237: {  	[tilespmem:s13+$0xFFFFFFC0] =	vst v7  }
0x238: {  	v1 =	vmul.f32 v1, v2;
	[tilespmem:s13+$0x10] =	vst v8  }
0x239: {  	v3 =	vmul.f32 v3, v2;
	[tilespmem:s13+$0xFFFFFFE0] =	vst v6  }
.Ltmp12:
0x23a: {  	v5 =	vmul.f32 v5, v2;
	[tilespmem:s13+$0xFFFFFFF0] =	vst v1;
	(pc) =	sbr.rel @p0 .LBB2_30-.Ltmp12, $4  }
0x23b: {  	s6 =	sadd.s32 s3, s14;
	v1 =	vmul.f32 v4, v2;
	[tilespmem:s13+$0x20] =	vst v3  }
0x23c: {  	s6 =	sshll.u32 s6, $0x4;
	[tilespmem:s13+$0x0] =	vst v5  }
0x23d: {  	s6 =	sadd.s32 s2, s6;
	[tilespmem:s13+$0xFFFFFFD0] =	vst v1  }
0x23e: {  	[hbm4b:s6+s4] =	stream.linear.scatter [tilespmem:s0], [sflag:$0x7], $0x2800, $0x38;
	[tilespmem:$0xE500] =	vst v63  }
0x23f: {  	_ =	swait.ge [sflag:s23], $0x2800  }
0x240: {  	[sflag:s23] =	ssyncset.done $0x0  }
0x241: {  	s13 =	simm.s32 $0x0;
	s14 =	simm.s32 $0x200;
	[sflag:s23] =	ssyncadd.s32 $0xFFFFD800  }
.LBB2_28:
0x242: {  	p0 =	sne.s32 s14, $0x9E00;
	[tilespmem:s13+$0x9570] =	vst v0  }
0x243: {  	[tilespmem:s13+$0x9500] =	vst v0  }
0x244: {  	[tilespmem:s13+$0x9510] =	vst v0  }
.Ltmp13:
0x245: {  	[tilespmem:s13+$0x9520] =	vst v0;
	(pc) =	sbr.rel @p0 .LBB2_28-.Ltmp13, $4  }
0x246: {  	[tilespmem:s13+$0x9530] =	vst v0  }
0x247: {  	[tilespmem:s13+$0x9540] =	vst v0  }
0x248: {  	[tilespmem:s13+$0x9550] =	vst v0  }
0x249: {  	[tilespmem:s13+$0x9560] =	vst v0;
	s13 =	sshra.s32 s14, $0x2;
	s14 =	sadd.s32 $0x200, s14  }
0x24a: {  	[tilespmem:s13+$0x9570] =	vst v0  }
0x24b: {  	[tilespmem:s13+$0x9500] =	vst v0  }
0x24c: {  	[tilespmem:s13+$0x9510] =	vst v0  }
0x24d: {  	[tilespmem:s13+$0x9520] =	vst v0  }
0x24e: {  	[tilespmem:s13+$0x9530] =	vst v0  }
0x24f: {  	[tilespmem:s13+$0x9540] =	vst v0  }
0x250: {  	[tilespmem:s13+$0x9550] =	vst v0  }
0x251: {  	[tilespmem:s13+$0x9560] =	vst v0;
	s6 =	sadd.s32 $0x1E0, s12  }
0x252: {  	[tilespmem:s0], [sflag:$0x3] =	stream.indirect.gather.add.f32 [hbm:s5], $0x80, s6, s28, $0xb8;
	[tilespmem:$0xE500] =	vst v63  }
0x253: {  	s16 =	sadd.s32 $0x820, s12  }
0x254: {  	[tilespmem:s0], [sflag:$0x3] =	stream.indirect.gather.add.f32 [hbm:s5], $0x80, s16, s28, $0xb8;
	[tilespmem:$0xE500] =	vst v63  }
0x255: {  	s13 =	sadd.s32 $0xE60, s12  }
0x256: {  	[tilespmem:s0], [sflag:$0x3] =	stream.indirect.gather.add.f32 [hbm:s5], $0x80, s13, s28, $0xb8;
	[tilespmem:$0xE500] =	vst v63  }
0x257: {  	s14 =	sadd.s32 $0x14A0, s12  }
0x258: {  	[tilespmem:s0], [sflag:$0x3] =	stream.indirect.gather.add.f32 [hbm:s5], $0x80, s14, s28, $0xb8;
	[tilespmem:$0xE500] =	vst v63  }
0x259: {  	s15 =	sadd.s32 $0x1AE0, s12  }
0x25a: {  	[tilespmem:s0], [sflag:$0x3] =	stream.indirect.gather.add.f32 [hbm:s5], $0x80, s15, s28, $0xb8;
	[tilespmem:$0xE500] =	vst v63  }
0x25b: {  	s16 =	sadd.s32 $0x2120, s12  }
0x25c: {  	[tilespmem:s0], [sflag:$0x3] =	stream.indirect.gather.add.f32 [hbm:s5], $0x80, s16, s28, $0xb8;
	[tilespmem:$0xE500] =	vst v63  }
0x25d: {  	s13 =	sadd.s32 $0x2760, s12  }
0x25e: {  	[tilespmem:s0], [sflag:$0x3] =	stream.indirect.gather.add.f32 [hbm:s5], $0x80, s13, s28, $0xb8;
	[tilespmem:$0xE500] =	vst v63  }
0x25f: {  	s14 =	sadd.s32 $0x2DA0, s12  }
0x260: {  	[tilespmem:s0], [sflag:$0x3] =	stream.indirect.gather.add.f32 [hbm:s5], $0x80, s14, s28, $0xb8;
	[tilespmem:$0xE500] =	vst v63  }
0x261: {  	s15 =	sadd.s32 $0x33E0, s12  }
0x262: {  	[tilespmem:s0], [sflag:$0x3] =	stream.indirect.gather.add.f32 [hbm:s5], $0x80, s15, s28, $0xb8;
	[tilespmem:$0xE500] =	vst v63  }
0x263: {  	s16 =	sadd.s32 $0x3A20, s12  }
0x264: {  	[tilespmem:s0], [sflag:$0x3] =	stream.indirect.gather.add.f32 [hbm:s5], $0x80, s16, s28, $0xb8;
	[tilespmem:$0xE500] =	vst v63  }
.LBB2_30:
0x265: {  	_ =	swait.ge [sflag:s19], $0x2800  }
0x266: {  	[sflag:s19] =	ssyncset.done $0x0  }
0x267: {  	[sflag:s19] =	ssyncadd.s32 $0xFFFFD800  }
0x268: {  	_ =	swait.ge [sflag:s19], $0x2800  }
0x269: {  	[sflag:s19] =	ssyncset.done $0x0  }
0x26a: {  	[sflag:s19] =	ssyncadd.s32 $0xFFFFD800  }
0x26b: {  	_ =	swait.ge [sflag:s19], $0x2800  }
0x26c: {  	[sflag:s19] =	ssyncset.done $0x0  }
0x26d: {  	[sflag:s19] =	ssyncadd.s32 $0xFFFFD800  }
0x26e: {  	_ =	swait.ge [sflag:s19], $0x2800  }
0x26f: {  	[sflag:s19] =	ssyncset.done $0x0  }
0x270: {  	[sflag:s19] =	ssyncadd.s32 $0xFFFFD800  }
0x271: {  	_ =	swait.ge [sflag:s19], $0x2800  }
0x272: {  	[sflag:s19] =	ssyncset.done $0x0  }
0x273: {  	[sflag:s19] =	ssyncadd.s32 $0xFFFFD800  }
0x274: {  	_ =	swait.ge [sflag:s19], $0x2800  }
0x275: {  	[sflag:s19] =	ssyncset.done $0x0  }
0x276: {  	[sflag:s19] =	ssyncadd.s32 $0xFFFFD800  }
0x277: {  	_ =	swait.ge [sflag:s19], $0x2800  }
0x278: {  	[sflag:s19] =	ssyncset.done $0x0  }
0x279: {  	[sflag:s19] =	ssyncadd.s32 $0xFFFFD800  }
0x27a: {  	_ =	swait.ge [sflag:s19], $0x2800  }
0x27b: {  	[sflag:s19] =	ssyncset.done $0x0  }
0x27c: {  	[sflag:s19] =	ssyncadd.s32 $0xFFFFD800  }
0x27d: {  	_ =	swait.ge [sflag:s19], $0x2800  }
0x27e: {  	[sflag:s19] =	ssyncset.done $0x0  }
0x27f: {  	[sflag:s19] =	ssyncadd.s32 $0xFFFFD800  }
0x280: {  	s6 =	sadd.s32 $0x0, s9;
	_ =	swait.ge [sflag:s19], $0x2800  }
0x281: {  	v1 =	vmov s6;
	[sflag:s19] =	ssyncset.done $0x0  }
0x282: {  	s12 =	simm.s32 $0xBD40;
	[sflag:s19] =	ssyncadd.s32 $0xFFFFD800  }
0x283: {  	v5 =	vld [tilespmem:s12+$0x30]  }
0x284: {  	v8 =	vld [tilespmem:s12+$0x10]  }
0x285: {  	v6 =	vld [tilespmem:s12+$0xFFFFFFC0]  }
0x286: {  	v2 =	vld.idx.msk [tilespmem:v1+s1+$0x0], $0xffff  }
0x287: {  	v10 =	vld [tilespmem:s12+$0xFFFFFFE0]  }
0x288: {  	v1 =	vld [tilespmem:s12+$0xFFFFFFF0]  }
0x289: {  	v3 =	vld [tilespmem:s12+$0x20]  }
0x28a: {  	v4 =	vld [tilespmem:s12+$0xFFFFFFD0]  }
0x28b: {  	v9 =	vmul.f32 v5, v2;
	v5 =	vld [tilespmem:s12+$0x0]  }
0x28c: {  	v7 =	vmul.f32 v6, v2  }
0x28d: {  	s13 =	simm.s32 $0x1;
	s14 =	simm.s32 $0xBD40;
	v6 =	vmul.f32 v10, v2;
	v8 =	vmul.f32 v8, v2  }
.LBB2_31:
0x28e: {  	p0 =	sne.s32 s13, $0x4F  }
0x28f: {  	v4 =	vmul.f32 v4, v2;
	v3 =	vmul.f32 v3, v2;
	[tilespmem:s12+$0x30] =	vst v9;
	s14 =	sadd.s32 $0x80, s14;
	s6 =	smov.u32 s13;
	s13 =	sadd.s32 $0x1, s13  }
0x290: {  	[tilespmem:s12+$0xFFFFFFC0] =	vst v7;
	v7 =	vmul.f32 v1, v2;
	v2 =	vmul.f32 v5, v2  }
0x291: {  	s6 =	sadd.s32 s6, s9;
	[tilespmem:s12+$0x10] =	vst v8  }
0x292: {  	v5 =	vmov s6;
	[tilespmem:s12+$0xFFFFFFE0] =	vst v6  }
0x293: {  	v1 =	vld [tilespmem:s14+$0xFFFFFFF0];
	[tilespmem:s12+$0xFFFFFFF0] =	vst v7  }
0x294: {  	v6 =	vld [tilespmem:s14+$0x30];
	[tilespmem:s12+$0x0] =	vst v2  }
0x295: {  	v8 =	vld [tilespmem:s14+$0x10];
	[tilespmem:s12+$0x20] =	vst v3  }
0x296: {  	v7 =	vld [tilespmem:s14+$0xFFFFFFC0];
	[tilespmem:s12+$0xFFFFFFD0] =	vst v4;
	s12 =	smov.u32 s14  }
0x297: {  	v2 =	vld.idx.msk [tilespmem:v5+s1+$0x0], $0xffff  }
0x298: {  	v10 =	vld [tilespmem:s14+$0xFFFFFFE0]  }
0x299: {  	v3 =	vld [tilespmem:s14+$0x20]  }
.Ltmp14:
0x29a: {  	v4 =	vld [tilespmem:s14+$0xFFFFFFD0];
	(pc) =	sbr.rel @p0 .LBB2_31-.Ltmp14, $3  }
0x29b: {  	v5 =	vld [tilespmem:s14+$0x0];
	_ =	sdelay $0x1  }
0x29c: {  	v7 =	vmul.f32 v7, v2;
	v9 =	vmul.f32 v6, v2  }
0x29d: {  	v8 =	vmul.f32 v8, v2;
	v6 =	vmul.f32 v10, v2  }
0x29e: {  	[tilespmem:s12+$0x30] =	vst v9  }
0x29f: {  	[tilespmem:s12+$0xFFFFFFC0] =	vst v7  }
0x2a0: {  	v1 =	vmul.f32 v1, v2;
	s10 =	sadd.s32 $0x1, s10;
	[tilespmem:s12+$0x10] =	vst v8  }
0x2a1: {  	v3 =	vmul.f32 v3, v2;
	[tilespmem:s12+$0xFFFFFFE0] =	vst v6;
	p0 =	sne.s32 s10, $0x5  }
.Ltmp15:
0x2a2: {  	v5 =	vmul.f32 v5, v2;
	[tilespmem:s12+$0xFFFFFFF0] =	vst v1;
	(pc) =	sbr.rel @p0 .LBB2_10-.Ltmp15, $4  }
0x2a3: {  	s6 =	sadd.s32 s3, s11;
	v1 =	vmul.f32 v4, v2;
	[tilespmem:s12+$0x20] =	vst v3  }
0x2a4: {  	s7 =	sadd.s32 $0x140, s7;
	s25 =	sadd.s32 $0x140, s25;
	s6 =	sshll.u32 s6, $0x4;
	[tilespmem:s12+$0x0] =	vst v5  }
0x2a5: {  	s8 =	sadd.s32 $0x140, s8;
	s9 =	sadd.s32 $0x140, s9;
	s6 =	sadd.s32 s2, s6;
	[tilespmem:s12+$0xFFFFFFD0] =	vst v1  }
0x2a6: {  	[hbm4b:s6+s4] =	stream.linear.scatter [tilespmem:s21], [sflag:$0x8], $0x2800, $0x38;
	[tilespmem:$0xE500] =	vst v63  }
0x2a7: {  	_ =	swait.ge [sflag:s20], $0x2800  }
0x2a8: {  	[sflag:s20] =	ssyncset.done $0x0  }
0x2a9: {  	[sflag:s20] =	ssyncadd.s32 $0xFFFFD800  }
0x2aa: {  	_ =	swait.ge [sflag:s22], $0x2800  }
0x2ab: {  	[sflag:s22] =	ssyncset.done $0x0  }
0x2ac: {  	[sflag:s22] =	ssyncadd.s32 $0xFFFFD800  }
0x2ad: {  	_ =	swait.ge [sflag:s23], $0x2800  }
0x2ae: {  	[sflag:s23] =	ssyncset.done $0x0  }
0x2af: {  	s7 =	simm.s32 $0x8;
	[sflag:s23] =	ssyncadd.s32 $0xFFFFD800  }
0x2b0: {  	_ =	swait.ge [sflag:s7], $0x2800  }
0x2b1: {  	s24 =	sadd.s32 $0x1, s24;
	s6 =	rddreg [dreg:$0xd]  }
0x2b2: {  	p0 =	sne.s32 s24, s6  }
.Ltmp16:
0x2b3: {  	_ = 	snop;
	(pc) =	sbr.rel @p0 .LBB2_1-.Ltmp16, $4  }
0x2b4: {  	s9 =	simm.s32 $0x640  }
0x2b5: {  	s10 =	simm.s32 $0xC80;
	s11 =	simm.s32 $0x12C0;
	s12 =	simm.s32 $0x1900  }
0x2b6: {  	s13 =	simm.s32 $0x2580;
	s14 =	simm.s32 $0x2BC0;
	[sflag:s7] =	ssyncset.done $0x0  }
0x2b7: {  	s15 =	simm.s32 $0x3200;
	s16 =	simm.s32 $0x3840;
	[sflag:s7] =	ssyncadd.s32 $0xFFFFD800  }
0x2b8: {  	_ =	sfence.sel $0x180000  }
0x2b9: {  	[bflag:$0x0] =	sbarrier.arrive $0xFFFF  }
0x2ba: {  	_ =	strace $0x90000047  }
0x2bb: {  	s0 =	stileid.u32;
	[bflag:$0x2] =	sbarrier.arrive $0xFFFF  }
0x2bc: {  	p0 =	sne.s32 s0, $0x0;
	s0 =	rddreg [dreg:$0x2]  }
0x2bd: {  	s0 =	sadd.s32 @!p0 $0x100000, s0  }
0x2be: {  	[sflag:s0] =	ssyncadd.tile.s32 @!p0 $0x1;
	_ =	shalt  }
.Lfunc_end2:
_tile_overlayer_lowered:
.L_overlay_start_2:
0x2bf: {  	(tag) =	ssettag $0x2  }
0x2c0: {  	s0 =	rddreg [dreg:$0x0];
	s2 =	stileid.u32  }
0x2c1: {  	s1 =	rddreg [dreg:$0x1];
	p0 =	sne.s32 s2, $0x0  }
0x2c2: {  	s3 =	rddreg [dreg:$0x2];
	[bflag:$0x3] =	sbarrier.arrive $0xFFFF;
	s2 =	simm.s32 @!p0 $0x1C0A  }
0x2c3: {  	[timem:s3], [sflag:s2] =	dma.local @!p0 [hbm:s0], s1  }
0x2c4: {  	s0 =	simm.s32 @!p0 $0xA  }
0x2c5: {  	_ =	swait.ge @!p0 [sflag:s0], s1  }
0x2c6: {  	s1 =	ssub.s32 @!p0 $0x0, s1;
	[sflag:s0] =	ssyncset.done @!p0 $0x0  }
0x2c7: {  	[sflag:s0] =	ssyncadd.s32 @!p0 s1  }
0x2c8: {  	[bflag:$0x3] =	sbarrier.arrive $0xFFFF  }
0x2c9: {  	_ =	shalt  }

</sc_bundles>
